<compile_context>
chip_gen: v7x
topology: tpu7x:2x2x1
jax: 0.10.2.dev20260603
libtpu: 0.0.44.dev20260713+nightly
codegen_flags: <defaults>
</compile_context>

<pallas_src>
import functools

import jax
import jax.numpy as jnp
import numpy as np
from jax import lax
from jax.experimental import pallas as pl
from jax.experimental.pallas import tpu as pltpu
from jax.experimental.pallas import tpu_sc as plsc

_DIMS = (119, 5, 12, 12, 10, 6, 6, 2, 2)
_OFFS = tuple(int(o) for o in np.cumsum((0,) + _DIMS))
_F = _OFFS[-1]
_FP = 256
_TROWS = 176
_EMB = 128
_N = 100000
_BM = 5000

_NW = 32
_RPW = 3136
_CH = 32


def _idx_body(x_ref, idxw_ref, o_ref):
    xb = x_ref[...]
    parts = [
        jnp.broadcast_to(jnp.max(xb[:, o:o + d], axis=1, keepdims=True),
                         (_BM, d))
        for o, d in zip(_OFFS[:-1], _DIMS)
    ]
    mxmap = jnp.concatenate(parts, axis=1)
    eq = (xb == mxmap)
    ohb = jnp.concatenate(
        [eq.astype(jnp.bfloat16), jnp.zeros((_BM, _FP - _F), jnp.bfloat16)],
        axis=1)
    idxf = jax.lax.dot_general(ohb, idxw_ref[...], (((1,), (0,)), ((), ())),
                               preferred_element_type=jnp.float32)
    o_ref[...] = jnp.minimum(idxf[:, :9], float(_TROWS - 1)).astype(jnp.int32)


def _sc_lookup(gidx_flat, tbl):
    mesh = plsc.VectorSubcoreMesh(core_axis_name="c", subcore_axis_name="s")

    @functools.partial(
        pl.kernel, mesh=mesh,
        out_type=jax.ShapeDtypeStruct((_N, _EMB), jnp.float32),
        scratch_types=[
            pltpu.VMEM((_RPW * 9,), jnp.int32),
            pltpu.VMEM((_CH * 9, _EMB), jnp.float32),
            pltpu.VMEM((_CH * 9, _EMB), jnp.float32),
            pltpu.VMEM((_CH, _EMB), jnp.float32),
            pltpu.SemaphoreType.DMA,
            pltpu.SemaphoreType.DMA,
        ],
    )
    def k(gidx_hbm, tbl_hbm, out_hbm, idx_v, rows0_v, rows1_v, out_v,
          sem0, sem1):
        wid = lax.axis_index("s") * 2 + lax.axis_index("c")
        base = wid * _RPW
        nch = jnp.where(wid < _NW - 1, _RPW // _CH,
                        (_N - (_NW - 1) * _RPW) // _CH)

        pltpu.sync_copy(gidx_hbm.at[pl.ds(9 * base, 9 * _RPW)], idx_v)

        def start(kk, rows_v, sem):
            idx_sl = idx_v.at[pl.ds(9 * _CH * kk, 9 * _CH)]
            pltpu.async_copy(tbl_hbm.at[idx_sl], rows_v, sem)

        def finish(kk, rows_v, sem):
            idx_sl = idx_v.at[pl.ds(9 * _CH * kk, 9 * _CH)]
            pltpu.make_async_copy(tbl_hbm.at[idx_sl], rows_v, sem).wait()

            def row(r, carry):
                for c in range(_EMB // 16):
                    acc = rows_v[9 * r, pl.ds(16 * c, 16)]
                    for j in range(1, 9):
                        acc = acc + rows_v[9 * r + j, pl.ds(16 * c, 16)]
                    out_v[r, pl.ds(16 * c, 16)] = acc
                return carry

            lax.fori_loop(0, _CH, row, 0)
            pltpu.sync_copy(out_v, out_hbm.at[pl.ds(base + _CH * kk, _CH)])

        start(0, rows0_v, sem0)

        def chunk(kk, carry):
            even = (kk % 2) == 0

            @pl.when(jnp.logical_and(kk + 1 < nch, even))
            def _():
                start(kk + 1, rows1_v, sem1)

            @pl.when(jnp.logical_and(kk + 1 < nch, jnp.logical_not(even)))
            def _():
                start(kk + 1, rows0_v, sem0)

            @pl.when(even)
            def _():
                finish(kk, rows0_v, sem0)

            @pl.when(jnp.logical_not(even))
            def _():
                finish(kk, rows1_v, sem1)

            return carry

        lax.fori_loop(0, nch, chunk, 0)

    return k(gidx_flat, tbl)


@jax.jit
def kernel(x, W0, W1, W2, W3, W4, W5, W6, W7, W8):
    tbl = jnp.concatenate([W0, W1, W2, W3, W4, W5, W6, W7, W8], axis=0)
    tbl = jnp.pad(tbl, ((0, _TROWS - _F), (0, 0)))

    idxw = np.zeros((_FP, _EMB), np.float32)
    for g, (o, d) in enumerate(zip(_OFFS[:-1], _DIMS)):
        idxw[o:o + d, g] = np.arange(o, o + d, dtype=np.float32)
    idxw = jnp.asarray(idxw, dtype=jnp.bfloat16)

    gidx = pl.pallas_call(
        _idx_body,
        grid=(_N // _BM,),
        in_specs=[
            pl.BlockSpec((_BM, _F), lambda i: (i, 0)),
            pl.BlockSpec((_FP, _EMB), lambda i: (0, 0)),
        ],
        out_specs=pl.BlockSpec((_BM, 9), lambda i: (i, 0)),
        out_shape=jax.ShapeDtypeStruct((_N, 9), jnp.int32),
    )(x, idxw)

    gidx_flat = jnp.pad(gidx.reshape(_N * 9), (0, _NW * _RPW * 9 - _N * 9))
    return _sc_lookup(gidx_flat, tbl)

# --- scband reference (transcript-rebuilt; emitter-appended) ---
"""Pipeline reference for scband-atom-encoder-54382875902270 (READ-ONLY COPY).

The authoritative reference and input builder live on the scoring server;
editing this copy changes nothing except your own understanding.
"""

import jax, jax.numpy as jnp
import numpy as np

FULL_ATOM_FEATURE_DIMS = [119, 5, 12, 12, 10, 6, 6, 2, 2]
EMB_DIM = 128
N = 100000


def setup_inputs(seed: int = 0) -> dict:
    key = jax.random.key(seed)
    ks = jax.random.split(key, 1 + len(FULL_ATOM_FEATURE_DIMS))
    x = jax.random.normal(ks[0], (N, sum(FULL_ATOM_FEATURE_DIMS)), dtype=jnp.float32)
    inp = {"x": x}
    for i, dim in enumerate(FULL_ATOM_FEATURE_DIMS):
        # xavier_uniform for Embedding(dim, emb_dim): bound = sqrt(6/(dim+emb_dim))
        bound = float(np.sqrt(6.0 / (dim + EMB_DIM)))
        inp[f"W{i}"] = jax.random.uniform(ks[1 + i], (dim, EMB_DIM), dtype=jnp.float32, minval=-bound, maxval=bound)
    return inp


def reference(x, W0, W1, W2, W3, W4, W5, W6, W7, W8):
    tables = [W0, W1, W2, W3, W4, W5, W6, W7, W8]
    atom_embedding = jnp.zeros((x.shape[0], EMB_DIM), dtype=x.dtype)
    start_idx = 0
    for i, dim in enumerate(FULL_ATOM_FEATURE_DIMS):
        feat = x[:, start_idx:start_idx + dim]
        feat_idx = jnp.argmax(feat, axis=1)
        atom_embedding = atom_embedding + jnp.take(tables[i], feat_idx, axis=0)
        start_idx += dim
    return atom_embedding

if __name__ == "__main__":
    import jax
    _d = setup_inputs()
    print(jax.jit(kernel)(*tuple(_d.values())))

</pallas_src>

<mosaic_0001>
#map = affine_map<(d0, d1) -> (0)>
#map1 = affine_map<(d0, d1) -> (0, 0)>
module attributes {stable_mosaic.version = 14 : i64} {
  func.func @k(%arg0: i32, %arg1: i32, %arg2: memref<903168xi32, #tpu.memory_space<hbm>>, %arg3: memref<176x128xf32, #tpu.memory_space<hbm>>, %arg4: memref<100000x128xf32, #tpu.memory_space<hbm>>, %arg5: memref<28224xi32, #tpu.memory_space<vmem>>, %arg6: memref<288x128xf32, #tpu.memory_space<vmem>>, %arg7: memref<288x128xf32, #tpu.memory_space<vmem>>, %arg8: memref<32x128xf32, #tpu.memory_space<vmem>>, %arg9: memref<!tpu.dma_semaphore, #tpu.memory_space<semaphore_mem>>, %arg10: memref<!tpu.dma_semaphore, #tpu.memory_space<semaphore_mem>>) attributes {dimension_semantics = [#tpu.dimension_semantics<core_parallel>, #tpu.dimension_semantics<subcore_parallel>], iteration_bounds = array<i64: 2, 16>, scalar_prefetch = 0 : i64, scratch_operands = 6 : i64, tpu.core_type = #tpu.core_type<sc_vector_subcore>, window_params = [{transform_indices = #map}, {transform_indices = #map1}, {transform_indices = #map1}]} {
    %mul3A = arith.constant 2 : i32
    %mul3A_0 = arith.muli %arg1, %mul3A : i32
    %add3A = arith.addi %mul3A_0, %arg0 : i32
    %mul3A_1 = arith.constant 3136 : i32
    %mul3A_2 = arith.muli %add3A, %mul3A_1 : i32
    %lt3A = arith.constant 31 : i32
    %lt3A_3 = arith.cmpi slt, %add3A, %lt3A : i32
    %jit3A = arith.constant 98 : i32
    %jit3A_4 = arith.constant 87 : i32
    %select_n3A = arith.select %lt3A_3, %jit3A, %jit3A_4 : i32
    %mul3A_5 = arith.constant 9 : i32
    %mul3A_6 = arith.muli %mul3A_5, %mul3A_2 : i32
    "tpu.region"() ({
      %run_scoped3A = tpu.sem_alloc : memref<!tpu.dma_semaphore, #tpu.memory_space<semaphore_mem>>
      %dma_start3A_20 = tpu.memref_slice %arg2[%mul3A_6] : memref<903168xi32, #tpu.memory_space<hbm>> -> memref<28224xi32, #tpu.memory_space<hbm>>
      %dma_start3A_21 = tpu.memref_slice %arg2[%mul3A_6] : memref<903168xi32, #tpu.memory_space<hbm>> -> memref<28224xi32, #tpu.memory_space<hbm>>
      tpu.enqueue_dma source(%dma_start3A_21 : memref<28224xi32, #tpu.memory_space<hbm>>) target(%arg5 : memref<28224xi32, #tpu.memory_space<vmem>>) target_semaphore(%run_scoped3A : memref<!tpu.dma_semaphore, #tpu.memory_space<semaphore_mem>>)
      %dma_wait3A = tpu.memref_slice %arg2[%mul3A_6] : memref<903168xi32, #tpu.memory_space<hbm>> -> memref<28224xi32, #tpu.memory_space<hbm>>
      %dma_wait3A_22 = tpu.memref_slice %arg2[%mul3A_6] : memref<903168xi32, #tpu.memory_space<hbm>> -> memref<28224xi32, #tpu.memory_space<hbm>>
      tpu.wait_dma2 semaphore(%run_scoped3A : memref<!tpu.dma_semaphore, #tpu.memory_space<semaphore_mem>>) src(%dma_wait3A_22 : memref<28224xi32, #tpu.memory_space<hbm>>) dst(%arg5 : memref<28224xi32, #tpu.memory_space<vmem>>)
      tpu.yield
    }) : () -> ()
    %dma_start3A = arith.constant 0 : i32
    %dma_start3A_7 = tpu.memref_slice %arg5[%dma_start3A] : memref<28224xi32, #tpu.memory_space<vmem>> -> memref<288xi32, #tpu.memory_space<vmem>>
    %dma_start3A_8 = arith.constant 0 : i32
    %dma_start3A_9 = arith.constant 0 : i32
    %dma_start3A_10 = tpu.memref_slice %arg3[%dma_start3A_8, %dma_start3A_9] : memref<176x128xf32, #tpu.memory_space<hbm>> -> memref<176x128xf32, #tpu.memory_space<hbm>>
    tpu.enqueue_indirect_dma source(%dma_start3A_10 : memref<176x128xf32, #tpu.memory_space<hbm>>) target(%arg6 : memref<288x128xf32, #tpu.memory_space<vmem>>) offsets(%dma_start3A_7 : memref<288xi32, #tpu.memory_space<vmem>>) semaphore(%arg9 : memref<!tpu.dma_semaphore, #tpu.memory_space<semaphore_mem>>)
    %while3A = arith.constant 0 : i32
    %while3A_11 = arith.constant 0 : i32
    %while3A_12 = arith.subi %select_n3A, %while3A_11 : i32
    %while3A_13 = arith.addi %while3A_11, %while3A_12 : i32
    %while3A_14 = arith.constant 1 : i32
    %while3A_15 = arith.divsi %while3A_12, %while3A_14 : i32
    %while3A_16 = arith.muli %while3A_15, %while3A_14 : i32
    %while3A_17 = arith.addi %while3A_11, %while3A_16 : i32
    %while3A_18 = arith.constant 1 : i32
    scf.for %while3A_20 = %while3A_11 to %while3A_17 step %while3A_18  : i32 {
      %jit3A_21 = arith.constant 2 : i32
      %eq3A = arith.constant 0 : i32
      %eq3A_22 = arith.cmpi eq, %jit3A_21, %eq3A : i32
      %jit3A_23 = arith.constant 1 : i32
      %select_n3A_24 = arith.select %eq3A_22, %jit3A_23, %jit3A_21 : i32
      %rem3A = arith.remsi %while3A_20, %select_n3A_24 : i32
      %ne3A = arith.constant 0 : i32
      %ne3A_25 = arith.cmpi ne, %rem3A, %ne3A : i32
      %lt3A_26 = arith.constant 0 : i32
      %lt3A_27 = arith.cmpi slt, %rem3A, %lt3A_26 : i32
      %lt3A_28 = arith.constant 0 : i32
      %lt3A_29 = arith.cmpi slt, %select_n3A_24, %lt3A_28 : i32
      %ne3A_30 = arith.xori %lt3A_27, %lt3A_29 : i1
      %and3A = arith.andi %ne3A_30, %ne3A_25 : i1
      %add3A_31 = arith.addi %rem3A, %select_n3A_24 : i32
      %select_n3A_32 = arith.select %and3A, %add3A_31, %rem3A : i32
      %eq3A_33 = arith.constant 0 : i32
      %eq3A_34 = arith.cmpi eq, %select_n3A_32, %eq3A_33 : i32
      %add3A_35 = arith.constant 1 : i32
      %add3A_36 = arith.addi %while3A_20, %add3A_35 : i32
      %lt3A_37 = arith.cmpi slt, %add3A_36, %select_n3A : i32
      %and3A_38 = arith.andi %lt3A_37, %eq3A_34 : i1
      %convert_element_type3A = arith.extui %and3A_38 : i1 to i32
      %cond3A = arith.constant 0 : i32
      %cond3A_39 = arith.cmpi ne, %convert_element_type3A, %cond3A : i32
      scf.if %cond3A_39 {
        %add3A_56 = arith.constant 1 : i32
        %add3A_57 = arith.addi %while3A_20, %add3A_56 : i32
        %mul3A_58 = arith.constant 288 : i32
        %mul3A_59 = arith.muli %mul3A_58, %add3A_57 : i32
        %dma_start3A_60 = tpu.memref_slice %arg5[%mul3A_59] : memref<28224xi32, #tpu.memory_space<vmem>> -> memref<288xi32, #tpu.memory_space<vmem>>
        %dma_start3A_61 = arith.constant 0 : i32
        %dma_start3A_62 = arith.constant 0 : i32
        %dma_start3A_63 = tpu.memref_slice %arg3[%dma_start3A_61, %dma_start3A_62] : memref<176x128xf32, #tpu.memory_space<hbm>> -> memref<176x128xf32, #tpu.memory_space<hbm>>
        tpu.enqueue_indirect_dma source(%dma_start3A_63 : memref<176x128xf32, #tpu.memory_space<hbm>>) target(%arg7 : memref<288x128xf32, #tpu.memory_space<vmem>>) offsets(%dma_start3A_60 : memref<288xi32, #tpu.memory_space<vmem>>) semaphore(%arg10 : memref<!tpu.dma_semaphore, #tpu.memory_space<semaphore_mem>>)
      } else {
      }
      %add3A_40 = arith.constant 1 : i32
      %add3A_41 = arith.addi %while3A_20, %add3A_40 : i32
      %lt3A_42 = arith.cmpi slt, %add3A_41, %select_n3A : i32
      %not3A = arith.constant true
      %not3A_43 = arith.xori %eq3A_34, %not3A : i1
      %and3A_44 = arith.andi %lt3A_42, %not3A_43 : i1
      %convert_element_type3A_45 = arith.extui %and3A_44 : i1 to i32
      %cond3A_46 = arith.constant 0 : i32
      %cond3A_47 = arith.cmpi ne, %convert_element_type3A_45, %cond3A_46 : i32
      scf.if %cond3A_47 {
        %add3A_56 = arith.constant 1 : i32
        %add3A_57 = arith.addi %while3A_20, %add3A_56 : i32
        %mul3A_58 = arith.constant 288 : i32
        %mul3A_59 = arith.muli %mul3A_58, %add3A_57 : i32
        %dma_start3A_60 = tpu.memref_slice %arg5[%mul3A_59] : memref<28224xi32, #tpu.memory_space<vmem>> -> memref<288xi32, #tpu.memory_space<vmem>>
        %dma_start3A_61 = arith.constant 0 : i32
        %dma_start3A_62 = arith.constant 0 : i32
        %dma_start3A_63 = tpu.memref_slice %arg3[%dma_start3A_61, %dma_start3A_62] : memref<176x128xf32, #tpu.memory_space<hbm>> -> memref<176x128xf32, #tpu.memory_space<hbm>>
        tpu.enqueue_indirect_dma source(%dma_start3A_63 : memref<176x128xf32, #tpu.memory_space<hbm>>) target(%arg6 : memref<288x128xf32, #tpu.memory_space<vmem>>) offsets(%dma_start3A_60 : memref<288xi32, #tpu.memory_space<vmem>>) semaphore(%arg9 : memref<!tpu.dma_semaphore, #tpu.memory_space<semaphore_mem>>)
      } else {
      }
      %convert_element_type3A_48 = arith.extui %eq3A_34 : i1 to i32
      %cond3A_49 = arith.constant 0 : i32
      %cond3A_50 = arith.cmpi ne, %convert_element_type3A_48, %cond3A_49 : i32
      scf.if %cond3A_50 {
        %mul3A_56 = arith.constant 288 : i32
        %mul3A_57 = arith.muli %mul3A_56, %while3A_20 : i32
        %dma_wait3A = tpu.memref_slice %arg5[%mul3A_57] : memref<28224xi32, #tpu.memory_space<vmem>> -> memref<288xi32, #tpu.memory_space<vmem>>
        %dma_wait3A_58 = arith.constant 0 : i32
        %dma_wait3A_59 = arith.constant 0 : i32
        %dma_wait3A_60 = tpu.memref_slice %arg3[%dma_wait3A_58, %dma_wait3A_59] : memref<176x128xf32, #tpu.memory_space<hbm>> -> memref<176x128xf32, #tpu.memory_space<hbm>>
        tpu.wait_indirect_dma semaphore(%arg9 : memref<!tpu.dma_semaphore, #tpu.memory_space<semaphore_mem>>) src(%dma_wait3A_60 : memref<176x128xf32, #tpu.memory_space<hbm>>) dst(%arg6 : memref<288x128xf32, #tpu.memory_space<vmem>>)
        %scan3A = arith.constant 0 : i32
        %scan3A_61 = arith.constant 0 : i32
        %scan3A_62 = arith.constant 32 : i32
        %scan3A_63 = arith.addi %scan3A_61, %scan3A_62 : i32
        %scan3A_64 = arith.constant 1 : i32
        scf.for %scan3A_69 = %scan3A_61 to %scan3A_63 step %scan3A_64  : i32 {
          %mul3A_70 = arith.constant 9 : i32
          %mul3A_71 = arith.muli %mul3A_70, %scan3A_69 : i32
          %get3A = arith.index_cast %mul3A_71 : i32 to index
          %get3A_72 = arith.constant 0 : index
          %get3A_73 = tpu.vector_load %arg6[%get3A, %get3A_72] {strides = array<i32>} : memref<288x128xf32, #tpu.memory_space<vmem>>, vector<1x16xf32>,
          %get3A_74 = vector.shape_cast %get3A_73 : vector<1x16xf32> to vector<16xf32>
          %mul3A_75 = arith.constant 9 : i32
          %mul3A_76 = arith.muli %mul3A_75, %scan3A_69 : i32
          %add3A_77 = arith.constant 1 : i32
          %add3A_78 = arith.addi %mul3A_76, %add3A_77 : i32
          %get3A_79 = arith.index_cast %add3A_78 : i32 to index
          %get3A_80 = arith.constant 0 : index
          %get3A_81 = tpu.vector_load %arg6[%get3A_79, %get3A_80] {strides = array<i32>} : memref<288x128xf32, #tpu.memory_space<vmem>>, vector<1x16xf32>,
          %get3A_82 = vector.shape_cast %get3A_81 : vector<1x16xf32> to vector<16xf32>
          %add3A_83 = arith.addf %get3A_74, %get3A_82 : vector<16xf32>
          %mul3A_84 = arith.constant 9 : i32
          %mul3A_85 = arith.muli %mul3A_84, %scan3A_69 : i32
          %add3A_86 = arith.constant 2 : i32
          %add3A_87 = arith.addi %mul3A_85, %add3A_86 : i32
          %get3A_88 = arith.index_cast %add3A_87 : i32 to index
          %get3A_89 = arith.constant 0 : index
          %get3A_90 = tpu.vector_load %arg6[%get3A_88, %get3A_89] {strides = array<i32>} : memref<288x128xf32, #tpu.memory_space<vmem>>, vector<1x16xf32>,
          %get3A_91 = vector.shape_cast %get3A_90 : vector<1x16xf32> to vector<16xf32>
          %add3A_92 = arith.addf %add3A_83, %get3A_91 : vector<16xf32>
          %mul3A_93 = arith.constant 9 : i32
          %mul3A_94 = arith.muli %mul3A_93, %scan3A_69 : i32
          %add3A_95 = arith.constant 3 : i32
          %add3A_96 = arith.addi %mul3A_94, %add3A_95 : i32
          %get3A_97 = arith.index_cast %add3A_96 : i32 to index
          %get3A_98 = arith.constant 0 : index
          %get3A_99 = tpu.vector_load %arg6[%get3A_97, %get3A_98] {strides = array<i32>} : memref<288x128xf32, #tpu.memory_space<vmem>>, vector<1x16xf32>,
          %get3A_100 = vector.shape_cast %get3A_99 : vector<1x16xf32> to vector<16xf32>
          %add3A_101 = arith.addf %add3A_92, %get3A_100 : vector<16xf32>
          %mul3A_102 = arith.constant 9 : i32
          %mul3A_103 = arith.muli %mul3A_102, %scan3A_69 : i32
          %add3A_104 = arith.constant 4 : i32
          %add3A_105 = arith.addi %mul3A_103, %add3A_104 : i32
          %get3A_106 = arith.index_cast %add3A_105 : i32 to index
          %get3A_107 = arith.constant 0 : index
          %get3A_108 = tpu.vector_load %arg6[%get3A_106, %get3A_107] {strides = array<i32>} : memref<288x128xf32, #tpu.memory_space<vmem>>, vector<1x16xf32>,
          %get3A_109 = vector.shape_cast %get3A_108 : vector<1x16xf32> to vector<16xf32>
          %add3A_110 = arith.addf %add3A_101, %get3A_109 : vector<16xf32>
          %mul3A_111 = arith.constant 9 : i32
          %mul3A_112 = arith.muli %mul3A_111, %scan3A_69 : i32
          %add3A_113 = arith.constant 5 : i32
          %add3A_114 = arith.addi %mul3A_112, %add3A_113 : i32
          %get3A_115 = arith.index_cast %add3A_114 : i32 to index
          %get3A_116 = arith.constant 0 : index
          %get3A_117 = tpu.vector_load %arg6[%get3A_115, %get3A_116] {strides = array<i32>} : memref<288x128xf32, #tpu.memory_space<vmem>>, vector<1x16xf32>,
          %get3A_118 = vector.shape_cast %get3A_117 : vector<1x16xf32> to vector<16xf32>
          %add3A_119 = arith.addf %add3A_110, %get3A_118 : vector<16xf32>
          %mul3A_120 = arith.constant 9 : i32
          %mul3A_121 = arith.muli %mul3A_120, %scan3A_69 : i32
          %add3A_122 = arith.constant 6 : i32
          %add3A_123 = arith.addi %mul3A_121, %add3A_122 : i32
          %get3A_124 = arith.index_cast %add3A_123 : i32 to index
          %get3A_125 = arith.constant 0 : index
          %get3A_126 = tpu.vector_load %arg6[%get3A_124, %get3A_125] {strides = array<i32>} : memref<288x128xf32, #tpu.memory_space<vmem>>, vector<1x16xf32>,
          %get3A_127 = vector.shape_cast %get3A_126 : vector<1x16xf32> to vector<16xf32>
          %add3A_128 = arith.addf %add3A_119, %get3A_127 : vector<16xf32>
          %mul3A_129 = arith.constant 9 : i32
          %mul3A_130 = arith.muli %mul3A_129, %scan3A_69 : i32
          %add3A_131 = arith.constant 7 : i32
          %add3A_132 = arith.addi %mul3A_130, %add3A_131 : i32
          %get3A_133 = arith.index_cast %add3A_132 : i32 to index
          %get3A_134 = arith.constant 0 : index
          %get3A_135 = tpu.vector_load %arg6[%get3A_133, %get3A_134] {strides = array<i32>} : memref<288x128xf32, #tpu.memory_space<vmem>>, vector<1x16xf32>,
          %get3A_136 = vector.shape_cast %get3A_135 : vector<1x16xf32> to vector<16xf32>
          %add3A_137 = arith.addf %add3A_128, %get3A_136 : vector<16xf32>
          %mul3A_138 = arith.constant 9 : i32
          %mul3A_139 = arith.muli %mul3A_138, %scan3A_69 : i32
          %add3A_140 = arith.constant 8 : i32
          %add3A_141 = arith.addi %mul3A_139, %add3A_140 : i32
          %get3A_142 = arith.index_cast %add3A_141 : i32 to index
          %get3A_143 = arith.constant 0 : index
          %get3A_144 = tpu.vector_load %arg6[%get3A_142, %get3A_143] {strides = array<i32>} : memref<288x128xf32, #tpu.memory_space<vmem>>, vector<1x16xf32>,
          %get3A_145 = vector.shape_cast %get3A_144 : vector<1x16xf32> to vector<16xf32>
          %add3A_146 = arith.addf %add3A_137, %get3A_145 : vector<16xf32>
          %swap3A = arith.index_cast %scan3A_69 : i32 to index
          %swap3A_147 = arith.constant 0 : index
          %swap3A_148 = tpu.vector_load %arg8[%swap3A, %swap3A_147] {strides = array<i32>} : memref<32x128xf32, #tpu.memory_space<vmem>>, vector<1x16xf32>,
          %swap3A_149 = vector.shape_cast %swap3A_148 : vector<1x16xf32> to vector<16xf32>
          %swap3A_150 = vector.shape_cast %add3A_146 : vector<16xf32> to vector<1x16xf32>
          tpu.vector_store %arg8[%swap3A, %swap3A_147], %swap3A_150 {strides = array<i32>} : memref<32x128xf32, #tpu.memory_space<vmem>>, vector<1x16xf32>,
          %mul3A_151 = arith.constant 9 : i32
          %mul3A_152 = arith.muli %mul3A_151, %scan3A_69 : i32
          %get3A_153 = arith.index_cast %mul3A_152 : i32 to index
          %get3A_154 = arith.constant 16 : index
          %get3A_155 = tpu.vector_load %arg6[%get3A_153, %get3A_154] {strides = array<i32>} : memref<288x128xf32, #tpu.memory_space<vmem>>, vector<1x16xf32>,
          %get3A_156 = vector.shape_cast %get3A_155 : vector<1x16xf32> to vector<16xf32>
          %mul3A_157 = arith.constant 9 : i32
          %mul3A_158 = arith.muli %mul3A_157, %scan3A_69 : i32
          %add3A_159 = arith.constant 1 : i32
          %add3A_160 = arith.addi %mul3A_158, %add3A_159 : i32
          %get3A_161 = arith.index_cast %add3A_160 : i32 to index
          %get3A_162 = arith.constant 16 : index
          %get3A_163 = tpu.vector_load %arg6[%get3A_161, %get3A_162] {strides = array<i32>} : memref<288x128xf32, #tpu.memory_space<vmem>>, vector<1x16xf32>,
          %get3A_164 = vector.shape_cast %get3A_163 : vector<1x16xf32> to vector<16xf32>
          %add3A_165 = arith.addf %get3A_156, %get3A_164 : vector<16xf32>
          %mul3A_166 = arith.constant 9 : i32
          %mul3A_167 = arith.muli %mul3A_166, %scan3A_69 : i32
          %add3A_168 = arith.constant 2 : i32
          %add3A_169 = arith.addi %mul3A_167, %add3A_168 : i32
          %get3A_170 = arith.index_cast %add3A_169 : i32 to index
          %get3A_171 = arith.constant 16 : index
          %get3A_172 = tpu.vector_load %arg6[%get3A_170, %get3A_171] {strides = array<i32>} : memref<288x128xf32, #tpu.memory_space<vmem>>, vector<1x16xf32>,
          %get3A_173 = vector.shape_cast %get3A_172 : vector<1x16xf32> to vector<16xf32>
          %add3A_174 = arith.addf %add3A_165, %get3A_173 : vector<16xf32>
          %mul3A_175 = arith.constant 9 : i32
          %mul3A_176 = arith.muli %mul3A_175, %scan3A_69 : i32
          %add3A_177 = arith.constant 3 : i32
          %add3A_178 = arith.addi %mul3A_176, %add3A_177 : i32
          %get3A_179 = arith.index_cast %add3A_178 : i32 to index
          %get3A_180 = arith.constant 16 : index
          %get3A_181 = tpu.vector_load %arg6[%get3A_179, %get3A_180] {strides = array<i32>} : memref<288x128xf32, #tpu.memory_space<vmem>>, vector<1x16xf32>,
          %get3A_182 = vector.shape_cast %get3A_181 : vector<1x16xf32> to vector<16xf32>
          %add3A_183 = arith.addf %add3A_174, %get3A_182 : vector<16xf32>
          %mul3A_184 = arith.constant 9 : i32
          %mul3A_185 = arith.muli %mul3A_184, %scan3A_69 : i32
          %add3A_186 = arith.constant 4 : i32
          %add3A_187 = arith.addi %mul3A_185, %add3A_186 : i32
          %get3A_188 = arith.index_cast %add3A_187 : i32 to index
          %get3A_189 = arith.constant 16 : index
          %get3A_190 = tpu.vector_load %arg6[%get3A_188, %get3A_189] {strides = array<i32>} : memref<288x128xf32, #tpu.memory_space<vmem>>, vector<1x16xf32>,
          %get3A_191 = vector.shape_cast %get3A_190 : vector<1x16xf32> to vector<16xf32>
          %add3A_192 = arith.addf %add3A_183, %get3A_191 : vector<16xf32>
          %mul3A_193 = arith.constant 9 : i32
          %mul3A_194 = arith.muli %mul3A_193, %scan3A_69 : i32
          %add3A_195 = arith.constant 5 : i32
          %add3A_196 = arith.addi %mul3A_194, %add3A_195 : i32
          %get3A_197 = arith.index_cast %add3A_196 : i32 to index
          %get3A_198 = arith.constant 16 : index
          %get3A_199 = tpu.vector_load %arg6[%get3A_197, %get3A_198] {strides = array<i32>} : memref<288x128xf32, #tpu.memory_space<vmem>>, vector<1x16xf32>,
          %get3A_200 = vector.shape_cast %get3A_199 : vector<1x16xf32> to vector<16xf32>
          %add3A_201 = arith.addf %add3A_192, %get3A_200 : vector<16xf32>
          %mul3A_202 = arith.constant 9 : i32
          %mul3A_203 = arith.muli %mul3A_202, %scan3A_69 : i32
          %add3A_204 = arith.constant 6 : i32
          %add3A_205 = arith.addi %mul3A_203, %add3A_204 : i32
          %get3A_206 = arith.index_cast %add3A_205 : i32 to index
          %get3A_207 = arith.constant 16 : index
          %get3A_208 = tpu.vector_load %arg6[%get3A_206, %get3A_207] {strides = array<i32>} : memref<288x128xf32, #tpu.memory_space<vmem>>, vector<1x16xf32>,
          %get3A_209 = vector.shape_cast %get3A_208 : vector<1x16xf32> to vector<16xf32>
          %add3A_210 = arith.addf %add3A_201, %get3A_209 : vector<16xf32>
          %mul3A_211 = arith.constant 9 : i32
          %mul3A_212 = arith.muli %mul3A_211, %scan3A_69 : i32
          %add3A_213 = arith.constant 7 : i32
          %add3A_214 = arith.addi %mul3A_212, %add3A_213 : i32
          %get3A_215 = arith.index_cast %add3A_214 : i32 to index
          %get3A_216 = arith.constant 16 : index
          %get3A_217 = tpu.vector_load %arg6[%get3A_215, %get3A_216] {strides = array<i32>} : memref<288x128xf32, #tpu.memory_space<vmem>>, vector<1x16xf32>,
          %get3A_218 = vector.shape_cast %get3A_217 : vector<1x16xf32> to vector<16xf32>
          %add3A_219 = arith.addf %add3A_210, %get3A_218 : vector<16xf32>
          %mul3A_220 = arith.constant 9 : i32
          %mul3A_221 = arith.muli %mul3A_220, %scan3A_69 : i32
          %add3A_222 = arith.constant 8 : i32
          %add3A_223 = arith.addi %mul3A_221, %add3A_222 : i32
          %get3A_224 = arith.index_cast %add3A_223 : i32 to index
          %get3A_225 = arith.constant 16 : index
          %get3A_226 = tpu.vector_load %arg6[%get3A_224, %get3A_225] {strides = array<i32>} : memref<288x128xf32, #tpu.memory_space<vmem>>, vector<1x16xf32>,
          %get3A_227 = vector.shape_cast %get3A_226 : vector<1x16xf32> to vector<16xf32>
          %add3A_228 = arith.addf %add3A_219, %get3A_227 : vector<16xf32>
          %swap3A_229 = arith.index_cast %scan3A_69 : i32 to index
          %swap3A_230 = arith.constant 16 : index
          %swap3A_231 = tpu.vector_load %arg8[%swap3A_229, %swap3A_230] {strides = array<i32>} : memref<32x128xf32, #tpu.memory_space<vmem>>, vector<1x16xf32>,
          %swap3A_232 = vector.shape_cast %swap3A_231 : vector<1x16xf32> to vector<16xf32>
          %swap3A_233 = vector.shape_cast %add3A_228 : vector<16xf32> to vector<1x16xf32>
          tpu.vector_store %arg8[%swap3A_229, %swap3A_230], %swap3A_233 {strides = array<i32>} : memref<32x128xf32, #tpu.memory_space<vmem>>, vector<1x16xf32>,
          %mul3A_234 = arith.constant 9 : i32
          %mul3A_235 = arith.muli %mul3A_234, %scan3A_69 : i32
          %get3A_236 = arith.index_cast %mul3A_235 : i32 to index
          %get3A_237 = arith.constant 32 : index
          %get3A_238 = tpu.vector_load %arg6[%get3A_236, %get3A_237] {strides = array<i32>} : memref<288x128xf32, #tpu.memory_space<vmem>>, vector<1x16xf32>,
          %get3A_239 = vector.shape_cast %get3A_238 : vector<1x16xf32> to vector<16xf32>
          %mul3A_240 = arith.constant 9 : i32
          %mul3A_241 = arith.muli %mul3A_240, %scan3A_69 : i32
          %add3A_242 = arith.constant 1 : i32
          %add3A_243 = arith.addi %mul3A_241, %add3A_242 : i32
          %get3A_244 = arith.index_cast %add3A_243 : i32 to index
          %get3A_245 = arith.constant 32 : index
          %get3A_246 = tpu.vector_load %arg6[%get3A_244, %get3A_245] {strides = array<i32>} : memref<288x128xf32, #tpu.memory_space<vmem>>, vector<1x16xf32>,
          %get3A_247 = vector.shape_cast %get3A_246 : vector<1x16xf32> to vector<16xf32>
          %add3A_248 = arith.addf %get3A_239, %get3A_247 : vector<16xf32>
          %mul3A_249 = arith.constant 9 : i32
          %mul3A_250 = arith.muli %mul3A_249, %scan3A_69 : i32
          %add3A_251 = arith.constant 2 : i32
          %add3A_252 = arith.addi %mul3A_250, %add3A_251 : i32
          %get3A_253 = arith.index_cast %add3A_252 : i32 to index
          %get3A_254 = arith.constant 32 : index
          %get3A_255 = tpu.vector_load %arg6[%get3A_253, %get3A_254] {strides = array<i32>} : memref<288x128xf32, #tpu.memory_space<vmem>>, vector<1x16xf32>,
          %get3A_256 = vector.shape_cast %get3A_255 : vector<1x16xf32> to vector<16xf32>
          %add3A_257 = arith.addf %add3A_248, %get3A_256 : vector<16xf32>
          %mul3A_258 = arith.constant 9 : i32
          %mul3A_259 = arith.muli %mul3A_258, %scan3A_69 : i32
          %add3A_260 = arith.constant 3 : i32
          %add3A_261 = arith.addi %mul3A_259, %add3A_260 : i32
          %get3A_262 = arith.index_cast %add3A_261 : i32 to index
          %get3A_263 = arith.constant 32 : index
          %get3A_264 = tpu.vector_load %arg6[%get3A_262, %get3A_263] {strides = array<i32>} : memref<288x128xf32, #tpu.memory_space<vmem>>, vector<1x16xf32>,
          %get3A_265 = vector.shape_cast %get3A_264 : vector<1x16xf32> to vector<16xf32>
          %add3A_266 = arith.addf %add3A_257, %get3A_265 : vector<16xf32>
          %mul3A_267 = arith.constant 9 : i32
          %mul3A_268 = arith.muli %mul3A_267, %scan3A_69 : i32
          %add3A_269 = arith.constant 4 : i32
          %add3A_270 = arith.addi %mul3A_268, %add3A_269 : i32
          %get3A_271 = arith.index_cast %add3A_270 : i32 to index
          %get3A_272 = arith.constant 32 : index
          %get3A_273 = tpu.vector_load %arg6[%get3A_271, %get3A_272] {strides = array<i32>} : memref<288x128xf32, #tpu.memory_space<vmem>>, vector<1x16xf32>,
          %get3A_274 = vector.shape_cast %get3A_273 : vector<1x16xf32> to vector<16xf32>
          %add3A_275 = arith.addf %add3A_266, %get3A_274 : vector<16xf32>
          %mul3A_276 = arith.constant 9 : i32
          %mul3A_277 = arith.muli %mul3A_276, %scan3A_69 : i32
          %add3A_278 = arith.constant 5 : i32
          %add3A_279 = arith.addi %mul3A_277, %add3A_278 : i32
          %get3A_280 = arith.index_cast %add3A_279 : i32 to index
          %get3A_281 = arith.constant 32 : index
          %get3A_282 = tpu.vector_load %arg6[%get3A_280, %get3A_281] {strides = array<i32>} : memref<288x128xf32, #tpu.memory_space<vmem>>, vector<1x16xf32>,
          %get3A_283 = vector.shape_cast %get3A_282 : vector<1x16xf32> to vector<16xf32>
          %add3A_284 = arith.addf %add3A_275, %get3A_283 : vector<16xf32>
          %mul3A_285 = arith.constant 9 : i32
          %mul3A_286 = arith.muli %mul3A_285, %scan3A_69 : i32
          %add3A_287 = arith.constant 6 : i32
          %add3A_288 = arith.addi %mul3A_286, %add3A_287 : i32
          %get3A_289 = arith.index_cast %add3A_288 : i32 to index
          %get3A_290 = arith.constant 32 : index
          %get3A_291 = tpu.vector_load %arg6[%get3A_289, %get3A_290] {strides = array<i32>} : memref<288x128xf32, #tpu.memory_space<vmem>>, vector<1x16xf32>,
          %get3A_292 = vector.shape_cast %get3A_291 : vector<1x16xf32> to vector<16xf32>
          %add3A_293 = arith.addf %add3A_284, %get3A_292 : vector<16xf32>
          %mul3A_294 = arith.constant 9 : i32
          %mul3A_295 = arith.muli %mul3A_294, %scan3A_69 : i32
          %add3A_296 = arith.constant 7 : i32
          %add3A_297 = arith.addi %mul3A_295, %add3A_296 : i32
          %get3A_298 = arith.index_cast %add3A_297 : i32 to index
          %get3A_299 = arith.constant 32 : index
          %get3A_300 = tpu.vector_load %arg6[%get3A_298, %get3A_299] {strides = array<i32>} : memref<288x128xf32, #tpu.memory_space<vmem>>, vector<1x16xf32>,
          %get3A_301 = vector.shape_cast %get3A_300 : vector<1x16xf32> to vector<16xf32>
          %add3A_302 = arith.addf %add3A_293, %get3A_301 : vector<16xf32>
          %mul3A_303 = arith.constant 9 : i32
          %mul3A_304 = arith.muli %mul3A_303, %scan3A_69 : i32
          %add3A_305 = arith.constant 8 : i32
          %add3A_306 = arith.addi %mul3A_304, %add3A_305 : i32
          %get3A_307 = arith.index_cast %add3A_306 : i32 to index
          %get3A_308 = arith.constant 32 : index
          %get3A_309 = tpu.vector_load %arg6[%get3A_307, %get3A_308] {strides = array<i32>} : memref<288x128xf32, #tpu.memory_space<vmem>>, vector<1x16xf32>,
          %get3A_310 = vector.shape_cast %get3A_309 : vector<1x16xf32> to vector<16xf32>
          %add3A_311 = arith.addf %add3A_302, %get3A_310 : vector<16xf32>
          %swap3A_312 = arith.index_cast %scan3A_69 : i32 to index
          %swap3A_313 = arith.constant 32 : index
          %swap3A_314 = tpu.vector_load %arg8[%swap3A_312, %swap3A_313] {strides = array<i32>} : memref<32x128xf32, #tpu.memory_space<vmem>>, vector<1x16xf32>,
          %swap3A_315 = vector.shape_cast %swap3A_314 : vector<1x16xf32> to vector<16xf32>
          %swap3A_316 = vector.shape_cast %add3A_311 : vector<16xf32> to vector<1x16xf32>
          tpu.vector_store %arg8[%swap3A_312, %swap3A_313], %swap3A_316 {strides = array<i32>} : memref<32x128xf32, #tpu.memory_space<vmem>>, vector<1x16xf32>,
          %mul3A_317 = arith.constant 9 : i32
          %mul3A_318 = arith.muli %mul3A_317, %scan3A_69 : i32
          %get3A_319 = arith.index_cast %mul3A_318 : i32 to index
          %get3A_320 = arith.constant 48 : index
          %get3A_321 = tpu.vector_load %arg6[%get3A_319, %get3A_320] {strides = array<i32>} : memref<288x128xf32, #tpu.memory_space<vmem>>, vector<1x16xf32>,
          %get3A_322 = vector.shape_cast %get3A_321 : vector<1x16xf32> to vector<16xf32>
          %mul3A_323 = arith.constant 9 : i32
          %mul3A_324 = arith.muli %mul3A_323, %scan3A_69 : i32
          %add3A_325 = arith.constant 1 : i32
          %add3A_326 = arith.addi %mul3A_324, %add3A_325 : i32
          %get3A_327 = arith.index_cast %add3A_326 : i32 to index
          %get3A_328 = arith.constant 48 : index
          %get3A_329 = tpu.vector_load %arg6[%get3A_327, %get3A_328] {strides = array<i32>} : memref<288x128xf32, #tpu.memory_space<vmem>>, vector<1x16xf32>,
          %get3A_330 = vector.shape_cast %get3A_329 : vector<1x16xf32> to vector<16xf32>
          %add3A_331 = arith.addf %get3A_322, %get3A_330 : vector<16xf32>
          %mul3A_332 = arith.constant 9 : i32
          %mul3A_333 = arith.muli %mul3A_332, %scan3A_69 : i32
          %add3A_334 = arith.constant 2 : i32
          %add3A_335 = arith.addi %mul3A_333, %add3A_334 : i32
          %get3A_336 = arith.index_cast %add3A_335 : i32 to index
          %get3A_337 = arith.constant 48 : index
          %get3A_338 = tpu.vector_load %arg6[%get3A_336, %get3A_337] {strides = array<i32>} : memref<288x128xf32, #tpu.memory_space<vmem>>, vector<1x16xf32>,
          %get3A_339 = vector.shape_cast %get3A_338 : vector<1x16xf32> to vector<16xf32>
          %add3A_340 = arith.addf %add3A_331, %get3A_339 : vector<16xf32>
          %mul3A_341 = arith.constant 9 : i32
          %mul3A_342 = arith.muli %mul3A_341, %scan3A_69 : i32
          %add3A_343 = arith.constant 3 : i32
          %add3A_344 = arith.addi %mul3A_342, %add3A_343 : i32
          %get3A_345 = arith.index_cast %add3A_344 : i32 to index
          %get3A_346 = arith.constant 48 : index
          %get3A_347 = tpu.vector_load %arg6[%get3A_345, %get3A_346] {strides = array<i32>} : memref<288x128xf32, #tpu.memory_space<vmem>>, vector<1x16xf32>,
          %get3A_348 = vector.shape_cast %get3A_347 : vector<1x16xf32> to vector<16xf32>
          %add3A_349 = arith.addf %add3A_340, %get3A_348 : vector<16xf32>
          %mul3A_350 = arith.constant 9 : i32
          %mul3A_351 = arith.muli %mul3A_350, %scan3A_69 : i32
          %add3A_352 = arith.constant 4 : i32
          %add3A_353 = arith.addi %mul3A_351, %add3A_352 : i32
          %get3A_354 = arith.index_cast %add3A_353 : i32 to index
          %get3A_355 = arith.constant 48 : index
          %get3A_356 = tpu.vector_load %arg6[%get3A_354, %get3A_355] {strides = array<i32>} : memref<288x128xf32, #tpu.memory_space<vmem>>, vector<1x16xf32>,
          %get3A_357 = vector.shape_cast %get3A_356 : vector<1x16xf32> to vector<16xf32>
          %add3A_358 = arith.addf %add3A_349, %get3A_357 : vector<16xf32>
          %mul3A_359 = arith.constant 9 : i32
          %mul3A_360 = arith.muli %mul3A_359, %scan3A_69 : i32
          %add3A_361 = arith.constant 5 : i32
          %add3A_362 = arith.addi %mul3A_360, %add3A_361 : i32
          %get3A_363 = arith.index_cast %add3A_362 : i32 to index
          %get3A_364 = arith.constant 48 : index
          %get3A_365 = tpu.vector_load %arg6[%get3A_363, %get3A_364] {strides = array<i32>} : memref<288x128xf32, #tpu.memory_space<vmem>>, vector<1x16xf32>,
          %get3A_366 = vector.shape_cast %get3A_365 : vector<1x16xf32> to vector<16xf32>
          %add3A_367 = arith.addf %add3A_358, %get3A_366 : vector<16xf32>
          %mul3A_368 = arith.constant 9 : i32
          %mul3A_369 = arith.muli %mul3A_368, %scan3A_69 : i32
          %add3A_370 = arith.constant 6 : i32
          %add3A_371 = arith.addi %mul3A_369, %add3A_370 : i32
          %get3A_372 = arith.index_cast %add3A_371 : i32 to index
          %get3A_373 = arith.constant 48 : index
          %get3A_374 = tpu.vector_load %arg6[%get3A_372, %get3A_373] {strides = array<i32>} : memref<288x128xf32, #tpu.memory_space<vmem>>, vector<1x16xf32>,
          %get3A_375 = vector.shape_cast %get3A_374 : vector<1x16xf32> to vector<16xf32>
          %add3A_376 = arith.addf %add3A_367, %get3A_375 : vector<16xf32>
          %mul3A_377 = arith.constant 9 : i32
          %mul3A_378 = arith.muli %mul3A_377, %scan3A_69 : i32
          %add3A_379 = arith.constant 7 : i32
          %add3A_380 = arith.addi %mul3A_378, %add3A_379 : i32
          %get3A_381 = arith.index_cast %add3A_380 : i32 to index
          %get3A_382 = arith.constant 48 : index
          %get3A_383 = tpu.vector_load %arg6[%get3A_381, %get3A_382] {strides = array<i32>} : memref<288x128xf32, #tpu.memory_space<vmem>>, vector<1x16xf32>,
          %get3A_384 = vector.shape_cast %get3A_383 : vector<1x16xf32> to vector<16xf32>
          %add3A_385 = arith.addf %add3A_376, %get3A_384 : vector<16xf32>
          %mul3A_386 = arith.constant 9 : i32
          %mul3A_387 = arith.muli %mul3A_386, %scan3A_69 : i32
          %add3A_388 = arith.constant 8 : i32
          %add3A_389 = arith.addi %mul3A_387, %add3A_388 : i32
          %get3A_390 = arith.index_cast %add3A_389 : i32 to index
          %get3A_391 = arith.constant 48 : index
          %get3A_392 = tpu.vector_load %arg6[%get3A_390, %get3A_391] {strides = array<i32>} : memref<288x128xf32, #tpu.memory_space<vmem>>, vector<1x16xf32>,
          %get3A_393 = vector.shape_cast %get3A_392 : vector<1x16xf32> to vector<16xf32>
          %add3A_394 = arith.addf %add3A_385, %get3A_393 : vector<16xf32>
          %swap3A_395 = arith.index_cast %scan3A_69 : i32 to index
          %swap3A_396 = arith.constant 48 : index
          %swap3A_397 = tpu.vector_load %arg8[%swap3A_395, %swap3A_396] {strides = array<i32>} : memref<32x128xf32, #tpu.memory_space<vmem>>, vector<1x16xf32>,
          %swap3A_398 = vector.shape_cast %swap3A_397 : vector<1x16xf32> to vector<16xf32>
          %swap3A_399 = vector.shape_cast %add3A_394 : vector<16xf32> to vector<1x16xf32>
          tpu.vector_store %arg8[%swap3A_395, %swap3A_396], %swap3A_399 {strides = array<i32>} : memref<32x128xf32, #tpu.memory_space<vmem>>, vector<1x16xf32>,
          %mul3A_400 = arith.constant 9 : i32
          %mul3A_401 = arith.muli %mul3A_400, %scan3A_69 : i32
          %get3A_402 = arith.index_cast %mul3A_401 : i32 to index
          %get3A_403 = arith.constant 64 : index
          %get3A_404 = tpu.vector_load %arg6[%get3A_402, %get3A_403] {strides = array<i32>} : memref<288x128xf32, #tpu.memory_space<vmem>>, vector<1x16xf32>,
          %get3A_405 = vector.shape_cast %get3A_404 : vector<1x16xf32> to vector<16xf32>
          %mul3A_406 = arith.constant 9 : i32
          %mul3A_407 = arith.muli %mul3A_406, %scan3A_69 : i32
          %add3A_408 = arith.constant 1 : i32
          %add3A_409 = arith.addi %mul3A_407, %add3A_408 : i32
          %get3A_410 = arith.index_cast %add3A_409 : i32 to index
          %get3A_411 = arith.constant 64 : index
          %get3A_412 = tpu.vector_load %arg6[%get3A_410, %get3A_411] {strides = array<i32>} : memref<288x128xf32, #tpu.memory_space<vmem>>, vector<1x16xf32>,
          %get3A_413 = vector.shape_cast %get3A_412 : vector<1x16xf32> to vector<16xf32>
          %add3A_414 = arith.addf %get3A_405, %get3A_413 : vector<16xf32>
          %mul3A_415 = arith.constant 9 : i32
          %mul3A_416 = arith.muli %mul3A_415, %scan3A_69 : i32
          %add3A_417 = arith.constant 2 : i32
          %add3A_418 = arith.addi %mul3A_416, %add3A_417 : i32
          %get3A_419 = arith.index_cast %add3A_418 : i32 to index
          %get3A_420 = arith.constant 64 : index
          %get3A_421 = tpu.vector_load %arg6[%get3A_419, %get3A_420] {strides = array<i32>} : memref<288x128xf32, #tpu.memory_space<vmem>>, vector<1x16xf32>,
          %get3A_422 = vector.shape_cast %get3A_421 : vector<1x16xf32> to vector<16xf32>
          %add3A_423 = arith.addf %add3A_414, %get3A_422 : vector<16xf32>
          %mul3A_424 = arith.constant 9 : i32
          %mul3A_425 = arith.muli %mul3A_424, %scan3A_69 : i32
          %add3A_426 = arith.constant 3 : i32
          %add3A_427 = arith.addi %mul3A_425, %add3A_426 : i32
          %get3A_428 = arith.index_cast %add3A_427 : i32 to index
          %get3A_429 = arith.constant 64 : index
          %get3A_430 = tpu.vector_load %arg6[%get3A_428, %get3A_429] {strides = array<i32>} : memref<288x128xf32, #tpu.memory_space<vmem>>, vector<1x16xf32>,
          %get3A_431 = vector.shape_cast %get3A_430 : vector<1x16xf32> to vector<16xf32>
          %add3A_432 = arith.addf %add3A_423, %get3A_431 : vector<16xf32>
          %mul3A_433 = arith.constant 9 : i32
          %mul3A_434 = arith.muli %mul3A_433, %scan3A_69 : i32
          %add3A_435 = arith.constant 4 : i32
          %add3A_436 = arith.addi %mul3A_434, %add3A_435 : i32
          %get3A_437 = arith.index_cast %add3A_436 : i32 to index
          %get3A_438 = arith.constant 64 : index
          %get3A_439 = tpu.vector_load %arg6[%get3A_437, %get3A_438] {strides = array<i32>} : memref<288x128xf32, #tpu.memory_space<vmem>>, vector<1x16xf32>,
          %get3A_440 = vector.shape_cast %get3A_439 : vector<1x16xf32> to vector<16xf32>
          %add3A_441 = arith.addf %add3A_432, %get3A_440 : vector<16xf32>
          %mul3A_442 = arith.constant 9 : i32
          %mul3A_443 = arith.muli %mul3A_442, %scan3A_69 : i32
          %add3A_444 = arith.constant 5 : i32
          %add3A_445 = arith.addi %mul3A_443, %add3A_444 : i32
          %get3A_446 = arith.index_cast %add3A_445 : i32 to index
          %get3A_447 = arith.constant 64 : index
          %get3A_448 = tpu.vector_load %arg6[%get3A_446, %get3A_447] {strides = array<i32>} : memref<288x128xf32, #tpu.memory_space<vmem>>, vector<1x16xf32>,
          %get3A_449 = vector.shape_cast %get3A_448 : vector<1x16xf32> to vector<16xf32>
          %add3A_450 = arith.addf %add3A_441, %get3A_449 : vector<16xf32>
          %mul3A_451 = arith.constant 9 : i32
          %mul3A_452 = arith.muli %mul3A_451, %scan3A_69 : i32
          %add3A_453 = arith.constant 6 : i32
          %add3A_454 = arith.addi %mul3A_452, %add3A_453 : i32
          %get3A_455 = arith.index_cast %add3A_454 : i32 to index
          %get3A_456 = arith.constant 64 : index
          %get3A_457 = tpu.vector_load %arg6[%get3A_455, %get3A_456] {strides = array<i32>} : memref<288x128xf32, #tpu.memory_space<vmem>>, vector<1x16xf32>,
          %get3A_458 = vector.shape_cast %get3A_457 : vector<1x16xf32> to vector<16xf32>
          %add3A_459 = arith.addf %add3A_450, %get3A_458 : vector<16xf32>
          %mul3A_460 = arith.constant 9 : i32
          %mul3A_461 = arith.muli %mul3A_460, %scan3A_69 : i32
          %add3A_462 = arith.constant 7 : i32
          %add3A_463 = arith.addi %mul3A_461, %add3A_462 : i32
          %get3A_464 = arith.index_cast %add3A_463 : i32 to index
          %get3A_465 = arith.constant 64 : index
          %get3A_466 = tpu.vector_load %arg6[%get3A_464, %get3A_465] {strides = array<i32>} : memref<288x128xf32, #tpu.memory_space<vmem>>, vector<1x16xf32>,
          %get3A_467 = vector.shape_cast %get3A_466 : vector<1x16xf32> to vector<16xf32>
          %add3A_468 = arith.addf %add3A_459, %get3A_467 : vector<16xf32>
          %mul3A_469 = arith.constant 9 : i32
          %mul3A_470 = arith.muli %mul3A_469, %scan3A_69 : i32
          %add3A_471 = arith.constant 8 : i32
          %add3A_472 = arith.addi %mul3A_470, %add3A_471 : i32
          %get3A_473 = arith.index_cast %add3A_472 : i32 to index
          %get3A_474 = arith.constant 64 : index
          %get3A_475 = tpu.vector_load %arg6[%get3A_473, %get3A_474] {strides = array<i32>} : memref<288x128xf32, #tpu.memory_space<vmem>>, vector<1x16xf32>,
          %get3A_476 = vector.shape_cast %get3A_475 : vector<1x16xf32> to vector<16xf32>
          %add3A_477 = arith.addf %add3A_468, %get3A_476 : vector<16xf32>
          %swap3A_478 = arith.index_cast %scan3A_69 : i32 to index
          %swap3A_479 = arith.constant 64 : index
          %swap3A_480 = tpu.vector_load %arg8[%swap3A_478, %swap3A_479] {strides = array<i32>} : memref<32x128xf32, #tpu.memory_space<vmem>>, vector<1x16xf32>,
          %swap3A_481 = vector.shape_cast %swap3A_480 : vector<1x16xf32> to vector<16xf32>
          %swap3A_482 = vector.shape_cast %add3A_477 : vector<16xf32> to vector<1x16xf32>
          tpu.vector_store %arg8[%swap3A_478, %swap3A_479], %swap3A_482 {strides = array<i32>} : memref<32x128xf32, #tpu.memory_space<vmem>>, vector<1x16xf32>,
          %mul3A_483 = arith.constant 9 : i32
          %mul3A_484 = arith.muli %mul3A_483, %scan3A_69 : i32
          %get3A_485 = arith.index_cast %mul3A_484 : i32 to index
          %get3A_486 = arith.constant 80 : index
          %get3A_487 = tpu.vector_load %arg6[%get3A_485, %get3A_486] {strides = array<i32>} : memref<288x128xf32, #tpu.memory_space<vmem>>, vector<1x16xf32>,
          %get3A_488 = vector.shape_cast %get3A_487 : vector<1x16xf32> to vector<16xf32>
          %mul3A_489 = arith.constant 9 : i32
          %mul3A_490 = arith.muli %mul3A_489, %scan3A_69 : i32
          %add3A_491 = arith.constant 1 : i32
          %add3A_492 = arith.addi %mul3A_490, %add3A_491 : i32
          %get3A_493 = arith.index_cast %add3A_492 : i32 to index
          %get3A_494 = arith.constant 80 : index
          %get3A_495 = tpu.vector_load %arg6[%get3A_493, %get3A_494] {strides = array<i32>} : memref<288x128xf32, #tpu.memory_space<vmem>>, vector<1x16xf32>,
          %get3A_496 = vector.shape_cast %get3A_495 : vector<1x16xf32> to vector<16xf32>
          %add3A_497 = arith.addf %get3A_488, %get3A_496 : vector<16xf32>
          %mul3A_498 = arith.constant 9 : i32
          %mul3A_499 = arith.muli %mul3A_498, %scan3A_69 : i32
          %add3A_500 = arith.constant 2 : i32
          %add3A_501 = arith.addi %mul3A_499, %add3A_500 : i32
          %get3A_502 = arith.index_cast %add3A_501 : i32 to index
          %get3A_503 = arith.constant 80 : index
          %get3A_504 = tpu.vector_load %arg6[%get3A_502, %get3A_503] {strides = array<i32>} : memref<288x128xf32, #tpu.memory_space<vmem>>, vector<1x16xf32>,
          %get3A_505 = vector.shape_cast %get3A_504 : vector<1x16xf32> to vector<16xf32>
          %add3A_506 = arith.addf %add3A_497, %get3A_505 : vector<16xf32>
          %mul3A_507 = arith.constant 9 : i32
          %mul3A_508 = arith.muli %mul3A_507, %scan3A_69 : i32
          %add3A_509 = arith.constant 3 : i32
          %add3A_510 = arith.addi %mul3A_508, %add3A_509 : i32
          %get3A_511 = arith.index_cast %add3A_510 : i32 to index
          %get3A_512 = arith.constant 80 : index
          %get3A_513 = tpu.vector_load %arg6[%get3A_511, %get3A_512] {strides = array<i32>} : memref<288x128xf32, #tpu.memory_space<vmem>>, vector<1x16xf32>,
          %get3A_514 = vector.shape_cast %get3A_513 : vector<1x16xf32> to vector<16xf32>
          %add3A_515 = arith.addf %add3A_506, %get3A_514 : vector<16xf32>
          %mul3A_516 = arith.constant 9 : i32
          %mul3A_517 = arith.muli %mul3A_516, %scan3A_69 : i32
          %add3A_518 = arith.constant 4 : i32
          %add3A_519 = arith.addi %mul3A_517, %add3A_518 : i32
          %get3A_520 = arith.index_cast %add3A_519 : i32 to index
          %get3A_521 = arith.constant 80 : index
          %get3A_522 = tpu.vector_load %arg6[%get3A_520, %get3A_521] {strides = array<i32>} : memref<288x128xf32, #tpu.memory_space<vmem>>, vector<1x16xf32>,
          %get3A_523 = vector.shape_cast %get3A_522 : vector<1x16xf32> to vector<16xf32>
          %add3A_524 = arith.addf %add3A_515, %get3A_523 : vector<16xf32>
          %mul3A_525 = arith.constant 9 : i32
          %mul3A_526 = arith.muli %mul3A_525, %scan3A_69 : i32
          %add3A_527 = arith.constant 5 : i32
          %add3A_528 = arith.addi %mul3A_526, %add3A_527 : i32
          %get3A_529 = arith.index_cast %add3A_528 : i32 to index
          %get3A_530 = arith.constant 80 : index
          %get3A_531 = tpu.vector_load %arg6[%get3A_529, %get3A_530] {strides = array<i32>} : memref<288x128xf32, #tpu.memory_space<vmem>>, vector<1x16xf32>,
          %get3A_532 = vector.shape_cast %get3A_531 : vector<1x16xf32> to vector<16xf32>
          %add3A_533 = arith.addf %add3A_524, %get3A_532 : vector<16xf32>
          %mul3A_534 = arith.constant 9 : i32
          %mul3A_535 = arith.muli %mul3A_534, %scan3A_69 : i32
          %add3A_536 = arith.constant 6 : i32
          %add3A_537 = arith.addi %mul3A_535, %add3A_536 : i32
          %get3A_538 = arith.index_cast %add3A_537 : i32 to index
          %get3A_539 = arith.constant 80 : index
          %get3A_540 = tpu.vector_load %arg6[%get3A_538, %get3A_539] {strides = array<i32>} : memref<288x128xf32, #tpu.memory_space<vmem>>, vector<1x16xf32>,
          %get3A_541 = vector.shape_cast %get3A_540 : vector<1x16xf32> to vector<16xf32>
          %add3A_542 = arith.addf %add3A_533, %get3A_541 : vector<16xf32>
          %mul3A_543 = arith.constant 9 : i32
          %mul3A_544 = arith.muli %mul3A_543, %scan3A_69 : i32
          %add3A_545 = arith.constant 7 : i32
          %add3A_546 = arith.addi %mul3A_544, %add3A_545 : i32
          %get3A_547 = arith.index_cast %add3A_546 : i32 to index
          %get3A_548 = arith.constant 80 : index
          %get3A_549 = tpu.vector_load %arg6[%get3A_547, %get3A_548] {strides = array<i32>} : memref<288x128xf32, #tpu.memory_space<vmem>>, vector<1x16xf32>,
          %get3A_550 = vector.shape_cast %get3A_549 : vector<1x16xf32> to vector<16xf32>
          %add3A_551 = arith.addf %add3A_542, %get3A_550 : vector<16xf32>
          %mul3A_552 = arith.constant 9 : i32
          %mul3A_553 = arith.muli %mul3A_552, %scan3A_69 : i32
          %add3A_554 = arith.constant 8 : i32
          %add3A_555 = arith.addi %mul3A_553, %add3A_554 : i32
          %get3A_556 = arith.index_cast %add3A_555 : i32 to index
          %get3A_557 = arith.constant 80 : index
          %get3A_558 = tpu.vector_load %arg6[%get3A_556, %get3A_557] {strides = array<i32>} : memref<288x128xf32, #tpu.memory_space<vmem>>, vector<1x16xf32>,
          %get3A_559 = vector.shape_cast %get3A_558 : vector<1x16xf32> to vector<16xf32>
          %add3A_560 = arith.addf %add3A_551, %get3A_559 : vector<16xf32>
          %swap3A_561 = arith.index_cast %scan3A_69 : i32 to index
          %swap3A_562 = arith.constant 80 : index
          %swap3A_563 = tpu.vector_load %arg8[%swap3A_561, %swap3A_562] {strides = array<i32>} : memref<32x128xf32, #tpu.memory_space<vmem>>, vector<1x16xf32>,
          %swap3A_564 = vector.shape_cast %swap3A_563 : vector<1x16xf32> to vector<16xf32>
          %swap3A_565 = vector.shape_cast %add3A_560 : vector<16xf32> to vector<1x16xf32>
          tpu.vector_store %arg8[%swap3A_561, %swap3A_562], %swap3A_565 {strides = array<i32>} : memref<32x128xf32, #tpu.memory_space<vmem>>, vector<1x16xf32>,
          %mul3A_566 = arith.constant 9 : i32
          %mul3A_567 = arith.muli %mul3A_566, %scan3A_69 : i32
          %get3A_568 = arith.index_cast %mul3A_567 : i32 to index
          %get3A_569 = arith.constant 96 : index
          %get3A_570 = tpu.vector_load %arg6[%get3A_568, %get3A_569] {strides = array<i32>} : memref<288x128xf32, #tpu.memory_space<vmem>>, vector<1x16xf32>,
          %get3A_571 = vector.shape_cast %get3A_570 : vector<1x16xf32> to vector<16xf32>
          %mul3A_572 = arith.constant 9 : i32
          %mul3A_573 = arith.muli %mul3A_572, %scan3A_69 : i32
          %add3A_574 = arith.constant 1 : i32
          %add3A_575 = arith.addi %mul3A_573, %add3A_574 : i32
          %get3A_576 = arith.index_cast %add3A_575 : i32 to index
          %get3A_577 = arith.constant 96 : index
          %get3A_578 = tpu.vector_load %arg6[%get3A_576, %get3A_577] {strides = array<i32>} : memref<288x128xf32, #tpu.memory_space<vmem>>, vector<1x16xf32>,
          %get3A_579 = vector.shape_cast %get3A_578 : vector<1x16xf32> to vector<16xf32>
          %add3A_580 = arith.addf %get3A_571, %get3A_579 : vector<16xf32>
          %mul3A_581 = arith.constant 9 : i32
          %mul3A_582 = arith.muli %mul3A_581, %scan3A_69 : i32
          %add3A_583 = arith.constant 2 : i32
          %add3A_584 = arith.addi %mul3A_582, %add3A_583 : i32
          %get3A_585 = arith.index_cast %add3A_584 : i32 to index
          %get3A_586 = arith.constant 96 : index
          %get3A_587 = tpu.vector_load %arg6[%get3A_585, %get3A_586] {strides = array<i32>} : memref<288x128xf32, #tpu.memory_space<vmem>>, vector<1x16xf32>,
          %get3A_588 = vector.shape_cast %get3A_587 : vector<1x16xf32> to vector<16xf32>
          %add3A_589 = arith.addf %add3A_580, %get3A_588 : vector<16xf32>
          %mul3A_590 = arith.constant 9 : i32
          %mul3A_591 = arith.muli %mul3A_590, %scan3A_69 : i32
          %add3A_592 = arith.constant 3 : i32
          %add3A_593 = arith.addi %mul3A_591, %add3A_592 : i32
          %get3A_594 = arith.index_cast %add3A_593 : i32 to index
          %get3A_595 = arith.constant 96 : index
          %get3A_596 = tpu.vector_load %arg6[%get3A_594, %get3A_595] {strides = array<i32>} : memref<288x128xf32, #tpu.memory_space<vmem>>, vector<1x16xf32>,
          %get3A_597 = vector.shape_cast %get3A_596 : vector<1x16xf32> to vector<16xf32>
          %add3A_598 = arith.addf %add3A_589, %get3A_597 : vector<16xf32>
          %mul3A_599 = arith.constant 9 : i32
          %mul3A_600 = arith.muli %mul3A_599, %scan3A_69 : i32
          %add3A_601 = arith.constant 4 : i32
          %add3A_602 = arith.addi %mul3A_600, %add3A_601 : i32
          %get3A_603 = arith.index_cast %add3A_602 : i32 to index
          %get3A_604 = arith.constant 96 : index
          %get3A_605 = tpu.vector_load %arg6[%get3A_603, %get3A_604] {strides = array<i32>} : memref<288x128xf32, #tpu.memory_space<vmem>>, vector<1x16xf32>,
          %get3A_606 = vector.shape_cast %get3A_605 : vector<1x16xf32> to vector<16xf32>
          %add3A_607 = arith.addf %add3A_598, %get3A_606 : vector<16xf32>
          %mul3A_608 = arith.constant 9 : i32
          %mul3A_609 = arith.muli %mul3A_608, %scan3A_69 : i32
          %add3A_610 = arith.constant 5 : i32
          %add3A_611 = arith.addi %mul3A_609, %add3A_610 : i32
          %get3A_612 = arith.index_cast %add3A_611 : i32 to index
          %get3A_613 = arith.constant 96 : index
          %get3A_614 = tpu.vector_load %arg6[%get3A_612, %get3A_613] {strides = array<i32>} : memref<288x128xf32, #tpu.memory_space<vmem>>, vector<1x16xf32>,
          %get3A_615 = vector.shape_cast %get3A_614 : vector<1x16xf32> to vector<16xf32>
          %add3A_616 = arith.addf %add3A_607, %get3A_615 : vector<16xf32>
          %mul3A_617 = arith.constant 9 : i32
          %mul3A_618 = arith.muli %mul3A_617, %scan3A_69 : i32
          %add3A_619 = arith.constant 6 : i32
          %add3A_620 = arith.addi %mul3A_618, %add3A_619 : i32
          %get3A_621 = arith.index_cast %add3A_620 : i32 to index
          %get3A_622 = arith.constant 96 : index
          %get3A_623 = tpu.vector_load %arg6[%get3A_621, %get3A_622] {strides = array<i32>} : memref<288x128xf32, #tpu.memory_space<vmem>>, vector<1x16xf32>,
          %get3A_624 = vector.shape_cast %get3A_623 : vector<1x16xf32> to vector<16xf32>
          %add3A_625 = arith.addf %add3A_616, %get3A_624 : vector<16xf32>
          %mul3A_626 = arith.constant 9 : i32
          %mul3A_627 = arith.muli %mul3A_626, %scan3A_69 : i32
          %add3A_628 = arith.constant 7 : i32
          %add3A_629 = arith.addi %mul3A_627, %add3A_628 : i32
          %get3A_630 = arith.index_cast %add3A_629 : i32 to index
          %get3A_631 = arith.constant 96 : index
          %get3A_632 = tpu.vector_load %arg6[%get3A_630, %get3A_631] {strides = array<i32>} : memref<288x128xf32, #tpu.memory_space<vmem>>, vector<1x16xf32>,
          %get3A_633 = vector.shape_cast %get3A_632 : vector<1x16xf32> to vector<16xf32>
          %add3A_634 = arith.addf %add3A_625, %get3A_633 : vector<16xf32>
          %mul3A_635 = arith.constant 9 : i32
          %mul3A_636 = arith.muli %mul3A_635, %scan3A_69 : i32
          %add3A_637 = arith.constant 8 : i32
          %add3A_638 = arith.addi %mul3A_636, %add3A_637 : i32
          %get3A_639 = arith.index_cast %add3A_638 : i32 to index
          %get3A_640 = arith.constant 96 : index
          %get3A_641 = tpu.vector_load %arg6[%get3A_639, %get3A_640] {strides = array<i32>} : memref<288x128xf32, #tpu.memory_space<vmem>>, vector<1x16xf32>,
          %get3A_642 = vector.shape_cast %get3A_641 : vector<1x16xf32> to vector<16xf32>
          %add3A_643 = arith.addf %add3A_634, %get3A_642 : vector<16xf32>
          %swap3A_644 = arith.index_cast %scan3A_69 : i32 to index
          %swap3A_645 = arith.constant 96 : index
          %swap3A_646 = tpu.vector_load %arg8[%swap3A_644, %swap3A_645] {strides = array<i32>} : memref<32x128xf32, #tpu.memory_space<vmem>>, vector<1x16xf32>,
          %swap3A_647 = vector.shape_cast %swap3A_646 : vector<1x16xf32> to vector<16xf32>
          %swap3A_648 = vector.shape_cast %add3A_643 : vector<16xf32> to vector<1x16xf32>
          tpu.vector_store %arg8[%swap3A_644, %swap3A_645], %swap3A_648 {strides = array<i32>} : memref<32x128xf32, #tpu.memory_space<vmem>>, vector<1x16xf32>,
          %mul3A_649 = arith.constant 9 : i32
          %mul3A_650 = arith.muli %mul3A_649, %scan3A_69 : i32
          %get3A_651 = arith.index_cast %mul3A_650 : i32 to index
          %get3A_652 = arith.constant 112 : index
          %get3A_653 = tpu.vector_load %arg6[%get3A_651, %get3A_652] {strides = array<i32>} : memref<288x128xf32, #tpu.memory_space<vmem>>, vector<1x16xf32>,
          %get3A_654 = vector.shape_cast %get3A_653 : vector<1x16xf32> to vector<16xf32>
          %mul3A_655 = arith.constant 9 : i32
          %mul3A_656 = arith.muli %mul3A_655, %scan3A_69 : i32
          %add3A_657 = arith.constant 1 : i32
          %add3A_658 = arith.addi %mul3A_656, %add3A_657 : i32
          %get3A_659 = arith.index_cast %add3A_658 : i32 to index
          %get3A_660 = arith.constant 112 : index
          %get3A_661 = tpu.vector_load %arg6[%get3A_659, %get3A_660] {strides = array<i32>} : memref<288x128xf32, #tpu.memory_space<vmem>>, vector<1x16xf32>,
          %get3A_662 = vector.shape_cast %get3A_661 : vector<1x16xf32> to vector<16xf32>
          %add3A_663 = arith.addf %get3A_654, %get3A_662 : vector<16xf32>
          %mul3A_664 = arith.constant 9 : i32
          %mul3A_665 = arith.muli %mul3A_664, %scan3A_69 : i32
          %add3A_666 = arith.constant 2 : i32
          %add3A_667 = arith.addi %mul3A_665, %add3A_666 : i32
          %get3A_668 = arith.index_cast %add3A_667 : i32 to index
          %get3A_669 = arith.constant 112 : index
          %get3A_670 = tpu.vector_load %arg6[%get3A_668, %get3A_669] {strides = array<i32>} : memref<288x128xf32, #tpu.memory_space<vmem>>, vector<1x16xf32>,
          %get3A_671 = vector.shape_cast %get3A_670 : vector<1x16xf32> to vector<16xf32>
          %add3A_672 = arith.addf %add3A_663, %get3A_671 : vector<16xf32>
          %mul3A_673 = arith.constant 9 : i32
          %mul3A_674 = arith.muli %mul3A_673, %scan3A_69 : i32
          %add3A_675 = arith.constant 3 : i32
          %add3A_676 = arith.addi %mul3A_674, %add3A_675 : i32
          %get3A_677 = arith.index_cast %add3A_676 : i32 to index
          %get3A_678 = arith.constant 112 : index
          %get3A_679 = tpu.vector_load %arg6[%get3A_677, %get3A_678] {strides = array<i32>} : memref<288x128xf32, #tpu.memory_space<vmem>>, vector<1x16xf32>,
          %get3A_680 = vector.shape_cast %get3A_679 : vector<1x16xf32> to vector<16xf32>
          %add3A_681 = arith.addf %add3A_672, %get3A_680 : vector<16xf32>
          %mul3A_682 = arith.constant 9 : i32
          %mul3A_683 = arith.muli %mul3A_682, %scan3A_69 : i32
          %add3A_684 = arith.constant 4 : i32
          %add3A_685 = arith.addi %mul3A_683, %add3A_684 : i32
          %get3A_686 = arith.index_cast %add3A_685 : i32 to index
          %get3A_687 = arith.constant 112 : index
          %get3A_688 = tpu.vector_load %arg6[%get3A_686, %get3A_687] {strides = array<i32>} : memref<288x128xf32, #tpu.memory_space<vmem>>, vector<1x16xf32>,
          %get3A_689 = vector.shape_cast %get3A_688 : vector<1x16xf32> to vector<16xf32>
          %add3A_690 = arith.addf %add3A_681, %get3A_689 : vector<16xf32>
          %mul3A_691 = arith.constant 9 : i32
          %mul3A_692 = arith.muli %mul3A_691, %scan3A_69 : i32
          %add3A_693 = arith.constant 5 : i32
          %add3A_694 = arith.addi %mul3A_692, %add3A_693 : i32
          %get3A_695 = arith.index_cast %add3A_694 : i32 to index
          %get3A_696 = arith.constant 112 : index
          %get3A_697 = tpu.vector_load %arg6[%get3A_695, %get3A_696] {strides = array<i32>} : memref<288x128xf32, #tpu.memory_space<vmem>>, vector<1x16xf32>,
          %get3A_698 = vector.shape_cast %get3A_697 : vector<1x16xf32> to vector<16xf32>
          %add3A_699 = arith.addf %add3A_690, %get3A_698 : vector<16xf32>
          %mul3A_700 = arith.constant 9 : i32
          %mul3A_701 = arith.muli %mul3A_700, %scan3A_69 : i32
          %add3A_702 = arith.constant 6 : i32
          %add3A_703 = arith.addi %mul3A_701, %add3A_702 : i32
          %get3A_704 = arith.index_cast %add3A_703 : i32 to index
          %get3A_705 = arith.constant 112 : index
          %get3A_706 = tpu.vector_load %arg6[%get3A_704, %get3A_705] {strides = array<i32>} : memref<288x128xf32, #tpu.memory_space<vmem>>, vector<1x16xf32>,
          %get3A_707 = vector.shape_cast %get3A_706 : vector<1x16xf32> to vector<16xf32>
          %add3A_708 = arith.addf %add3A_699, %get3A_707 : vector<16xf32>
          %mul3A_709 = arith.constant 9 : i32
          %mul3A_710 = arith.muli %mul3A_709, %scan3A_69 : i32
          %add3A_711 = arith.constant 7 : i32
          %add3A_712 = arith.addi %mul3A_710, %add3A_711 : i32
          %get3A_713 = arith.index_cast %add3A_712 : i32 to index
          %get3A_714 = arith.constant 112 : index
          %get3A_715 = tpu.vector_load %arg6[%get3A_713, %get3A_714] {strides = array<i32>} : memref<288x128xf32, #tpu.memory_space<vmem>>, vector<1x16xf32>,
          %get3A_716 = vector.shape_cast %get3A_715 : vector<1x16xf32> to vector<16xf32>
          %add3A_717 = arith.addf %add3A_708, %get3A_716 : vector<16xf32>
          %mul3A_718 = arith.constant 9 : i32
          %mul3A_719 = arith.muli %mul3A_718, %scan3A_69 : i32
          %add3A_720 = arith.constant 8 : i32
          %add3A_721 = arith.addi %mul3A_719, %add3A_720 : i32
          %get3A_722 = arith.index_cast %add3A_721 : i32 to index
          %get3A_723 = arith.constant 112 : index
          %get3A_724 = tpu.vector_load %arg6[%get3A_722, %get3A_723] {strides = array<i32>} : memref<288x128xf32, #tpu.memory_space<vmem>>, vector<1x16xf32>,
          %get3A_725 = vector.shape_cast %get3A_724 : vector<1x16xf32> to vector<16xf32>
          %add3A_726 = arith.addf %add3A_717, %get3A_725 : vector<16xf32>
          %swap3A_727 = arith.index_cast %scan3A_69 : i32 to index
          %swap3A_728 = arith.constant 112 : index
          %swap3A_729 = tpu.vector_load %arg8[%swap3A_727, %swap3A_728] {strides = array<i32>} : memref<32x128xf32, #tpu.memory_space<vmem>>, vector<1x16xf32>,
          %swap3A_730 = vector.shape_cast %swap3A_729 : vector<1x16xf32> to vector<16xf32>
          %swap3A_731 = vector.shape_cast %add3A_726 : vector<16xf32> to vector<1x16xf32>
          tpu.vector_store %arg8[%swap3A_727, %swap3A_728], %swap3A_731 {strides = array<i32>} : memref<32x128xf32, #tpu.memory_space<vmem>>, vector<1x16xf32>,
        }
        %scan3A_65 = arith.constant 32 : i32
        %mul3A_66 = arith.constant 32 : i32
        %mul3A_67 = arith.muli %mul3A_66, %while3A_20 : i32
        %add3A_68 = arith.addi %mul3A_2, %mul3A_67 : i32
        "tpu.region"() ({
          %run_scoped3A = tpu.sem_alloc : memref<!tpu.dma_semaphore, #tpu.memory_space<semaphore_mem>>
          %dma_start3A_69 = arith.constant 0 : i32
          %dma_start3A_70 = tpu.memref_slice %arg4[%add3A_68, %dma_start3A_69] : memref<100000x128xf32, #tpu.memory_space<hbm>> -> memref<32x128xf32, #tpu.memory_space<hbm>>
          %dma_start3A_71 = arith.constant 0 : i32
          %dma_start3A_72 = tpu.memref_slice %arg4[%add3A_68, %dma_start3A_71] : memref<100000x128xf32, #tpu.memory_space<hbm>> -> memref<32x128xf32, #tpu.memory_space<hbm>>
          tpu.enqueue_dma source(%arg8 : memref<32x128xf32, #tpu.memory_space<vmem>>) target(%dma_start3A_72 : memref<32x128xf32, #tpu.memory_space<hbm>>) target_semaphore(%run_scoped3A : memref<!tpu.dma_semaphore, #tpu.memory_space<semaphore_mem>>)
          %dma_wait3A_73 = arith.constant 0 : i32
          %dma_wait3A_74 = tpu.memref_slice %arg4[%add3A_68, %dma_wait3A_73] : memref<100000x128xf32, #tpu.memory_space<hbm>> -> memref<32x128xf32, #tpu.memory_space<hbm>>
          %dma_wait3A_75 = arith.constant 0 : i32
          %dma_wait3A_76 = tpu.memref_slice %arg4[%add3A_68, %dma_wait3A_75] : memref<100000x128xf32, #tpu.memory_space<hbm>> -> memref<32x128xf32, #tpu.memory_space<hbm>>
          tpu.wait_dma2 semaphore(%run_scoped3A : memref<!tpu.dma_semaphore, #tpu.memory_space<semaphore_mem>>) src(%arg8 : memref<32x128xf32, #tpu.memory_space<vmem>>) dst(%dma_wait3A_76 : memref<32x128xf32, #tpu.memory_space<hbm>>)
          tpu.yield
        }) : () -> ()
      } else {
      }
      %not3A_51 = arith.constant true
      %not3A_52 = arith.xori %eq3A_34, %not3A_51 : i1
      %convert_element_type3A_53 = arith.extui %not3A_52 : i1 to i32
      %cond3A_54 = arith.constant 0 : i32
      %cond3A_55 = arith.cmpi ne, %convert_element_type3A_53, %cond3A_54 : i32
      scf.if %cond3A_55 {
        %mul3A_56 = arith.constant 288 : i32
        %mul3A_57 = arith.muli %mul3A_56, %while3A_20 : i32
        %dma_wait3A = tpu.memref_slice %arg5[%mul3A_57] : memref<28224xi32, #tpu.memory_space<vmem>> -> memref<288xi32, #tpu.memory_space<vmem>>
        %dma_wait3A_58 = arith.constant 0 : i32
        %dma_wait3A_59 = arith.constant 0 : i32
        %dma_wait3A_60 = tpu.memref_slice %arg3[%dma_wait3A_58, %dma_wait3A_59] : memref<176x128xf32, #tpu.memory_space<hbm>> -> memref<176x128xf32, #tpu.memory_space<hbm>>
        tpu.wait_indirect_dma semaphore(%arg10 : memref<!tpu.dma_semaphore, #tpu.memory_space<semaphore_mem>>) src(%dma_wait3A_60 : memref<176x128xf32, #tpu.memory_space<hbm>>) dst(%arg7 : memref<288x128xf32, #tpu.memory_space<vmem>>)
        %scan3A = arith.constant 0 : i32
        %scan3A_61 = arith.constant 0 : i32
        %scan3A_62 = arith.constant 32 : i32
        %scan3A_63 = arith.addi %scan3A_61, %scan3A_62 : i32
        %scan3A_64 = arith.constant 1 : i32
        scf.for %scan3A_69 = %scan3A_61 to %scan3A_63 step %scan3A_64  : i32 {
          %mul3A_70 = arith.constant 9 : i32
          %mul3A_71 = arith.muli %mul3A_70, %scan3A_69 : i32
          %get3A = arith.index_cast %mul3A_71 : i32 to index
          %get3A_72 = arith.constant 0 : index
          %get3A_73 = tpu.vector_load %arg7[%get3A, %get3A_72] {strides = array<i32>} : memref<288x128xf32, #tpu.memory_space<vmem>>, vector<1x16xf32>,
          %get3A_74 = vector.shape_cast %get3A_73 : vector<1x16xf32> to vector<16xf32>
          %mul3A_75 = arith.constant 9 : i32
          %mul3A_76 = arith.muli %mul3A_75, %scan3A_69 : i32
          %add3A_77 = arith.constant 1 : i32
          %add3A_78 = arith.addi %mul3A_76, %add3A_77 : i32
          %get3A_79 = arith.index_cast %add3A_78 : i32 to index
          %get3A_80 = arith.constant 0 : index
          %get3A_81 = tpu.vector_load %arg7[%get3A_79, %get3A_80] {strides = array<i32>} : memref<288x128xf32, #tpu.memory_space<vmem>>, vector<1x16xf32>,
          %get3A_82 = vector.shape_cast %get3A_81 : vector<1x16xf32> to vector<16xf32>
          %add3A_83 = arith.addf %get3A_74, %get3A_82 : vector<16xf32>
          %mul3A_84 = arith.constant 9 : i32
          %mul3A_85 = arith.muli %mul3A_84, %scan3A_69 : i32
          %add3A_86 = arith.constant 2 : i32
          %add3A_87 = arith.addi %mul3A_85, %add3A_86 : i32
          %get3A_88 = arith.index_cast %add3A_87 : i32 to index
          %get3A_89 = arith.constant 0 : index
          %get3A_90 = tpu.vector_load %arg7[%get3A_88, %get3A_89] {strides = array<i32>} : memref<288x128xf32, #tpu.memory_space<vmem>>, vector<1x16xf32>,
          %get3A_91 = vector.shape_cast %get3A_90 : vector<1x16xf32> to vector<16xf32>
          %add3A_92 = arith.addf %add3A_83, %get3A_91 : vector<16xf32>
          %mul3A_93 = arith.constant 9 : i32
          %mul3A_94 = arith.muli %mul3A_93, %scan3A_69 : i32
          %add3A_95 = arith.constant 3 : i32
          %add3A_96 = arith.addi %mul3A_94, %add3A_95 : i32
          %get3A_97 = arith.index_cast %add3A_96 : i32 to index
          %get3A_98 = arith.constant 0 : index
          %get3A_99 = tpu.vector_load %arg7[%get3A_97, %get3A_98] {strides = array<i32>} : memref<288x128xf32, #tpu.memory_space<vmem>>, vector<1x16xf32>,
          %get3A_100 = vector.shape_cast %get3A_99 : vector<1x16xf32> to vector<16xf32>
          %add3A_101 = arith.addf %add3A_92, %get3A_100 : vector<16xf32>
          %mul3A_102 = arith.constant 9 : i32
          %mul3A_103 = arith.muli %mul3A_102, %scan3A_69 : i32
          %add3A_104 = arith.constant 4 : i32
          %add3A_105 = arith.addi %mul3A_103, %add3A_104 : i32
          %get3A_106 = arith.index_cast %add3A_105 : i32 to index
          %get3A_107 = arith.constant 0 : index
          %get3A_108 = tpu.vector_load %arg7[%get3A_106, %get3A_107] {strides = array<i32>} : memref<288x128xf32, #tpu.memory_space<vmem>>, vector<1x16xf32>,
          %get3A_109 = vector.shape_cast %get3A_108 : vector<1x16xf32> to vector<16xf32>
          %add3A_110 = arith.addf %add3A_101, %get3A_109 : vector<16xf32>
          %mul3A_111 = arith.constant 9 : i32
          %mul3A_112 = arith.muli %mul3A_111, %scan3A_69 : i32
          %add3A_113 = arith.constant 5 : i32
          %add3A_114 = arith.addi %mul3A_112, %add3A_113 : i32
          %get3A_115 = arith.index_cast %add3A_114 : i32 to index
          %get3A_116 = arith.constant 0 : index
          %get3A_117 = tpu.vector_load %arg7[%get3A_115, %get3A_116] {strides = array<i32>} : memref<288x128xf32, #tpu.memory_space<vmem>>, vector<1x16xf32>,
          %get3A_118 = vector.shape_cast %get3A_117 : vector<1x16xf32> to vector<16xf32>
          %add3A_119 = arith.addf %add3A_110, %get3A_118 : vector<16xf32>
          %mul3A_120 = arith.constant 9 : i32
          %mul3A_121 = arith.muli %mul3A_120, %scan3A_69 : i32
          %add3A_122 = arith.constant 6 : i32
          %add3A_123 = arith.addi %mul3A_121, %add3A_122 : i32
          %get3A_124 = arith.index_cast %add3A_123 : i32 to index
          %get3A_125 = arith.constant 0 : index
          %get3A_126 = tpu.vector_load %arg7[%get3A_124, %get3A_125] {strides = array<i32>} : memref<288x128xf32, #tpu.memory_space<vmem>>, vector<1x16xf32>,
          %get3A_127 = vector.shape_cast %get3A_126 : vector<1x16xf32> to vector<16xf32>
          %add3A_128 = arith.addf %add3A_119, %get3A_127 : vector<16xf32>
          %mul3A_129 = arith.constant 9 : i32
          %mul3A_130 = arith.muli %mul3A_129, %scan3A_69 : i32
          %add3A_131 = arith.constant 7 : i32
          %add3A_132 = arith.addi %mul3A_130, %add3A_131 : i32
          %get3A_133 = arith.index_cast %add3A_132 : i32 to index
          %get3A_134 = arith.constant 0 : index
          %get3A_135 = tpu.vector_load %arg7[%get3A_133, %get3A_134] {strides = array<i32>} : memref<288x128xf32, #tpu.memory_space<vmem>>, vector<1x16xf32>,
          %get3A_136 = vector.shape_cast %get3A_135 : vector<1x16xf32> to vector<16xf32>
          %add3A_137 = arith.addf %add3A_128, %get3A_136 : vector<16xf32>
          %mul3A_138 = arith.constant 9 : i32
          %mul3A_139 = arith.muli %mul3A_138, %scan3A_69 : i32
          %add3A_140 = arith.constant 8 : i32
          %add3A_141 = arith.addi %mul3A_139, %add3A_140 : i32
          %get3A_142 = arith.index_cast %add3A_141 : i32 to index
          %get3A_143 = arith.constant 0 : index
          %get3A_144 = tpu.vector_load %arg7[%get3A_142, %get3A_143] {strides = array<i32>} : memref<288x128xf32, #tpu.memory_space<vmem>>, vector<1x16xf32>,
          %get3A_145 = vector.shape_cast %get3A_144 : vector<1x16xf32> to vector<16xf32>
          %add3A_146 = arith.addf %add3A_137, %get3A_145 : vector<16xf32>
          %swap3A = arith.index_cast %scan3A_69 : i32 to index
          %swap3A_147 = arith.constant 0 : index
          %swap3A_148 = tpu.vector_load %arg8[%swap3A, %swap3A_147] {strides = array<i32>} : memref<32x128xf32, #tpu.memory_space<vmem>>, vector<1x16xf32>,
          %swap3A_149 = vector.shape_cast %swap3A_148 : vector<1x16xf32> to vector<16xf32>
          %swap3A_150 = vector.shape_cast %add3A_146 : vector<16xf32> to vector<1x16xf32>
          tpu.vector_store %arg8[%swap3A, %swap3A_147], %swap3A_150 {strides = array<i32>} : memref<32x128xf32, #tpu.memory_space<vmem>>, vector<1x16xf32>,
          %mul3A_151 = arith.constant 9 : i32
          %mul3A_152 = arith.muli %mul3A_151, %scan3A_69 : i32
          %get3A_153 = arith.index_cast %mul3A_152 : i32 to index
          %get3A_154 = arith.constant 16 : index
          %get3A_155 = tpu.vector_load %arg7[%get3A_153, %get3A_154] {strides = array<i32>} : memref<288x128xf32, #tpu.memory_space<vmem>>, vector<1x16xf32>,
          %get3A_156 = vector.shape_cast %get3A_155 : vector<1x16xf32> to vector<16xf32>
          %mul3A_157 = arith.constant 9 : i32
          %mul3A_158 = arith.muli %mul3A_157, %scan3A_69 : i32
          %add3A_159 = arith.constant 1 : i32
          %add3A_160 = arith.addi %mul3A_158, %add3A_159 : i32
          %get3A_161 = arith.index_cast %add3A_160 : i32 to index
          %get3A_162 = arith.constant 16 : index
          %get3A_163 = tpu.vector_load %arg7[%get3A_161, %get3A_162] {strides = array<i32>} : memref<288x128xf32, #tpu.memory_space<vmem>>, vector<1x16xf32>,
          %get3A_164 = vector.shape_cast %get3A_163 : vector<1x16xf32> to vector<16xf32>
          %add3A_165 = arith.addf %get3A_156, %get3A_164 : vector<16xf32>
          %mul3A_166 = arith.constant 9 : i32
          %mul3A_167 = arith.muli %mul3A_166, %scan3A_69 : i32
          %add3A_168 = arith.constant 2 : i32
          %add3A_169 = arith.addi %mul3A_167, %add3A_168 : i32
          %get3A_170 = arith.index_cast %add3A_169 : i32 to index
          %get3A_171 = arith.constant 16 : index
          %get3A_172 = tpu.vector_load %arg7[%get3A_170, %get3A_171] {strides = array<i32>} : memref<288x128xf32, #tpu.memory_space<vmem>>, vector<1x16xf32>,
          %get3A_173 = vector.shape_cast %get3A_172 : vector<1x16xf32> to vector<16xf32>
          %add3A_174 = arith.addf %add3A_165, %get3A_173 : vector<16xf32>
          %mul3A_175 = arith.constant 9 : i32
          %mul3A_176 = arith.muli %mul3A_175, %scan3A_69 : i32
          %add3A_177 = arith.constant 3 : i32
          %add3A_178 = arith.addi %mul3A_176, %add3A_177 : i32
          %get3A_179 = arith.index_cast %add3A_178 : i32 to index
          %get3A_180 = arith.constant 16 : index
          %get3A_181 = tpu.vector_load %arg7[%get3A_179, %get3A_180] {strides = array<i32>} : memref<288x128xf32, #tpu.memory_space<vmem>>, vector<1x16xf32>,
          %get3A_182 = vector.shape_cast %get3A_181 : vector<1x16xf32> to vector<16xf32>
          %add3A_183 = arith.addf %add3A_174, %get3A_182 : vector<16xf32>
          %mul3A_184 = arith.constant 9 : i32
          %mul3A_185 = arith.muli %mul3A_184, %scan3A_69 : i32
          %add3A_186 = arith.constant 4 : i32
          %add3A_187 = arith.addi %mul3A_185, %add3A_186 : i32
          %get3A_188 = arith.index_cast %add3A_187 : i32 to index
          %get3A_189 = arith.constant 16 : index
          %get3A_190 = tpu.vector_load %arg7[%get3A_188, %get3A_189] {strides = array<i32>} : memref<288x128xf32, #tpu.memory_space<vmem>>, vector<1x16xf32>,
          %get3A_191 = vector.shape_cast %get3A_190 : vector<1x16xf32> to vector<16xf32>
          %add3A_192 = arith.addf %add3A_183, %get3A_191 : vector<16xf32>
          %mul3A_193 = arith.constant 9 : i32
          %mul3A_194 = arith.muli %mul3A_193, %scan3A_69 : i32
          %add3A_195 = arith.constant 5 : i32
          %add3A_196 = arith.addi %mul3A_194, %add3A_195 : i32
          %get3A_197 = arith.index_cast %add3A_196 : i32 to index
          %get3A_198 = arith.constant 16 : index
          %get3A_199 = tpu.vector_load %arg7[%get3A_197, %get3A_198] {strides = array<i32>} : memref<288x128xf32, #tpu.memory_space<vmem>>, vector<1x16xf32>,
          %get3A_200 = vector.shape_cast %get3A_199 : vector<1x16xf32> to vector<16xf32>
          %add3A_201 = arith.addf %add3A_192, %get3A_200 : vector<16xf32>
          %mul3A_202 = arith.constant 9 : i32
          %mul3A_203 = arith.muli %mul3A_202, %scan3A_69 : i32
          %add3A_204 = arith.constant 6 : i32
          %add3A_205 = arith.addi %mul3A_203, %add3A_204 : i32
          %get3A_206 = arith.index_cast %add3A_205 : i32 to index
          %get3A_207 = arith.constant 16 : index
          %get3A_208 = tpu.vector_load %arg7[%get3A_206, %get3A_207] {strides = array<i32>} : memref<288x128xf32, #tpu.memory_space<vmem>>, vector<1x16xf32>,
          %get3A_209 = vector.shape_cast %get3A_208 : vector<1x16xf32> to vector<16xf32>
          %add3A_210 = arith.addf %add3A_201, %get3A_209 : vector<16xf32>
          %mul3A_211 = arith.constant 9 : i32
          %mul3A_212 = arith.muli %mul3A_211, %scan3A_69 : i32
          %add3A_213 = arith.constant 7 : i32
          %add3A_214 = arith.addi %mul3A_212, %add3A_213 : i32
          %get3A_215 = arith.index_cast %add3A_214 : i32 to index
          %get3A_216 = arith.constant 16 : index
          %get3A_217 = tpu.vector_load %arg7[%get3A_215, %get3A_216] {strides = array<i32>} : memref<288x128xf32, #tpu.memory_space<vmem>>, vector<1x16xf32>,
          %get3A_218 = vector.shape_cast %get3A_217 : vector<1x16xf32> to vector<16xf32>
          %add3A_219 = arith.addf %add3A_210, %get3A_218 : vector<16xf32>
          %mul3A_220 = arith.constant 9 : i32
          %mul3A_221 = arith.muli %mul3A_220, %scan3A_69 : i32
          %add3A_222 = arith.constant 8 : i32
          %add3A_223 = arith.addi %mul3A_221, %add3A_222 : i32
          %get3A_224 = arith.index_cast %add3A_223 : i32 to index
          %get3A_225 = arith.constant 16 : index
          %get3A_226 = tpu.vector_load %arg7[%get3A_224, %get3A_225] {strides = array<i32>} : memref<288x128xf32, #tpu.memory_space<vmem>>, vector<1x16xf32>,
          %get3A_227 = vector.shape_cast %get3A_226 : vector<1x16xf32> to vector<16xf32>
          %add3A_228 = arith.addf %add3A_219, %get3A_227 : vector<16xf32>
          %swap3A_229 = arith.index_cast %scan3A_69 : i32 to index
          %swap3A_230 = arith.constant 16 : index
          %swap3A_231 = tpu.vector_load %arg8[%swap3A_229, %swap3A_230] {strides = array<i32>} : memref<32x128xf32, #tpu.memory_space<vmem>>, vector<1x16xf32>,
          %swap3A_232 = vector.shape_cast %swap3A_231 : vector<1x16xf32> to vector<16xf32>
          %swap3A_233 = vector.shape_cast %add3A_228 : vector<16xf32> to vector<1x16xf32>
          tpu.vector_store %arg8[%swap3A_229, %swap3A_230], %swap3A_233 {strides = array<i32>} : memref<32x128xf32, #tpu.memory_space<vmem>>, vector<1x16xf32>,
          %mul3A_234 = arith.constant 9 : i32
          %mul3A_235 = arith.muli %mul3A_234, %scan3A_69 : i32
          %get3A_236 = arith.index_cast %mul3A_235 : i32 to index
          %get3A_237 = arith.constant 32 : index
          %get3A_238 = tpu.vector_load %arg7[%get3A_236, %get3A_237] {strides = array<i32>} : memref<288x128xf32, #tpu.memory_space<vmem>>, vector<1x16xf32>,
          %get3A_239 = vector.shape_cast %get3A_238 : vector<1x16xf32> to vector<16xf32>
          %mul3A_240 = arith.constant 9 : i32
          %mul3A_241 = arith.muli %mul3A_240, %scan3A_69 : i32
          %add3A_242 = arith.constant 1 : i32
          %add3A_243 = arith.addi %mul3A_241, %add3A_242 : i32
          %get3A_244 = arith.index_cast %add3A_243 : i32 to index
          %get3A_245 = arith.constant 32 : index
          %get3A_246 = tpu.vector_load %arg7[%get3A_244, %get3A_245] {strides = array<i32>} : memref<288x128xf32, #tpu.memory_space<vmem>>, vector<1x16xf32>,
          %get3A_247 = vector.shape_cast %get3A_246 : vector<1x16xf32> to vector<16xf32>
          %add3A_248 = arith.addf %get3A_239, %get3A_247 : vector<16xf32>
          %mul3A_249 = arith.constant 9 : i32
          %mul3A_250 = arith.muli %mul3A_249, %scan3A_69 : i32
          %add3A_251 = arith.constant 2 : i32
          %add3A_252 = arith.addi %mul3A_250, %add3A_251 : i32
          %get3A_253 = arith.index_cast %add3A_252 : i32 to index
          %get3A_254 = arith.constant 32 : index
          %get3A_255 = tpu.vector_load %arg7[%get3A_253, %get3A_254] {strides = array<i32>} : memref<288x128xf32, #tpu.memory_space<vmem>>, vector<1x16xf32>,
          %get3A_256 = vector.shape_cast %get3A_255 : vector<1x16xf32> to vector<16xf32>
          %add3A_257 = arith.addf %add3A_248, %get3A_256 : vector<16xf32>
          %mul3A_258 = arith.constant 9 : i32
          %mul3A_259 = arith.muli %mul3A_258, %scan3A_69 : i32
          %add3A_260 = arith.constant 3 : i32
          %add3A_261 = arith.addi %mul3A_259, %add3A_260 : i32
          %get3A_262 = arith.index_cast %add3A_261 : i32 to index
          %get3A_263 = arith.constant 32 : index
          %get3A_264 = tpu.vector_load %arg7[%get3A_262, %get3A_263] {strides = array<i32>} : memref<288x128xf32, #tpu.memory_space<vmem>>, vector<1x16xf32>,
          %get3A_265 = vector.shape_cast %get3A_264 : vector<1x16xf32> to vector<16xf32>
          %add3A_266 = arith.addf %add3A_257, %get3A_265 : vector<16xf32>
          %mul3A_267 = arith.constant 9 : i32
          %mul3A_268 = arith.muli %mul3A_267, %scan3A_69 : i32
          %add3A_269 = arith.constant 4 : i32
          %add3A_270 = arith.addi %mul3A_268, %add3A_269 : i32
          %get3A_271 = arith.index_cast %add3A_270 : i32 to index
          %get3A_272 = arith.constant 32 : index
          %get3A_273 = tpu.vector_load %arg7[%get3A_271, %get3A_272] {strides = array<i32>} : memref<288x128xf32, #tpu.memory_space<vmem>>, vector<1x16xf32>,
          %get3A_274 = vector.shape_cast %get3A_273 : vector<1x16xf32> to vector<16xf32>
          %add3A_275 = arith.addf %add3A_266, %get3A_274 : vector<16xf32>
          %mul3A_276 = arith.constant 9 : i32
          %mul3A_277 = arith.muli %mul3A_276, %scan3A_69 : i32
          %add3A_278 = arith.constant 5 : i32
          %add3A_279 = arith.addi %mul3A_277, %add3A_278 : i32
          %get3A_280 = arith.index_cast %add3A_279 : i32 to index
          %get3A_281 = arith.constant 32 : index
          %get3A_282 = tpu.vector_load %arg7[%get3A_280, %get3A_281] {strides = array<i32>} : memref<288x128xf32, #tpu.memory_space<vmem>>, vector<1x16xf32>,
          %get3A_283 = vector.shape_cast %get3A_282 : vector<1x16xf32> to vector<16xf32>
          %add3A_284 = arith.addf %add3A_275, %get3A_283 : vector<16xf32>
          %mul3A_285 = arith.constant 9 : i32
          %mul3A_286 = arith.muli %mul3A_285, %scan3A_69 : i32
          %add3A_287 = arith.constant 6 : i32
          %add3A_288 = arith.addi %mul3A_286, %add3A_287 : i32
          %get3A_289 = arith.index_cast %add3A_288 : i32 to index
          %get3A_290 = arith.constant 32 : index
          %get3A_291 = tpu.vector_load %arg7[%get3A_289, %get3A_290] {strides = array<i32>} : memref<288x128xf32, #tpu.memory_space<vmem>>, vector<1x16xf32>,
          %get3A_292 = vector.shape_cast %get3A_291 : vector<1x16xf32> to vector<16xf32>
          %add3A_293 = arith.addf %add3A_284, %get3A_292 : vector<16xf32>
          %mul3A_294 = arith.constant 9 : i32
          %mul3A_295 = arith.muli %mul3A_294, %scan3A_69 : i32
          %add3A_296 = arith.constant 7 : i32
          %add3A_297 = arith.addi %mul3A_295, %add3A_296 : i32
          %get3A_298 = arith.index_cast %add3A_297 : i32 to index
          %get3A_299 = arith.constant 32 : index
          %get3A_300 = tpu.vector_load %arg7[%get3A_298, %get3A_299] {strides = array<i32>} : memref<288x128xf32, #tpu.memory_space<vmem>>, vector<1x16xf32>,
          %get3A_301 = vector.shape_cast %get3A_300 : vector<1x16xf32> to vector<16xf32>
          %add3A_302 = arith.addf %add3A_293, %get3A_301 : vector<16xf32>
          %mul3A_303 = arith.constant 9 : i32
          %mul3A_304 = arith.muli %mul3A_303, %scan3A_69 : i32
          %add3A_305 = arith.constant 8 : i32
          %add3A_306 = arith.addi %mul3A_304, %add3A_305 : i32
          %get3A_307 = arith.index_cast %add3A_306 : i32 to index
          %get3A_308 = arith.constant 32 : index
          %get3A_309 = tpu.vector_load %arg7[%get3A_307, %get3A_308] {strides = array<i32>} : memref<288x128xf32, #tpu.memory_space<vmem>>, vector<1x16xf32>,
          %get3A_310 = vector.shape_cast %get3A_309 : vector<1x16xf32> to vector<16xf32>
          %add3A_311 = arith.addf %add3A_302, %get3A_310 : vector<16xf32>
          %swap3A_312 = arith.index_cast %scan3A_69 : i32 to index
          %swap3A_313 = arith.constant 32 : index
          %swap3A_314 = tpu.vector_load %arg8[%swap3A_312, %swap3A_313] {strides = array<i32>} : memref<32x128xf32, #tpu.memory_space<vmem>>, vector<1x16xf32>,
          %swap3A_315 = vector.shape_cast %swap3A_314 : vector<1x16xf32> to vector<16xf32>
          %swap3A_316 = vector.shape_cast %add3A_311 : vector<16xf32> to vector<1x16xf32>
          tpu.vector_store %arg8[%swap3A_312, %swap3A_313], %swap3A_316 {strides = array<i32>} : memref<32x128xf32, #tpu.memory_space<vmem>>, vector<1x16xf32>,
          %mul3A_317 = arith.constant 9 : i32
          %mul3A_318 = arith.muli %mul3A_317, %scan3A_69 : i32
          %get3A_319 = arith.index_cast %mul3A_318 : i32 to index
          %get3A_320 = arith.constant 48 : index
          %get3A_321 = tpu.vector_load %arg7[%get3A_319, %get3A_320] {strides = array<i32>} : memref<288x128xf32, #tpu.memory_space<vmem>>, vector<1x16xf32>,
          %get3A_322 = vector.shape_cast %get3A_321 : vector<1x16xf32> to vector<16xf32>
          %mul3A_323 = arith.constant 9 : i32
          %mul3A_324 = arith.muli %mul3A_323, %scan3A_69 : i32
          %add3A_325 = arith.constant 1 : i32
          %add3A_326 = arith.addi %mul3A_324, %add3A_325 : i32
          %get3A_327 = arith.index_cast %add3A_326 : i32 to index
          %get3A_328 = arith.constant 48 : index
          %get3A_329 = tpu.vector_load %arg7[%get3A_327, %get3A_328] {strides = array<i32>} : memref<288x128xf32, #tpu.memory_space<vmem>>, vector<1x16xf32>,
          %get3A_330 = vector.shape_cast %get3A_329 : vector<1x16xf32> to vector<16xf32>
          %add3A_331 = arith.addf %get3A_322, %get3A_330 : vector<16xf32>
          %mul3A_332 = arith.constant 9 : i32
          %mul3A_333 = arith.muli %mul3A_332, %scan3A_69 : i32
          %add3A_334 = arith.constant 2 : i32
          %add3A_335 = arith.addi %mul3A_333, %add3A_334 : i32
          %get3A_336 = arith.index_cast %add3A_335 : i32 to index
          %get3A_337 = arith.constant 48 : index
          %get3A_338 = tpu.vector_load %arg7[%get3A_336, %get3A_337] {strides = array<i32>} : memref<288x128xf32, #tpu.memory_space<vmem>>, vector<1x16xf32>,
          %get3A_339 = vector.shape_cast %get3A_338 : vector<1x16xf32> to vector<16xf32>
          %add3A_340 = arith.addf %add3A_331, %get3A_339 : vector<16xf32>
          %mul3A_341 = arith.constant 9 : i32
          %mul3A_342 = arith.muli %mul3A_341, %scan3A_69 : i32
          %add3A_343 = arith.constant 3 : i32
          %add3A_344 = arith.addi %mul3A_342, %add3A_343 : i32
          %get3A_345 = arith.index_cast %add3A_344 : i32 to index
          %get3A_346 = arith.constant 48 : index
          %get3A_347 = tpu.vector_load %arg7[%get3A_345, %get3A_346] {strides = array<i32>} : memref<288x128xf32, #tpu.memory_space<vmem>>, vector<1x16xf32>,
          %get3A_348 = vector.shape_cast %get3A_347 : vector<1x16xf32> to vector<16xf32>
          %add3A_349 = arith.addf %add3A_340, %get3A_348 : vector<16xf32>
          %mul3A_350 = arith.constant 9 : i32
          %mul3A_351 = arith.muli %mul3A_350, %scan3A_69 : i32
          %add3A_352 = arith.constant 4 : i32
          %add3A_353 = arith.addi %mul3A_351, %add3A_352 : i32
          %get3A_354 = arith.index_cast %add3A_353 : i32 to index
          %get3A_355 = arith.constant 48 : index
          %get3A_356 = tpu.vector_load %arg7[%get3A_354, %get3A_355] {strides = array<i32>} : memref<288x128xf32, #tpu.memory_space<vmem>>, vector<1x16xf32>,
          %get3A_357 = vector.shape_cast %get3A_356 : vector<1x16xf32> to vector<16xf32>
          %add3A_358 = arith.addf %add3A_349, %get3A_357 : vector<16xf32>
          %mul3A_359 = arith.constant 9 : i32
          %mul3A_360 = arith.muli %mul3A_359, %scan3A_69 : i32
          %add3A_361 = arith.constant 5 : i32
          %add3A_362 = arith.addi %mul3A_360, %add3A_361 : i32
          %get3A_363 = arith.index_cast %add3A_362 : i32 to index
          %get3A_364 = arith.constant 48 : index
          %get3A_365 = tpu.vector_load %arg7[%get3A_363, %get3A_364] {strides = array<i32>} : memref<288x128xf32, #tpu.memory_space<vmem>>, vector<1x16xf32>,
          %get3A_366 = vector.shape_cast %get3A_365 : vector<1x16xf32> to vector<16xf32>
          %add3A_367 = arith.addf %add3A_358, %get3A_366 : vector<16xf32>
          %mul3A_368 = arith.constant 9 : i32
          %mul3A_369 = arith.muli %mul3A_368, %scan3A_69 : i32
          %add3A_370 = arith.constant 6 : i32
          %add3A_371 = arith.addi %mul3A_369, %add3A_370 : i32
          %get3A_372 = arith.index_cast %add3A_371 : i32 to index
          %get3A_373 = arith.constant 48 : index
          %get3A_374 = tpu.vector_load %arg7[%get3A_372, %get3A_373] {strides = array<i32>} : memref<288x128xf32, #tpu.memory_space<vmem>>, vector<1x16xf32>,
          %get3A_375 = vector.shape_cast %get3A_374 : vector<1x16xf32> to vector<16xf32>
          %add3A_376 = arith.addf %add3A_367, %get3A_375 : vector<16xf32>
          %mul3A_377 = arith.constant 9 : i32
          %mul3A_378 = arith.muli %mul3A_377, %scan3A_69 : i32
          %add3A_379 = arith.constant 7 : i32
          %add3A_380 = arith.addi %mul3A_378, %add3A_379 : i32
          %get3A_381 = arith.index_cast %add3A_380 : i32 to index
          %get3A_382 = arith.constant 48 : index
          %get3A_383 = tpu.vector_load %arg7[%get3A_381, %get3A_382] {strides = array<i32>} : memref<288x128xf32, #tpu.memory_space<vmem>>, vector<1x16xf32>,
          %get3A_384 = vector.shape_cast %get3A_383 : vector<1x16xf32> to vector<16xf32>
          %add3A_385 = arith.addf %add3A_376, %get3A_384 : vector<16xf32>
          %mul3A_386 = arith.constant 9 : i32
          %mul3A_387 = arith.muli %mul3A_386, %scan3A_69 : i32
          %add3A_388 = arith.constant 8 : i32
          %add3A_389 = arith.addi %mul3A_387, %add3A_388 : i32
          %get3A_390 = arith.index_cast %add3A_389 : i32 to index
          %get3A_391 = arith.constant 48 : index
          %get3A_392 = tpu.vector_load %arg7[%get3A_390, %get3A_391] {strides = array<i32>} : memref<288x128xf32, #tpu.memory_space<vmem>>, vector<1x16xf32>,
          %get3A_393 = vector.shape_cast %get3A_392 : vector<1x16xf32> to vector<16xf32>
          %add3A_394 = arith.addf %add3A_385, %get3A_393 : vector<16xf32>
          %swap3A_395 = arith.index_cast %scan3A_69 : i32 to index
          %swap3A_396 = arith.constant 48 : index
          %swap3A_397 = tpu.vector_load %arg8[%swap3A_395, %swap3A_396] {strides = array<i32>} : memref<32x128xf32, #tpu.memory_space<vmem>>, vector<1x16xf32>,
          %swap3A_398 = vector.shape_cast %swap3A_397 : vector<1x16xf32> to vector<16xf32>
          %swap3A_399 = vector.shape_cast %add3A_394 : vector<16xf32> to vector<1x16xf32>
          tpu.vector_store %arg8[%swap3A_395, %swap3A_396], %swap3A_399 {strides = array<i32>} : memref<32x128xf32, #tpu.memory_space<vmem>>, vector<1x16xf32>,
          %mul3A_400 = arith.constant 9 : i32
          %mul3A_401 = arith.muli %mul3A_400, %scan3A_69 : i32
          %get3A_402 = arith.index_cast %mul3A_401 : i32 to index
          %get3A_403 = arith.constant 64 : index
          %get3A_404 = tpu.vector_load %arg7[%get3A_402, %get3A_403] {strides = array<i32>} : memref<288x128xf32, #tpu.memory_space<vmem>>, vector<1x16xf32>,
          %get3A_405 = vector.shape_cast %get3A_404 : vector<1x16xf32> to vector<16xf32>
          %mul3A_406 = arith.constant 9 : i32
          %mul3A_407 = arith.muli %mul3A_406, %scan3A_69 : i32
          %add3A_408 = arith.constant 1 : i32
          %add3A_409 = arith.addi %mul3A_407, %add3A_408 : i32
          %get3A_410 = arith.index_cast %add3A_409 : i32 to index
          %get3A_411 = arith.constant 64 : index
          %get3A_412 = tpu.vector_load %arg7[%get3A_410, %get3A_411] {strides = array<i32>} : memref<288x128xf32, #tpu.memory_space<vmem>>, vector<1x16xf32>,
          %get3A_413 = vector.shape_cast %get3A_412 : vector<1x16xf32> to vector<16xf32>
          %add3A_414 = arith.addf %get3A_405, %get3A_413 : vector<16xf32>
          %mul3A_415 = arith.constant 9 : i32
          %mul3A_416 = arith.muli %mul3A_415, %scan3A_69 : i32
          %add3A_417 = arith.constant 2 : i32
          %add3A_418 = arith.addi %mul3A_416, %add3A_417 : i32
          %get3A_419 = arith.index_cast %add3A_418 : i32 to index
          %get3A_420 = arith.constant 64 : index
          %get3A_421 = tpu.vector_load %arg7[%get3A_419, %get3A_420] {strides = array<i32>} : memref<288x128xf32, #tpu.memory_space<vmem>>, vector<1x16xf32>,
          %get3A_422 = vector.shape_cast %get3A_421 : vector<1x16xf32> to vector<16xf32>
          %add3A_423 = arith.addf %add3A_414, %get3A_422 : vector<16xf32>
          %mul3A_424 = arith.constant 9 : i32
          %mul3A_425 = arith.muli %mul3A_424, %scan3A_69 : i32
          %add3A_426 = arith.constant 3 : i32
          %add3A_427 = arith.addi %mul3A_425, %add3A_426 : i32
          %get3A_428 = arith.index_cast %add3A_427 : i32 to index
          %get3A_429 = arith.constant 64 : index
          %get3A_430 = tpu.vector_load %arg7[%get3A_428, %get3A_429] {strides = array<i32>} : memref<288x128xf32, #tpu.memory_space<vmem>>, vector<1x16xf32>,
          %get3A_431 = vector.shape_cast %get3A_430 : vector<1x16xf32> to vector<16xf32>
          %add3A_432 = arith.addf %add3A_423, %get3A_431 : vector<16xf32>
          %mul3A_433 = arith.constant 9 : i32
          %mul3A_434 = arith.muli %mul3A_433, %scan3A_69 : i32
          %add3A_435 = arith.constant 4 : i32
          %add3A_436 = arith.addi %mul3A_434, %add3A_435 : i32
          %get3A_437 = arith.index_cast %add3A_436 : i32 to index
          %get3A_438 = arith.constant 64 : index
          %get3A_439 = tpu.vector_load %arg7[%get3A_437, %get3A_438] {strides = array<i32>} : memref<288x128xf32, #tpu.memory_space<vmem>>, vector<1x16xf32>,
          %get3A_440 = vector.shape_cast %get3A_439 : vector<1x16xf32> to vector<16xf32>
          %add3A_441 = arith.addf %add3A_432, %get3A_440 : vector<16xf32>
          %mul3A_442 = arith.constant 9 : i32
          %mul3A_443 = arith.muli %mul3A_442, %scan3A_69 : i32
          %add3A_444 = arith.constant 5 : i32
          %add3A_445 = arith.addi %mul3A_443, %add3A_444 : i32
          %get3A_446 = arith.index_cast %add3A_445 : i32 to index
          %get3A_447 = arith.constant 64 : index
          %get3A_448 = tpu.vector_load %arg7[%get3A_446, %get3A_447] {strides = array<i32>} : memref<288x128xf32, #tpu.memory_space<vmem>>, vector<1x16xf32>,
          %get3A_449 = vector.shape_cast %get3A_448 : vector<1x16xf32> to vector<16xf32>
          %add3A_450 = arith.addf %add3A_441, %get3A_449 : vector<16xf32>
          %mul3A_451 = arith.constant 9 : i32
          %mul3A_452 = arith.muli %mul3A_451, %scan3A_69 : i32
          %add3A_453 = arith.constant 6 : i32
          %add3A_454 = arith.addi %mul3A_452, %add3A_453 : i32
          %get3A_455 = arith.index_cast %add3A_454 : i32 to index
          %get3A_456 = arith.constant 64 : index
          %get3A_457 = tpu.vector_load %arg7[%get3A_455, %get3A_456] {strides = array<i32>} : memref<288x128xf32, #tpu.memory_space<vmem>>, vector<1x16xf32>,
          %get3A_458 = vector.shape_cast %get3A_457 : vector<1x16xf32> to vector<16xf32>
          %add3A_459 = arith.addf %add3A_450, %get3A_458 : vector<16xf32>
          %mul3A_460 = arith.constant 9 : i32
          %mul3A_461 = arith.muli %mul3A_460, %scan3A_69 : i32
          %add3A_462 = arith.constant 7 : i32
          %add3A_463 = arith.addi %mul3A_461, %add3A_462 : i32
          %get3A_464 = arith.index_cast %add3A_463 : i32 to index
          %get3A_465 = arith.constant 64 : index
          %get3A_466 = tpu.vector_load %arg7[%get3A_464, %get3A_465] {strides = array<i32>} : memref<288x128xf32, #tpu.memory_space<vmem>>, vector<1x16xf32>,
          %get3A_467 = vector.shape_cast %get3A_466 : vector<1x16xf32> to vector<16xf32>
          %add3A_468 = arith.addf %add3A_459, %get3A_467 : vector<16xf32>
          %mul3A_469 = arith.constant 9 : i32
          %mul3A_470 = arith.muli %mul3A_469, %scan3A_69 : i32
          %add3A_471 = arith.constant 8 : i32
          %add3A_472 = arith.addi %mul3A_470, %add3A_471 : i32
          %get3A_473 = arith.index_cast %add3A_472 : i32 to index
          %get3A_474 = arith.constant 64 : index
          %get3A_475 = tpu.vector_load %arg7[%get3A_473, %get3A_474] {strides = array<i32>} : memref<288x128xf32, #tpu.memory_space<vmem>>, vector<1x16xf32>,
          %get3A_476 = vector.shape_cast %get3A_475 : vector<1x16xf32> to vector<16xf32>
          %add3A_477 = arith.addf %add3A_468, %get3A_476 : vector<16xf32>
          %swap3A_478 = arith.index_cast %scan3A_69 : i32 to index
          %swap3A_479 = arith.constant 64 : index
          %swap3A_480 = tpu.vector_load %arg8[%swap3A_478, %swap3A_479] {strides = array<i32>} : memref<32x128xf32, #tpu.memory_space<vmem>>, vector<1x16xf32>,
          %swap3A_481 = vector.shape_cast %swap3A_480 : vector<1x16xf32> to vector<16xf32>
          %swap3A_482 = vector.shape_cast %add3A_477 : vector<16xf32> to vector<1x16xf32>
          tpu.vector_store %arg8[%swap3A_478, %swap3A_479], %swap3A_482 {strides = array<i32>} : memref<32x128xf32, #tpu.memory_space<vmem>>, vector<1x16xf32>,
          %mul3A_483 = arith.constant 9 : i32
          %mul3A_484 = arith.muli %mul3A_483, %scan3A_69 : i32
          %get3A_485 = arith.index_cast %mul3A_484 : i32 to index
          %get3A_486 = arith.constant 80 : index
          %get3A_487 = tpu.vector_load %arg7[%get3A_485, %get3A_486] {strides = array<i32>} : memref<288x128xf32, #tpu.memory_space<vmem>>, vector<1x16xf32>,
          %get3A_488 = vector.shape_cast %get3A_487 : vector<1x16xf32> to vector<16xf32>
          %mul3A_489 = arith.constant 9 : i32
          %mul3A_490 = arith.muli %mul3A_489, %scan3A_69 : i32
          %add3A_491 = arith.constant 1 : i32
          %add3A_492 = arith.addi %mul3A_490, %add3A_491 : i32
          %get3A_493 = arith.index_cast %add3A_492 : i32 to index
          %get3A_494 = arith.constant 80 : index
          %get3A_495 = tpu.vector_load %arg7[%get3A_493, %get3A_494] {strides = array<i32>} : memref<288x128xf32, #tpu.memory_space<vmem>>, vector<1x16xf32>,
          %get3A_496 = vector.shape_cast %get3A_495 : vector<1x16xf32> to vector<16xf32>
          %add3A_497 = arith.addf %get3A_488, %get3A_496 : vector<16xf32>
          %mul3A_498 = arith.constant 9 : i32
          %mul3A_499 = arith.muli %mul3A_498, %scan3A_69 : i32
          %add3A_500 = arith.constant 2 : i32
          %add3A_501 = arith.addi %mul3A_499, %add3A_500 : i32
          %get3A_502 = arith.index_cast %add3A_501 : i32 to index
          %get3A_503 = arith.constant 80 : index
          %get3A_504 = tpu.vector_load %arg7[%get3A_502, %get3A_503] {strides = array<i32>} : memref<288x128xf32, #tpu.memory_space<vmem>>, vector<1x16xf32>,
          %get3A_505 = vector.shape_cast %get3A_504 : vector<1x16xf32> to vector<16xf32>
          %add3A_506 = arith.addf %add3A_497, %get3A_505 : vector<16xf32>
          %mul3A_507 = arith.constant 9 : i32
          %mul3A_508 = arith.muli %mul3A_507, %scan3A_69 : i32
          %add3A_509 = arith.constant 3 : i32
          %add3A_510 = arith.addi %mul3A_508, %add3A_509 : i32
          %get3A_511 = arith.index_cast %add3A_510 : i32 to index
          %get3A_512 = arith.constant 80 : index
          %get3A_513 = tpu.vector_load %arg7[%get3A_511, %get3A_512] {strides = array<i32>} : memref<288x128xf32, #tpu.memory_space<vmem>>, vector<1x16xf32>,
          %get3A_514 = vector.shape_cast %get3A_513 : vector<1x16xf32> to vector<16xf32>
          %add3A_515 = arith.addf %add3A_506, %get3A_514 : vector<16xf32>
          %mul3A_516 = arith.constant 9 : i32
          %mul3A_517 = arith.muli %mul3A_516, %scan3A_69 : i32
          %add3A_518 = arith.constant 4 : i32
          %add3A_519 = arith.addi %mul3A_517, %add3A_518 : i32
          %get3A_520 = arith.index_cast %add3A_519 : i32 to index
          %get3A_521 = arith.constant 80 : index
          %get3A_522 = tpu.vector_load %arg7[%get3A_520, %get3A_521] {strides = array<i32>} : memref<288x128xf32, #tpu.memory_space<vmem>>, vector<1x16xf32>,
          %get3A_523 = vector.shape_cast %get3A_522 : vector<1x16xf32> to vector<16xf32>
          %add3A_524 = arith.addf %add3A_515, %get3A_523 : vector<16xf32>
          %mul3A_525 = arith.constant 9 : i32
          %mul3A_526 = arith.muli %mul3A_525, %scan3A_69 : i32
          %add3A_527 = arith.constant 5 : i32
          %add3A_528 = arith.addi %mul3A_526, %add3A_527 : i32
          %get3A_529 = arith.index_cast %add3A_528 : i32 to index
          %get3A_530 = arith.constant 80 : index
          %get3A_531 = tpu.vector_load %arg7[%get3A_529, %get3A_530] {strides = array<i32>} : memref<288x128xf32, #tpu.memory_space<vmem>>, vector<1x16xf32>,
          %get3A_532 = vector.shape_cast %get3A_531 : vector<1x16xf32> to vector<16xf32>
          %add3A_533 = arith.addf %add3A_524, %get3A_532 : vector<16xf32>
          %mul3A_534 = arith.constant 9 : i32
          %mul3A_535 = arith.muli %mul3A_534, %scan3A_69 : i32
          %add3A_536 = arith.constant 6 : i32
          %add3A_537 = arith.addi %mul3A_535, %add3A_536 : i32
          %get3A_538 = arith.index_cast %add3A_537 : i32 to index
          %get3A_539 = arith.constant 80 : index
          %get3A_540 = tpu.vector_load %arg7[%get3A_538, %get3A_539] {strides = array<i32>} : memref<288x128xf32, #tpu.memory_space<vmem>>, vector<1x16xf32>,
          %get3A_541 = vector.shape_cast %get3A_540 : vector<1x16xf32> to vector<16xf32>
          %add3A_542 = arith.addf %add3A_533, %get3A_541 : vector<16xf32>
          %mul3A_543 = arith.constant 9 : i32
          %mul3A_544 = arith.muli %mul3A_543, %scan3A_69 : i32
          %add3A_545 = arith.constant 7 : i32
          %add3A_546 = arith.addi %mul3A_544, %add3A_545 : i32
          %get3A_547 = arith.index_cast %add3A_546 : i32 to index
          %get3A_548 = arith.constant 80 : index
          %get3A_549 = tpu.vector_load %arg7[%get3A_547, %get3A_548] {strides = array<i32>} : memref<288x128xf32, #tpu.memory_space<vmem>>, vector<1x16xf32>,
          %get3A_550 = vector.shape_cast %get3A_549 : vector<1x16xf32> to vector<16xf32>
          %add3A_551 = arith.addf %add3A_542, %get3A_550 : vector<16xf32>
          %mul3A_552 = arith.constant 9 : i32
          %mul3A_553 = arith.muli %mul3A_552, %scan3A_69 : i32
          %add3A_554 = arith.constant 8 : i32
          %add3A_555 = arith.addi %mul3A_553, %add3A_554 : i32
          %get3A_556 = arith.index_cast %add3A_555 : i32 to index
          %get3A_557 = arith.constant 80 : index
          %get3A_558 = tpu.vector_load %arg7[%get3A_556, %get3A_557] {strides = array<i32>} : memref<288x128xf32, #tpu.memory_space<vmem>>, vector<1x16xf32>,
          %get3A_559 = vector.shape_cast %get3A_558 : vector<1x16xf32> to vector<16xf32>
          %add3A_560 = arith.addf %add3A_551, %get3A_559 : vector<16xf32>
          %swap3A_561 = arith.index_cast %scan3A_69 : i32 to index
          %swap3A_562 = arith.constant 80 : index
          %swap3A_563 = tpu.vector_load %arg8[%swap3A_561, %swap3A_562] {strides = array<i32>} : memref<32x128xf32, #tpu.memory_space<vmem>>, vector<1x16xf32>,
          %swap3A_564 = vector.shape_cast %swap3A_563 : vector<1x16xf32> to vector<16xf32>
          %swap3A_565 = vector.shape_cast %add3A_560 : vector<16xf32> to vector<1x16xf32>
          tpu.vector_store %arg8[%swap3A_561, %swap3A_562], %swap3A_565 {strides = array<i32>} : memref<32x128xf32, #tpu.memory_space<vmem>>, vector<1x16xf32>,
          %mul3A_566 = arith.constant 9 : i32
          %mul3A_567 = arith.muli %mul3A_566, %scan3A_69 : i32
          %get3A_568 = arith.index_cast %mul3A_567 : i32 to index
          %get3A_569 = arith.constant 96 : index
          %get3A_570 = tpu.vector_load %arg7[%get3A_568, %get3A_569] {strides = array<i32>} : memref<288x128xf32, #tpu.memory_space<vmem>>, vector<1x16xf32>,
          %get3A_571 = vector.shape_cast %get3A_570 : vector<1x16xf32> to vector<16xf32>
          %mul3A_572 = arith.constant 9 : i32
          %mul3A_573 = arith.muli %mul3A_572, %scan3A_69 : i32
          %add3A_574 = arith.constant 1 : i32
          %add3A_575 = arith.addi %mul3A_573, %add3A_574 : i32
          %get3A_576 = arith.index_cast %add3A_575 : i32 to index
          %get3A_577 = arith.constant 96 : index
          %get3A_578 = tpu.vector_load %arg7[%get3A_576, %get3A_577] {strides = array<i32>} : memref<288x128xf32, #tpu.memory_space<vmem>>, vector<1x16xf32>,
          %get3A_579 = vector.shape_cast %get3A_578 : vector<1x16xf32> to vector<16xf32>
          %add3A_580 = arith.addf %get3A_571, %get3A_579 : vector<16xf32>
          %mul3A_581 = arith.constant 9 : i32
          %mul3A_582 = arith.muli %mul3A_581, %scan3A_69 : i32
          %add3A_583 = arith.constant 2 : i32
          %add3A_584 = arith.addi %mul3A_582, %add3A_583 : i32
          %get3A_585 = arith.index_cast %add3A_584 : i32 to index
          %get3A_586 = arith.constant 96 : index
          %get3A_587 = tpu.vector_load %arg7[%get3A_585, %get3A_586] {strides = array<i32>} : memref<288x128xf32, #tpu.memory_space<vmem>>, vector<1x16xf32>,
          %get3A_588 = vector.shape_cast %get3A_587 : vector<1x16xf32> to vector<16xf32>
          %add3A_589 = arith.addf %add3A_580, %get3A_588 : vector<16xf32>
          %mul3A_590 = arith.constant 9 : i32
          %mul3A_591 = arith.muli %mul3A_590, %scan3A_69 : i32
          %add3A_592 = arith.constant 3 : i32
          %add3A_593 = arith.addi %mul3A_591, %add3A_592 : i32
          %get3A_594 = arith.index_cast %add3A_593 : i32 to index
          %get3A_595 = arith.constant 96 : index
          %get3A_596 = tpu.vector_load %arg7[%get3A_594, %get3A_595] {strides = array<i32>} : memref<288x128xf32, #tpu.memory_space<vmem>>, vector<1x16xf32>,
          %get3A_597 = vector.shape_cast %get3A_596 : vector<1x16xf32> to vector<16xf32>
          %add3A_598 = arith.addf %add3A_589, %get3A_597 : vector<16xf32>
          %mul3A_599 = arith.constant 9 : i32
          %mul3A_600 = arith.muli %mul3A_599, %scan3A_69 : i32
          %add3A_601 = arith.constant 4 : i32
          %add3A_602 = arith.addi %mul3A_600, %add3A_601 : i32
          %get3A_603 = arith.index_cast %add3A_602 : i32 to index
          %get3A_604 = arith.constant 96 : index
          %get3A_605 = tpu.vector_load %arg7[%get3A_603, %get3A_604] {strides = array<i32>} : memref<288x128xf32, #tpu.memory_space<vmem>>, vector<1x16xf32>,
          %get3A_606 = vector.shape_cast %get3A_605 : vector<1x16xf32> to vector<16xf32>
          %add3A_607 = arith.addf %add3A_598, %get3A_606 : vector<16xf32>
          %mul3A_608 = arith.constant 9 : i32
          %mul3A_609 = arith.muli %mul3A_608, %scan3A_69 : i32
          %add3A_610 = arith.constant 5 : i32
          %add3A_611 = arith.addi %mul3A_609, %add3A_610 : i32
          %get3A_612 = arith.index_cast %add3A_611 : i32 to index
          %get3A_613 = arith.constant 96 : index
          %get3A_614 = tpu.vector_load %arg7[%get3A_612, %get3A_613] {strides = array<i32>} : memref<288x128xf32, #tpu.memory_space<vmem>>, vector<1x16xf32>,
          %get3A_615 = vector.shape_cast %get3A_614 : vector<1x16xf32> to vector<16xf32>
          %add3A_616 = arith.addf %add3A_607, %get3A_615 : vector<16xf32>
          %mul3A_617 = arith.constant 9 : i32
          %mul3A_618 = arith.muli %mul3A_617, %scan3A_69 : i32
          %add3A_619 = arith.constant 6 : i32
          %add3A_620 = arith.addi %mul3A_618, %add3A_619 : i32
          %get3A_621 = arith.index_cast %add3A_620 : i32 to index
          %get3A_622 = arith.constant 96 : index
          %get3A_623 = tpu.vector_load %arg7[%get3A_621, %get3A_622] {strides = array<i32>} : memref<288x128xf32, #tpu.memory_space<vmem>>, vector<1x16xf32>,
          %get3A_624 = vector.shape_cast %get3A_623 : vector<1x16xf32> to vector<16xf32>
          %add3A_625 = arith.addf %add3A_616, %get3A_624 : vector<16xf32>
          %mul3A_626 = arith.constant 9 : i32
          %mul3A_627 = arith.muli %mul3A_626, %scan3A_69 : i32
          %add3A_628 = arith.constant 7 : i32
          %add3A_629 = arith.addi %mul3A_627, %add3A_628 : i32
          %get3A_630 = arith.index_cast %add3A_629 : i32 to index
          %get3A_631 = arith.constant 96 : index
          %get3A_632 = tpu.vector_load %arg7[%get3A_630, %get3A_631] {strides = array<i32>} : memref<288x128xf32, #tpu.memory_space<vmem>>, vector<1x16xf32>,
          %get3A_633 = vector.shape_cast %get3A_632 : vector<1x16xf32> to vector<16xf32>
          %add3A_634 = arith.addf %add3A_625, %get3A_633 : vector<16xf32>
          %mul3A_635 = arith.constant 9 : i32
          %mul3A_636 = arith.muli %mul3A_635, %scan3A_69 : i32
          %add3A_637 = arith.constant 8 : i32
          %add3A_638 = arith.addi %mul3A_636, %add3A_637 : i32
          %get3A_639 = arith.index_cast %add3A_638 : i32 to index
          %get3A_640 = arith.constant 96 : index
          %get3A_641 = tpu.vector_load %arg7[%get3A_639, %get3A_640] {strides = array<i32>} : memref<288x128xf32, #tpu.memory_space<vmem>>, vector<1x16xf32>,
          %get3A_642 = vector.shape_cast %get3A_641 : vector<1x16xf32> to vector<16xf32>
          %add3A_643 = arith.addf %add3A_634, %get3A_642 : vector<16xf32>
          %swap3A_644 = arith.index_cast %scan3A_69 : i32 to index
          %swap3A_645 = arith.constant 96 : index
          %swap3A_646 = tpu.vector_load %arg8[%swap3A_644, %swap3A_645] {strides = array<i32>} : memref<32x128xf32, #tpu.memory_space<vmem>>, vector<1x16xf32>,
          %swap3A_647 = vector.shape_cast %swap3A_646 : vector<1x16xf32> to vector<16xf32>
          %swap3A_648 = vector.shape_cast %add3A_643 : vector<16xf32> to vector<1x16xf32>
          tpu.vector_store %arg8[%swap3A_644, %swap3A_645], %swap3A_648 {strides = array<i32>} : memref<32x128xf32, #tpu.memory_space<vmem>>, vector<1x16xf32>,
          %mul3A_649 = arith.constant 9 : i32
          %mul3A_650 = arith.muli %mul3A_649, %scan3A_69 : i32
          %get3A_651 = arith.index_cast %mul3A_650 : i32 to index
          %get3A_652 = arith.constant 112 : index
          %get3A_653 = tpu.vector_load %arg7[%get3A_651, %get3A_652] {strides = array<i32>} : memref<288x128xf32, #tpu.memory_space<vmem>>, vector<1x16xf32>,
          %get3A_654 = vector.shape_cast %get3A_653 : vector<1x16xf32> to vector<16xf32>
          %mul3A_655 = arith.constant 9 : i32
          %mul3A_656 = arith.muli %mul3A_655, %scan3A_69 : i32
          %add3A_657 = arith.constant 1 : i32
          %add3A_658 = arith.addi %mul3A_656, %add3A_657 : i32
          %get3A_659 = arith.index_cast %add3A_658 : i32 to index
          %get3A_660 = arith.constant 112 : index
          %get3A_661 = tpu.vector_load %arg7[%get3A_659, %get3A_660] {strides = array<i32>} : memref<288x128xf32, #tpu.memory_space<vmem>>, vector<1x16xf32>,
          %get3A_662 = vector.shape_cast %get3A_661 : vector<1x16xf32> to vector<16xf32>
          %add3A_663 = arith.addf %get3A_654, %get3A_662 : vector<16xf32>
          %mul3A_664 = arith.constant 9 : i32
          %mul3A_665 = arith.muli %mul3A_664, %scan3A_69 : i32
          %add3A_666 = arith.constant 2 : i32
          %add3A_667 = arith.addi %mul3A_665, %add3A_666 : i32
          %get3A_668 = arith.index_cast %add3A_667 : i32 to index
          %get3A_669 = arith.constant 112 : index
          %get3A_670 = tpu.vector_load %arg7[%get3A_668, %get3A_669] {strides = array<i32>} : memref<288x128xf32, #tpu.memory_space<vmem>>, vector<1x16xf32>,
          %get3A_671 = vector.shape_cast %get3A_670 : vector<1x16xf32> to vector<16xf32>
          %add3A_672 = arith.addf %add3A_663, %get3A_671 : vector<16xf32>
          %mul3A_673 = arith.constant 9 : i32
          %mul3A_674 = arith.muli %mul3A_673, %scan3A_69 : i32
          %add3A_675 = arith.constant 3 : i32
          %add3A_676 = arith.addi %mul3A_674, %add3A_675 : i32
          %get3A_677 = arith.index_cast %add3A_676 : i32 to index
          %get3A_678 = arith.constant 112 : index
          %get3A_679 = tpu.vector_load %arg7[%get3A_677, %get3A_678] {strides = array<i32>} : memref<288x128xf32, #tpu.memory_space<vmem>>, vector<1x16xf32>,
          %get3A_680 = vector.shape_cast %get3A_679 : vector<1x16xf32> to vector<16xf32>
          %add3A_681 = arith.addf %add3A_672, %get3A_680 : vector<16xf32>
          %mul3A_682 = arith.constant 9 : i32
          %mul3A_683 = arith.muli %mul3A_682, %scan3A_69 : i32
          %add3A_684 = arith.constant 4 : i32
          %add3A_685 = arith.addi %mul3A_683, %add3A_684 : i32
          %get3A_686 = arith.index_cast %add3A_685 : i32 to index
          %get3A_687 = arith.constant 112 : index
          %get3A_688 = tpu.vector_load %arg7[%get3A_686, %get3A_687] {strides = array<i32>} : memref<288x128xf32, #tpu.memory_space<vmem>>, vector<1x16xf32>,
          %get3A_689 = vector.shape_cast %get3A_688 : vector<1x16xf32> to vector<16xf32>
          %add3A_690 = arith.addf %add3A_681, %get3A_689 : vector<16xf32>
          %mul3A_691 = arith.constant 9 : i32
          %mul3A_692 = arith.muli %mul3A_691, %scan3A_69 : i32
          %add3A_693 = arith.constant 5 : i32
          %add3A_694 = arith.addi %mul3A_692, %add3A_693 : i32
          %get3A_695 = arith.index_cast %add3A_694 : i32 to index
          %get3A_696 = arith.constant 112 : index
          %get3A_697 = tpu.vector_load %arg7[%get3A_695, %get3A_696] {strides = array<i32>} : memref<288x128xf32, #tpu.memory_space<vmem>>, vector<1x16xf32>,
          %get3A_698 = vector.shape_cast %get3A_697 : vector<1x16xf32> to vector<16xf32>
          %add3A_699 = arith.addf %add3A_690, %get3A_698 : vector<16xf32>
          %mul3A_700 = arith.constant 9 : i32
          %mul3A_701 = arith.muli %mul3A_700, %scan3A_69 : i32
          %add3A_702 = arith.constant 6 : i32
          %add3A_703 = arith.addi %mul3A_701, %add3A_702 : i32
          %get3A_704 = arith.index_cast %add3A_703 : i32 to index
          %get3A_705 = arith.constant 112 : index
          %get3A_706 = tpu.vector_load %arg7[%get3A_704, %get3A_705] {strides = array<i32>} : memref<288x128xf32, #tpu.memory_space<vmem>>, vector<1x16xf32>,
          %get3A_707 = vector.shape_cast %get3A_706 : vector<1x16xf32> to vector<16xf32>
          %add3A_708 = arith.addf %add3A_699, %get3A_707 : vector<16xf32>
          %mul3A_709 = arith.constant 9 : i32
          %mul3A_710 = arith.muli %mul3A_709, %scan3A_69 : i32
          %add3A_711 = arith.constant 7 : i32
          %add3A_712 = arith.addi %mul3A_710, %add3A_711 : i32
          %get3A_713 = arith.index_cast %add3A_712 : i32 to index
          %get3A_714 = arith.constant 112 : index
          %get3A_715 = tpu.vector_load %arg7[%get3A_713, %get3A_714] {strides = array<i32>} : memref<288x128xf32, #tpu.memory_space<vmem>>, vector<1x16xf32>,
          %get3A_716 = vector.shape_cast %get3A_715 : vector<1x16xf32> to vector<16xf32>
          %add3A_717 = arith.addf %add3A_708, %get3A_716 : vector<16xf32>
          %mul3A_718 = arith.constant 9 : i32
          %mul3A_719 = arith.muli %mul3A_718, %scan3A_69 : i32
          %add3A_720 = arith.constant 8 : i32
          %add3A_721 = arith.addi %mul3A_719, %add3A_720 : i32
          %get3A_722 = arith.index_cast %add3A_721 : i32 to index
          %get3A_723 = arith.constant 112 : index
          %get3A_724 = tpu.vector_load %arg7[%get3A_722, %get3A_723] {strides = array<i32>} : memref<288x128xf32, #tpu.memory_space<vmem>>, vector<1x16xf32>,
          %get3A_725 = vector.shape_cast %get3A_724 : vector<1x16xf32> to vector<16xf32>
          %add3A_726 = arith.addf %add3A_717, %get3A_725 : vector<16xf32>
          %swap3A_727 = arith.index_cast %scan3A_69 : i32 to index
          %swap3A_728 = arith.constant 112 : index
          %swap3A_729 = tpu.vector_load %arg8[%swap3A_727, %swap3A_728] {strides = array<i32>} : memref<32x128xf32, #tpu.memory_space<vmem>>, vector<1x16xf32>,
          %swap3A_730 = vector.shape_cast %swap3A_729 : vector<1x16xf32> to vector<16xf32>
          %swap3A_731 = vector.shape_cast %add3A_726 : vector<16xf32> to vector<1x16xf32>
          tpu.vector_store %arg8[%swap3A_727, %swap3A_728], %swap3A_731 {strides = array<i32>} : memref<32x128xf32, #tpu.memory_space<vmem>>, vector<1x16xf32>,
        }
        %scan3A_65 = arith.constant 32 : i32
        %mul3A_66 = arith.constant 32 : i32
        %mul3A_67 = arith.muli %mul3A_66, %while3A_20 : i32
        %add3A_68 = arith.addi %mul3A_2, %mul3A_67 : i32
        "tpu.region"() ({
          %run_scoped3A = tpu.sem_alloc : memref<!tpu.dma_semaphore, #tpu.memory_space<semaphore_mem>>
          %dma_start3A_69 = arith.constant 0 : i32
          %dma_start3A_70 = tpu.memref_slice %arg4[%add3A_68, %dma_start3A_69] : memref<100000x128xf32, #tpu.memory_space<hbm>> -> memref<32x128xf32, #tpu.memory_space<hbm>>
          %dma_start3A_71 = arith.constant 0 : i32
          %dma_start3A_72 = tpu.memref_slice %arg4[%add3A_68, %dma_start3A_71] : memref<100000x128xf32, #tpu.memory_space<hbm>> -> memref<32x128xf32, #tpu.memory_space<hbm>>
          tpu.enqueue_dma source(%arg8 : memref<32x128xf32, #tpu.memory_space<vmem>>) target(%dma_start3A_72 : memref<32x128xf32, #tpu.memory_space<hbm>>) target_semaphore(%run_scoped3A : memref<!tpu.dma_semaphore, #tpu.memory_space<semaphore_mem>>)
          %dma_wait3A_73 = arith.constant 0 : i32
          %dma_wait3A_74 = tpu.memref_slice %arg4[%add3A_68, %dma_wait3A_73] : memref<100000x128xf32, #tpu.memory_space<hbm>> -> memref<32x128xf32, #tpu.memory_space<hbm>>
          %dma_wait3A_75 = arith.constant 0 : i32
          %dma_wait3A_76 = tpu.memref_slice %arg4[%add3A_68, %dma_wait3A_75] : memref<100000x128xf32, #tpu.memory_space<hbm>> -> memref<32x128xf32, #tpu.memory_space<hbm>>
          tpu.wait_dma2 semaphore(%run_scoped3A : memref<!tpu.dma_semaphore, #tpu.memory_space<semaphore_mem>>) src(%arg8 : memref<32x128xf32, #tpu.memory_space<vmem>>) dst(%dma_wait3A_76 : memref<32x128xf32, #tpu.memory_space<hbm>>)
          tpu.yield
        }) : () -> ()
      } else {
      }
    }
    %while3A_19 = arith.constant 1 : i32
    scf.for %while3A_20 = %while3A_17 to %while3A_13 step %while3A_19  : i32 {
      %jit3A_21 = arith.constant 2 : i32
      %eq3A = arith.constant 0 : i32
      %eq3A_22 = arith.cmpi eq, %jit3A_21, %eq3A : i32
      %jit3A_23 = arith.constant 1 : i32
      %select_n3A_24 = arith.select %eq3A_22, %jit3A_23, %jit3A_21 : i32
      %rem3A = arith.remsi %while3A_20, %select_n3A_24 : i32
      %ne3A = arith.constant 0 : i32
      %ne3A_25 = arith.cmpi ne, %rem3A, %ne3A : i32
      %lt3A_26 = arith.constant 0 : i32
      %lt3A_27 = arith.cmpi slt, %rem3A, %lt3A_26 : i32
      %lt3A_28 = arith.constant 0 : i32
      %lt3A_29 = arith.cmpi slt, %select_n3A_24, %lt3A_28 : i32
      %ne3A_30 = arith.xori %lt3A_27, %lt3A_29 : i1
      %and3A = arith.andi %ne3A_30, %ne3A_25 : i1
      %add3A_31 = arith.addi %rem3A, %select_n3A_24 : i32
      %select_n3A_32 = arith.select %and3A, %add3A_31, %rem3A : i32
      %eq3A_33 = arith.constant 0 : i32
      %eq3A_34 = arith.cmpi eq, %select_n3A_32, %eq3A_33 : i32
      %add3A_35 = arith.constant 1 : i32
      %add3A_36 = arith.addi %while3A_20, %add3A_35 : i32
      %lt3A_37 = arith.cmpi slt, %add3A_36, %select_n3A : i32
      %and3A_38 = arith.andi %lt3A_37, %eq3A_34 : i1
      %convert_element_type3A = arith.extui %and3A_38 : i1 to i32
      %cond3A = arith.constant 0 : i32
      %cond3A_39 = arith.cmpi ne, %convert_element_type3A, %cond3A : i32
      scf.if %cond3A_39 {
        %add3A_56 = arith.constant 1 : i32
        %add3A_57 = arith.addi %while3A_20, %add3A_56 : i32
        %mul3A_58 = arith.constant 288 : i32
        %mul3A_59 = arith.muli %mul3A_58, %add3A_57 : i32
        %dma_start3A_60 = tpu.memref_slice %arg5[%mul3A_59] : memref<28224xi32, #tpu.memory_space<vmem>> -> memref<288xi32, #tpu.memory_space<vmem>>
        %dma_start3A_61 = arith.constant 0 : i32
        %dma_start3A_62 = arith.constant 0 : i32
        %dma_start3A_63 = tpu.memref_slice %arg3[%dma_start3A_61, %dma_start3A_62] : memref<176x128xf32, #tpu.memory_space<hbm>> -> memref<176x128xf32, #tpu.memory_space<hbm>>
        tpu.enqueue_indirect_dma source(%dma_start3A_63 : memref<176x128xf32, #tpu.memory_space<hbm>>) target(%arg7 : memref<288x128xf32, #tpu.memory_space<vmem>>) offsets(%dma_start3A_60 : memref<288xi32, #tpu.memory_space<vmem>>) semaphore(%arg10 : memref<!tpu.dma_semaphore, #tpu.memory_space<semaphore_mem>>)
      } else {
      }
      %add3A_40 = arith.constant 1 : i32
      %add3A_41 = arith.addi %while3A_20, %add3A_40 : i32
      %lt3A_42 = arith.cmpi slt, %add3A_41, %select_n3A : i32
      %not3A = arith.constant true
      %not3A_43 = arith.xori %eq3A_34, %not3A : i1
      %and3A_44 = arith.andi %lt3A_42, %not3A_43 : i1
      %convert_element_type3A_45 = arith.extui %and3A_44 : i1 to i32
      %cond3A_46 = arith.constant 0 : i32
      %cond3A_47 = arith.cmpi ne, %convert_element_type3A_45, %cond3A_46 : i32
      scf.if %cond3A_47 {
        %add3A_56 = arith.constant 1 : i32
        %add3A_57 = arith.addi %while3A_20, %add3A_56 : i32
        %mul3A_58 = arith.constant 288 : i32
        %mul3A_59 = arith.muli %mul3A_58, %add3A_57 : i32
        %dma_start3A_60 = tpu.memref_slice %arg5[%mul3A_59] : memref<28224xi32, #tpu.memory_space<vmem>> -> memref<288xi32, #tpu.memory_space<vmem>>
        %dma_start3A_61 = arith.constant 0 : i32
        %dma_start3A_62 = arith.constant 0 : i32
        %dma_start3A_63 = tpu.memref_slice %arg3[%dma_start3A_61, %dma_start3A_62] : memref<176x128xf32, #tpu.memory_space<hbm>> -> memref<176x128xf32, #tpu.memory_space<hbm>>
        tpu.enqueue_indirect_dma source(%dma_start3A_63 : memref<176x128xf32, #tpu.memory_space<hbm>>) target(%arg6 : memref<288x128xf32, #tpu.memory_space<vmem>>) offsets(%dma_start3A_60 : memref<288xi32, #tpu.memory_space<vmem>>) semaphore(%arg9 : memref<!tpu.dma_semaphore, #tpu.memory_space<semaphore_mem>>)
      } else {
      }
      %convert_element_type3A_48 = arith.extui %eq3A_34 : i1 to i32
      %cond3A_49 = arith.constant 0 : i32
      %cond3A_50 = arith.cmpi ne, %convert_element_type3A_48, %cond3A_49 : i32
      scf.if %cond3A_50 {
        %mul3A_56 = arith.constant 288 : i32
        %mul3A_57 = arith.muli %mul3A_56, %while3A_20 : i32
        %dma_wait3A = tpu.memref_slice %arg5[%mul3A_57] : memref<28224xi32, #tpu.memory_space<vmem>> -> memref<288xi32, #tpu.memory_space<vmem>>
        %dma_wait3A_58 = arith.constant 0 : i32
        %dma_wait3A_59 = arith.constant 0 : i32
        %dma_wait3A_60 = tpu.memref_slice %arg3[%dma_wait3A_58, %dma_wait3A_59] : memref<176x128xf32, #tpu.memory_space<hbm>> -> memref<176x128xf32, #tpu.memory_space<hbm>>
        tpu.wait_indirect_dma semaphore(%arg9 : memref<!tpu.dma_semaphore, #tpu.memory_space<semaphore_mem>>) src(%dma_wait3A_60 : memref<176x128xf32, #tpu.memory_space<hbm>>) dst(%arg6 : memref<288x128xf32, #tpu.memory_space<vmem>>)
        %scan3A = arith.constant 0 : i32
        %scan3A_61 = arith.constant 0 : i32
        %scan3A_62 = arith.constant 32 : i32
        %scan3A_63 = arith.addi %scan3A_61, %scan3A_62 : i32
        %scan3A_64 = arith.constant 1 : i32
        scf.for %scan3A_69 = %scan3A_61 to %scan3A_63 step %scan3A_64  : i32 {
          %mul3A_70 = arith.constant 9 : i32
          %mul3A_71 = arith.muli %mul3A_70, %scan3A_69 : i32
          %get3A = arith.index_cast %mul3A_71 : i32 to index
          %get3A_72 = arith.constant 0 : index
          %get3A_73 = tpu.vector_load %arg6[%get3A, %get3A_72] {strides = array<i32>} : memref<288x128xf32, #tpu.memory_space<vmem>>, vector<1x16xf32>,
          %get3A_74 = vector.shape_cast %get3A_73 : vector<1x16xf32> to vector<16xf32>
          %mul3A_75 = arith.constant 9 : i32
          %mul3A_76 = arith.muli %mul3A_75, %scan3A_69 : i32
          %add3A_77 = arith.constant 1 : i32
          %add3A_78 = arith.addi %mul3A_76, %add3A_77 : i32
          %get3A_79 = arith.index_cast %add3A_78 : i32 to index
          %get3A_80 = arith.constant 0 : index
          %get3A_81 = tpu.vector_load %arg6[%get3A_79, %get3A_80] {strides = array<i32>} : memref<288x128xf32, #tpu.memory_space<vmem>>, vector<1x16xf32>,
          %get3A_82 = vector.shape_cast %get3A_81 : vector<1x16xf32> to vector<16xf32>
          %add3A_83 = arith.addf %get3A_74, %get3A_82 : vector<16xf32>
          %mul3A_84 = arith.constant 9 : i32
          %mul3A_85 = arith.muli %mul3A_84, %scan3A_69 : i32
          %add3A_86 = arith.constant 2 : i32
          %add3A_87 = arith.addi %mul3A_85, %add3A_86 : i32
          %get3A_88 = arith.index_cast %add3A_87 : i32 to index
          %get3A_89 = arith.constant 0 : index
          %get3A_90 = tpu.vector_load %arg6[%get3A_88, %get3A_89] {strides = array<i32>} : memref<288x128xf32, #tpu.memory_space<vmem>>, vector<1x16xf32>,
          %get3A_91 = vector.shape_cast %get3A_90 : vector<1x16xf32> to vector<16xf32>
          %add3A_92 = arith.addf %add3A_83, %get3A_91 : vector<16xf32>
          %mul3A_93 = arith.constant 9 : i32
          %mul3A_94 = arith.muli %mul3A_93, %scan3A_69 : i32
          %add3A_95 = arith.constant 3 : i32
          %add3A_96 = arith.addi %mul3A_94, %add3A_95 : i32
          %get3A_97 = arith.index_cast %add3A_96 : i32 to index
          %get3A_98 = arith.constant 0 : index
          %get3A_99 = tpu.vector_load %arg6[%get3A_97, %get3A_98] {strides = array<i32>} : memref<288x128xf32, #tpu.memory_space<vmem>>, vector<1x16xf32>,
          %get3A_100 = vector.shape_cast %get3A_99 : vector<1x16xf32> to vector<16xf32>
          %add3A_101 = arith.addf %add3A_92, %get3A_100 : vector<16xf32>
          %mul3A_102 = arith.constant 9 : i32
          %mul3A_103 = arith.muli %mul3A_102, %scan3A_69 : i32
          %add3A_104 = arith.constant 4 : i32
          %add3A_105 = arith.addi %mul3A_103, %add3A_104 : i32
          %get3A_106 = arith.index_cast %add3A_105 : i32 to index
          %get3A_107 = arith.constant 0 : index
          %get3A_108 = tpu.vector_load %arg6[%get3A_106, %get3A_107] {strides = array<i32>} : memref<288x128xf32, #tpu.memory_space<vmem>>, vector<1x16xf32>,
          %get3A_109 = vector.shape_cast %get3A_108 : vector<1x16xf32> to vector<16xf32>
          %add3A_110 = arith.addf %add3A_101, %get3A_109 : vector<16xf32>
          %mul3A_111 = arith.constant 9 : i32
          %mul3A_112 = arith.muli %mul3A_111, %scan3A_69 : i32
          %add3A_113 = arith.constant 5 : i32
          %add3A_114 = arith.addi %mul3A_112, %add3A_113 : i32
          %get3A_115 = arith.index_cast %add3A_114 : i32 to index
          %get3A_116 = arith.constant 0 : index
          %get3A_117 = tpu.vector_load %arg6[%get3A_115, %get3A_116] {strides = array<i32>} : memref<288x128xf32, #tpu.memory_space<vmem>>, vector<1x16xf32>,
          %get3A_118 = vector.shape_cast %get3A_117 : vector<1x16xf32> to vector<16xf32>
          %add3A_119 = arith.addf %add3A_110, %get3A_118 : vector<16xf32>
          %mul3A_120 = arith.constant 9 : i32
          %mul3A_121 = arith.muli %mul3A_120, %scan3A_69 : i32
          %add3A_122 = arith.constant 6 : i32
          %add3A_123 = arith.addi %mul3A_121, %add3A_122 : i32
          %get3A_124 = arith.index_cast %add3A_123 : i32 to index
          %get3A_125 = arith.constant 0 : index
          %get3A_126 = tpu.vector_load %arg6[%get3A_124, %get3A_125] {strides = array<i32>} : memref<288x128xf32, #tpu.memory_space<vmem>>, vector<1x16xf32>,
          %get3A_127 = vector.shape_cast %get3A_126 : vector<1x16xf32> to vector<16xf32>
          %add3A_128 = arith.addf %add3A_119, %get3A_127 : vector<16xf32>
          %mul3A_129 = arith.constant 9 : i32
          %mul3A_130 = arith.muli %mul3A_129, %scan3A_69 : i32
          %add3A_131 = arith.constant 7 : i32
          %add3A_132 = arith.addi %mul3A_130, %add3A_131 : i32
          %get3A_133 = arith.index_cast %add3A_132 : i32 to index
          %get3A_134 = arith.constant 0 : index
          %get3A_135 = tpu.vector_load %arg6[%get3A_133, %get3A_134] {strides = array<i32>} : memref<288x128xf32, #tpu.memory_space<vmem>>, vector<1x16xf32>,
          %get3A_136 = vector.shape_cast %get3A_135 : vector<1x16xf32> to vector<16xf32>
          %add3A_137 = arith.addf %add3A_128, %get3A_136 : vector<16xf32>
          %mul3A_138 = arith.constant 9 : i32
          %mul3A_139 = arith.muli %mul3A_138, %scan3A_69 : i32
          %add3A_140 = arith.constant 8 : i32
          %add3A_141 = arith.addi %mul3A_139, %add3A_140 : i32
          %get3A_142 = arith.index_cast %add3A_141 : i32 to index
          %get3A_143 = arith.constant 0 : index
          %get3A_144 = tpu.vector_load %arg6[%get3A_142, %get3A_143] {strides = array<i32>} : memref<288x128xf32, #tpu.memory_space<vmem>>, vector<1x16xf32>,
          %get3A_145 = vector.shape_cast %get3A_144 : vector<1x16xf32> to vector<16xf32>
          %add3A_146 = arith.addf %add3A_137, %get3A_145 : vector<16xf32>
          %swap3A = arith.index_cast %scan3A_69 : i32 to index
          %swap3A_147 = arith.constant 0 : index
          %swap3A_148 = tpu.vector_load %arg8[%swap3A, %swap3A_147] {strides = array<i32>} : memref<32x128xf32, #tpu.memory_space<vmem>>, vector<1x16xf32>,
          %swap3A_149 = vector.shape_cast %swap3A_148 : vector<1x16xf32> to vector<16xf32>
          %swap3A_150 = vector.shape_cast %add3A_146 : vector<16xf32> to vector<1x16xf32>
          tpu.vector_store %arg8[%swap3A, %swap3A_147], %swap3A_150 {strides = array<i32>} : memref<32x128xf32, #tpu.memory_space<vmem>>, vector<1x16xf32>,
          %mul3A_151 = arith.constant 9 : i32
          %mul3A_152 = arith.muli %mul3A_151, %scan3A_69 : i32
          %get3A_153 = arith.index_cast %mul3A_152 : i32 to index
          %get3A_154 = arith.constant 16 : index
          %get3A_155 = tpu.vector_load %arg6[%get3A_153, %get3A_154] {strides = array<i32>} : memref<288x128xf32, #tpu.memory_space<vmem>>, vector<1x16xf32>,
          %get3A_156 = vector.shape_cast %get3A_155 : vector<1x16xf32> to vector<16xf32>
          %mul3A_157 = arith.constant 9 : i32
          %mul3A_158 = arith.muli %mul3A_157, %scan3A_69 : i32
          %add3A_159 = arith.constant 1 : i32
          %add3A_160 = arith.addi %mul3A_158, %add3A_159 : i32
          %get3A_161 = arith.index_cast %add3A_160 : i32 to index
          %get3A_162 = arith.constant 16 : index
          %get3A_163 = tpu.vector_load %arg6[%get3A_161, %get3A_162] {strides = array<i32>} : memref<288x128xf32, #tpu.memory_space<vmem>>, vector<1x16xf32>,
          %get3A_164 = vector.shape_cast %get3A_163 : vector<1x16xf32> to vector<16xf32>
          %add3A_165 = arith.addf %get3A_156, %get3A_164 : vector<16xf32>
          %mul3A_166 = arith.constant 9 : i32
          %mul3A_167 = arith.muli %mul3A_166, %scan3A_69 : i32
          %add3A_168 = arith.constant 2 : i32
          %add3A_169 = arith.addi %mul3A_167, %add3A_168 : i32
          %get3A_170 = arith.index_cast %add3A_169 : i32 to index
          %get3A_171 = arith.constant 16 : index
          %get3A_172 = tpu.vector_load %arg6[%get3A_170, %get3A_171] {strides = array<i32>} : memref<288x128xf32, #tpu.memory_space<vmem>>, vector<1x16xf32>,
          %get3A_173 = vector.shape_cast %get3A_172 : vector<1x16xf32> to vector<16xf32>
          %add3A_174 = arith.addf %add3A_165, %get3A_173 : vector<16xf32>
          %mul3A_175 = arith.constant 9 : i32
          %mul3A_176 = arith.muli %mul3A_175, %scan3A_69 : i32
          %add3A_177 = arith.constant 3 : i32
          %add3A_178 = arith.addi %mul3A_176, %add3A_177 : i32
          %get3A_179 = arith.index_cast %add3A_178 : i32 to index
          %get3A_180 = arith.constant 16 : index
          %get3A_181 = tpu.vector_load %arg6[%get3A_179, %get3A_180] {strides = array<i32>} : memref<288x128xf32, #tpu.memory_space<vmem>>, vector<1x16xf32>,
          %get3A_182 = vector.shape_cast %get3A_181 : vector<1x16xf32> to vector<16xf32>
          %add3A_183 = arith.addf %add3A_174, %get3A_182 : vector<16xf32>
          %mul3A_184 = arith.constant 9 : i32
          %mul3A_185 = arith.muli %mul3A_184, %scan3A_69 : i32
          %add3A_186 = arith.constant 4 : i32
          %add3A_187 = arith.addi %mul3A_185, %add3A_186 : i32
          %get3A_188 = arith.index_cast %add3A_187 : i32 to index
          %get3A_189 = arith.constant 16 : index
          %get3A_190 = tpu.vector_load %arg6[%get3A_188, %get3A_189] {strides = array<i32>} : memref<288x128xf32, #tpu.memory_space<vmem>>, vector<1x16xf32>,
          %get3A_191 = vector.shape_cast %get3A_190 : vector<1x16xf32> to vector<16xf32>
          %add3A_192 = arith.addf %add3A_183, %get3A_191 : vector<16xf32>
          %mul3A_193 = arith.constant 9 : i32
          %mul3A_194 = arith.muli %mul3A_193, %scan3A_69 : i32
          %add3A_195 = arith.constant 5 : i32
          %add3A_196 = arith.addi %mul3A_194, %add3A_195 : i32
          %get3A_197 = arith.index_cast %add3A_196 : i32 to index
          %get3A_198 = arith.constant 16 : index
          %get3A_199 = tpu.vector_load %arg6[%get3A_197, %get3A_198] {strides = array<i32>} : memref<288x128xf32, #tpu.memory_space<vmem>>, vector<1x16xf32>,
          %get3A_200 = vector.shape_cast %get3A_199 : vector<1x16xf32> to vector<16xf32>
          %add3A_201 = arith.addf %add3A_192, %get3A_200 : vector<16xf32>
          %mul3A_202 = arith.constant 9 : i32
          %mul3A_203 = arith.muli %mul3A_202, %scan3A_69 : i32
          %add3A_204 = arith.constant 6 : i32
          %add3A_205 = arith.addi %mul3A_203, %add3A_204 : i32
          %get3A_206 = arith.index_cast %add3A_205 : i32 to index
          %get3A_207 = arith.constant 16 : index
          %get3A_208 = tpu.vector_load %arg6[%get3A_206, %get3A_207] {strides = array<i32>} : memref<288x128xf32, #tpu.memory_space<vmem>>, vector<1x16xf32>,
          %get3A_209 = vector.shape_cast %get3A_208 : vector<1x16xf32> to vector<16xf32>
          %add3A_210 = arith.addf %add3A_201, %get3A_209 : vector<16xf32>
          %mul3A_211 = arith.constant 9 : i32
          %mul3A_212 = arith.muli %mul3A_211, %scan3A_69 : i32
          %add3A_213 = arith.constant 7 : i32
          %add3A_214 = arith.addi %mul3A_212, %add3A_213 : i32
          %get3A_215 = arith.index_cast %add3A_214 : i32 to index
          %get3A_216 = arith.constant 16 : index
          %get3A_217 = tpu.vector_load %arg6[%get3A_215, %get3A_216] {strides = array<i32>} : memref<288x128xf32, #tpu.memory_space<vmem>>, vector<1x16xf32>,
          %get3A_218 = vector.shape_cast %get3A_217 : vector<1x16xf32> to vector<16xf32>
          %add3A_219 = arith.addf %add3A_210, %get3A_218 : vector<16xf32>
          %mul3A_220 = arith.constant 9 : i32
          %mul3A_221 = arith.muli %mul3A_220, %scan3A_69 : i32
          %add3A_222 = arith.constant 8 : i32
          %add3A_223 = arith.addi %mul3A_221, %add3A_222 : i32
          %get3A_224 = arith.index_cast %add3A_223 : i32 to index
          %get3A_225 = arith.constant 16 : index
          %get3A_226 = tpu.vector_load %arg6[%get3A_224, %get3A_225] {strides = array<i32>} : memref<288x128xf32, #tpu.memory_space<vmem>>, vector<1x16xf32>,
          %get3A_227 = vector.shape_cast %get3A_226 : vector<1x16xf32> to vector<16xf32>
          %add3A_228 = arith.addf %add3A_219, %get3A_227 : vector<16xf32>
          %swap3A_229 = arith.index_cast %scan3A_69 : i32 to index
          %swap3A_230 = arith.constant 16 : index
          %swap3A_231 = tpu.vector_load %arg8[%swap3A_229, %swap3A_230] {strides = array<i32>} : memref<32x128xf32, #tpu.memory_space<vmem>>, vector<1x16xf32>,
          %swap3A_232 = vector.shape_cast %swap3A_231 : vector<1x16xf32> to vector<16xf32>
          %swap3A_233 = vector.shape_cast %add3A_228 : vector<16xf32> to vector<1x16xf32>
          tpu.vector_store %arg8[%swap3A_229, %swap3A_230], %swap3A_233 {strides = array<i32>} : memref<32x128xf32, #tpu.memory_space<vmem>>, vector<1x16xf32>,
          %mul3A_234 = arith.constant 9 : i32
          %mul3A_235 = arith.muli %mul3A_234, %scan3A_69 : i32
          %get3A_236 = arith.index_cast %mul3A_235 : i32 to index
          %get3A_237 = arith.constant 32 : index
          %get3A_238 = tpu.vector_load %arg6[%get3A_236, %get3A_237] {strides = array<i32>} : memref<288x128xf32, #tpu.memory_space<vmem>>, vector<1x16xf32>,
          %get3A_239 = vector.shape_cast %get3A_238 : vector<1x16xf32> to vector<16xf32>
          %mul3A_240 = arith.constant 9 : i32
          %mul3A_241 = arith.muli %mul3A_240, %scan3A_69 : i32
          %add3A_242 = arith.constant 1 : i32
          %add3A_243 = arith.addi %mul3A_241, %add3A_242 : i32
          %get3A_244 = arith.index_cast %add3A_243 : i32 to index
          %get3A_245 = arith.constant 32 : index
          %get3A_246 = tpu.vector_load %arg6[%get3A_244, %get3A_245] {strides = array<i32>} : memref<288x128xf32, #tpu.memory_space<vmem>>, vector<1x16xf32>,
          %get3A_247 = vector.shape_cast %get3A_246 : vector<1x16xf32> to vector<16xf32>
          %add3A_248 = arith.addf %get3A_239, %get3A_247 : vector<16xf32>
          %mul3A_249 = arith.constant 9 : i32
          %mul3A_250 = arith.muli %mul3A_249, %scan3A_69 : i32
          %add3A_251 = arith.constant 2 : i32
          %add3A_252 = arith.addi %mul3A_250, %add3A_251 : i32
          %get3A_253 = arith.index_cast %add3A_252 : i32 to index
          %get3A_254 = arith.constant 32 : index
          %get3A_255 = tpu.vector_load %arg6[%get3A_253, %get3A_254] {strides = array<i32>} : memref<288x128xf32, #tpu.memory_space<vmem>>, vector<1x16xf32>,
          %get3A_256 = vector.shape_cast %get3A_255 : vector<1x16xf32> to vector<16xf32>
          %add3A_257 = arith.addf %add3A_248, %get3A_256 : vector<16xf32>
          %mul3A_258 = arith.constant 9 : i32
          %mul3A_259 = arith.muli %mul3A_258, %scan3A_69 : i32
          %add3A_260 = arith.constant 3 : i32
          %add3A_261 = arith.addi %mul3A_259, %add3A_260 : i32
          %get3A_262 = arith.index_cast %add3A_261 : i32 to index
          %get3A_263 = arith.constant 32 : index
          %get3A_264 = tpu.vector_load %arg6[%get3A_262, %get3A_263] {strides = array<i32>} : memref<288x128xf32, #tpu.memory_space<vmem>>, vector<1x16xf32>,
          %get3A_265 = vector.shape_cast %get3A_264 : vector<1x16xf32> to vector<16xf32>
          %add3A_266 = arith.addf %add3A_257, %get3A_265 : vector<16xf32>
          %mul3A_267 = arith.constant 9 : i32
          %mul3A_268 = arith.muli %mul3A_267, %scan3A_69 : i32
          %add3A_269 = arith.constant 4 : i32
          %add3A_270 = arith.addi %mul3A_268, %add3A_269 : i32
          %get3A_271 = arith.index_cast %add3A_270 : i32 to index
          %get3A_272 = arith.constant 32 : index
          %get3A_273 = tpu.vector_load %arg6[%get3A_271, %get3A_272] {strides = array<i32>} : memref<288x128xf32, #tpu.memory_space<vmem>>, vector<1x16xf32>,
          %get3A_274 = vector.shape_cast %get3A_273 : vector<1x16xf32> to vector<16xf32>
          %add3A_275 = arith.addf %add3A_266, %get3A_274 : vector<16xf32>
          %mul3A_276 = arith.constant 9 : i32
          %mul3A_277 = arith.muli %mul3A_276, %scan3A_69 : i32
          %add3A_278 = arith.constant 5 : i32
          %add3A_279 = arith.addi %mul3A_277, %add3A_278 : i32
          %get3A_280 = arith.index_cast %add3A_279 : i32 to index
          %get3A_281 = arith.constant 32 : index
          %get3A_282 = tpu.vector_load %arg6[%get3A_280, %get3A_281] {strides = array<i32>} : memref<288x128xf32, #tpu.memory_space<vmem>>, vector<1x16xf32>,
          %get3A_283 = vector.shape_cast %get3A_282 : vector<1x16xf32> to vector<16xf32>
          %add3A_284 = arith.addf %add3A_275, %get3A_283 : vector<16xf32>
          %mul3A_285 = arith.constant 9 : i32
          %mul3A_286 = arith.muli %mul3A_285, %scan3A_69 : i32
          %add3A_287 = arith.constant 6 : i32
          %add3A_288 = arith.addi %mul3A_286, %add3A_287 : i32
          %get3A_289 = arith.index_cast %add3A_288 : i32 to index
          %get3A_290 = arith.constant 32 : index
          %get3A_291 = tpu.vector_load %arg6[%get3A_289, %get3A_290] {strides = array<i32>} : memref<288x128xf32, #tpu.memory_space<vmem>>, vector<1x16xf32>,
          %get3A_292 = vector.shape_cast %get3A_291 : vector<1x16xf32> to vector<16xf32>
          %add3A_293 = arith.addf %add3A_284, %get3A_292 : vector<16xf32>
          %mul3A_294 = arith.constant 9 : i32
          %mul3A_295 = arith.muli %mul3A_294, %scan3A_69 : i32
          %add3A_296 = arith.constant 7 : i32
          %add3A_297 = arith.addi %mul3A_295, %add3A_296 : i32
          %get3A_298 = arith.index_cast %add3A_297 : i32 to index
          %get3A_299 = arith.constant 32 : index
          %get3A_300 = tpu.vector_load %arg6[%get3A_298, %get3A_299] {strides = array<i32>} : memref<288x128xf32, #tpu.memory_space<vmem>>, vector<1x16xf32>,
          %get3A_301 = vector.shape_cast %get3A_300 : vector<1x16xf32> to vector<16xf32>
          %add3A_302 = arith.addf %add3A_293, %get3A_301 : vector<16xf32>
          %mul3A_303 = arith.constant 9 : i32
          %mul3A_304 = arith.muli %mul3A_303, %scan3A_69 : i32
          %add3A_305 = arith.constant 8 : i32
          %add3A_306 = arith.addi %mul3A_304, %add3A_305 : i32
          %get3A_307 = arith.index_cast %add3A_306 : i32 to index
          %get3A_308 = arith.constant 32 : index
          %get3A_309 = tpu.vector_load %arg6[%get3A_307, %get3A_308] {strides = array<i32>} : memref<288x128xf32, #tpu.memory_space<vmem>>, vector<1x16xf32>,
          %get3A_310 = vector.shape_cast %get3A_309 : vector<1x16xf32> to vector<16xf32>
          %add3A_311 = arith.addf %add3A_302, %get3A_310 : vector<16xf32>
          %swap3A_312 = arith.index_cast %scan3A_69 : i32 to index
          %swap3A_313 = arith.constant 32 : index
          %swap3A_314 = tpu.vector_load %arg8[%swap3A_312, %swap3A_313] {strides = array<i32>} : memref<32x128xf32, #tpu.memory_space<vmem>>, vector<1x16xf32>,
          %swap3A_315 = vector.shape_cast %swap3A_314 : vector<1x16xf32> to vector<16xf32>
          %swap3A_316 = vector.shape_cast %add3A_311 : vector<16xf32> to vector<1x16xf32>
          tpu.vector_store %arg8[%swap3A_312, %swap3A_313], %swap3A_316 {strides = array<i32>} : memref<32x128xf32, #tpu.memory_space<vmem>>, vector<1x16xf32>,
          %mul3A_317 = arith.constant 9 : i32
          %mul3A_318 = arith.muli %mul3A_317, %scan3A_69 : i32
          %get3A_319 = arith.index_cast %mul3A_318 : i32 to index
          %get3A_320 = arith.constant 48 : index
          %get3A_321 = tpu.vector_load %arg6[%get3A_319, %get3A_320] {strides = array<i32>} : memref<288x128xf32, #tpu.memory_space<vmem>>, vector<1x16xf32>,
          %get3A_322 = vector.shape_cast %get3A_321 : vector<1x16xf32> to vector<16xf32>
          %mul3A_323 = arith.constant 9 : i32
          %mul3A_324 = arith.muli %mul3A_323, %scan3A_69 : i32
          %add3A_325 = arith.constant 1 : i32
          %add3A_326 = arith.addi %mul3A_324, %add3A_325 : i32
          %get3A_327 = arith.index_cast %add3A_326 : i32 to index
          %get3A_328 = arith.constant 48 : index
          %get3A_329 = tpu.vector_load %arg6[%get3A_327, %get3A_328] {strides = array<i32>} : memref<288x128xf32, #tpu.memory_space<vmem>>, vector<1x16xf32>,
          %get3A_330 = vector.shape_cast %get3A_329 : vector<1x16xf32> to vector<16xf32>
          %add3A_331 = arith.addf %get3A_322, %get3A_330 : vector<16xf32>
          %mul3A_332 = arith.constant 9 : i32
          %mul3A_333 = arith.muli %mul3A_332, %scan3A_69 : i32
          %add3A_334 = arith.constant 2 : i32
          %add3A_335 = arith.addi %mul3A_333, %add3A_334 : i32
          %get3A_336 = arith.index_cast %add3A_335 : i32 to index
          %get3A_337 = arith.constant 48 : index
          %get3A_338 = tpu.vector_load %arg6[%get3A_336, %get3A_337] {strides = array<i32>} : memref<288x128xf32, #tpu.memory_space<vmem>>, vector<1x16xf32>,
          %get3A_339 = vector.shape_cast %get3A_338 : vector<1x16xf32> to vector<16xf32>
          %add3A_340 = arith.addf %add3A_331, %get3A_339 : vector<16xf32>
          %mul3A_341 = arith.constant 9 : i32
          %mul3A_342 = arith.muli %mul3A_341, %scan3A_69 : i32
          %add3A_343 = arith.constant 3 : i32
          %add3A_344 = arith.addi %mul3A_342, %add3A_343 : i32
          %get3A_345 = arith.index_cast %add3A_344 : i32 to index
          %get3A_346 = arith.constant 48 : index
          %get3A_347 = tpu.vector_load %arg6[%get3A_345, %get3A_346] {strides = array<i32>} : memref<288x128xf32, #tpu.memory_space<vmem>>, vector<1x16xf32>,
          %get3A_348 = vector.shape_cast %get3A_347 : vector<1x16xf32> to vector<16xf32>
          %add3A_349 = arith.addf %add3A_340, %get3A_348 : vector<16xf32>
          %mul3A_350 = arith.constant 9 : i32
          %mul3A_351 = arith.muli %mul3A_350, %scan3A_69 : i32
          %add3A_352 = arith.constant 4 : i32
          %add3A_353 = arith.addi %mul3A_351, %add3A_352 : i32
          %get3A_354 = arith.index_cast %add3A_353 : i32 to index
          %get3A_355 = arith.constant 48 : index
          %get3A_356 = tpu.vector_load %arg6[%get3A_354, %get3A_355] {strides = array<i32>} : memref<288x128xf32, #tpu.memory_space<vmem>>, vector<1x16xf32>,
          %get3A_357 = vector.shape_cast %get3A_356 : vector<1x16xf32> to vector<16xf32>
          %add3A_358 = arith.addf %add3A_349, %get3A_357 : vector<16xf32>
          %mul3A_359 = arith.constant 9 : i32
          %mul3A_360 = arith.muli %mul3A_359, %scan3A_69 : i32
          %add3A_361 = arith.constant 5 : i32
          %add3A_362 = arith.addi %mul3A_360, %add3A_361 : i32
          %get3A_363 = arith.index_cast %add3A_362 : i32 to index
          %get3A_364 = arith.constant 48 : index
          %get3A_365 = tpu.vector_load %arg6[%get3A_363, %get3A_364] {strides = array<i32>} : memref<288x128xf32, #tpu.memory_space<vmem>>, vector<1x16xf32>,
          %get3A_366 = vector.shape_cast %get3A_365 : vector<1x16xf32> to vector<16xf32>
          %add3A_367 = arith.addf %add3A_358, %get3A_366 : vector<16xf32>
          %mul3A_368 = arith.constant 9 : i32
          %mul3A_369 = arith.muli %mul3A_368, %scan3A_69 : i32
          %add3A_370 = arith.constant 6 : i32
          %add3A_371 = arith.addi %mul3A_369, %add3A_370 : i32
          %get3A_372 = arith.index_cast %add3A_371 : i32 to index
          %get3A_373 = arith.constant 48 : index
          %get3A_374 = tpu.vector_load %arg6[%get3A_372, %get3A_373] {strides = array<i32>} : memref<288x128xf32, #tpu.memory_space<vmem>>, vector<1x16xf32>,
          %get3A_375 = vector.shape_cast %get3A_374 : vector<1x16xf32> to vector<16xf32>
          %add3A_376 = arith.addf %add3A_367, %get3A_375 : vector<16xf32>
          %mul3A_377 = arith.constant 9 : i32
          %mul3A_378 = arith.muli %mul3A_377, %scan3A_69 : i32
          %add3A_379 = arith.constant 7 : i32
          %add3A_380 = arith.addi %mul3A_378, %add3A_379 : i32
          %get3A_381 = arith.index_cast %add3A_380 : i32 to index
          %get3A_382 = arith.constant 48 : index
          %get3A_383 = tpu.vector_load %arg6[%get3A_381, %get3A_382] {strides = array<i32>} : memref<288x128xf32, #tpu.memory_space<vmem>>, vector<1x16xf32>,
          %get3A_384 = vector.shape_cast %get3A_383 : vector<1x16xf32> to vector<16xf32>
          %add3A_385 = arith.addf %add3A_376, %get3A_384 : vector<16xf32>
          %mul3A_386 = arith.constant 9 : i32
          %mul3A_387 = arith.muli %mul3A_386, %scan3A_69 : i32
          %add3A_388 = arith.constant 8 : i32
          %add3A_389 = arith.addi %mul3A_387, %add3A_388 : i32
          %get3A_390 = arith.index_cast %add3A_389 : i32 to index
          %get3A_391 = arith.constant 48 : index
          %get3A_392 = tpu.vector_load %arg6[%get3A_390, %get3A_391] {strides = array<i32>} : memref<288x128xf32, #tpu.memory_space<vmem>>, vector<1x16xf32>,
          %get3A_393 = vector.shape_cast %get3A_392 : vector<1x16xf32> to vector<16xf32>
          %add3A_394 = arith.addf %add3A_385, %get3A_393 : vector<16xf32>
          %swap3A_395 = arith.index_cast %scan3A_69 : i32 to index
          %swap3A_396 = arith.constant 48 : index
          %swap3A_397 = tpu.vector_load %arg8[%swap3A_395, %swap3A_396] {strides = array<i32>} : memref<32x128xf32, #tpu.memory_space<vmem>>, vector<1x16xf32>,
          %swap3A_398 = vector.shape_cast %swap3A_397 : vector<1x16xf32> to vector<16xf32>
          %swap3A_399 = vector.shape_cast %add3A_394 : vector<16xf32> to vector<1x16xf32>
          tpu.vector_store %arg8[%swap3A_395, %swap3A_396], %swap3A_399 {strides = array<i32>} : memref<32x128xf32, #tpu.memory_space<vmem>>, vector<1x16xf32>,
          %mul3A_400 = arith.constant 9 : i32
          %mul3A_401 = arith.muli %mul3A_400, %scan3A_69 : i32
          %get3A_402 = arith.index_cast %mul3A_401 : i32 to index
          %get3A_403 = arith.constant 64 : index
          %get3A_404 = tpu.vector_load %arg6[%get3A_402, %get3A_403] {strides = array<i32>} : memref<288x128xf32, #tpu.memory_space<vmem>>, vector<1x16xf32>,
          %get3A_405 = vector.shape_cast %get3A_404 : vector<1x16xf32> to vector<16xf32>
          %mul3A_406 = arith.constant 9 : i32
          %mul3A_407 = arith.muli %mul3A_406, %scan3A_69 : i32
          %add3A_408 = arith.constant 1 : i32
          %add3A_409 = arith.addi %mul3A_407, %add3A_408 : i32
          %get3A_410 = arith.index_cast %add3A_409 : i32 to index
          %get3A_411 = arith.constant 64 : index
          %get3A_412 = tpu.vector_load %arg6[%get3A_410, %get3A_411] {strides = array<i32>} : memref<288x128xf32, #tpu.memory_space<vmem>>, vector<1x16xf32>,
          %get3A_413 = vector.shape_cast %get3A_412 : vector<1x16xf32> to vector<16xf32>
          %add3A_414 = arith.addf %get3A_405, %get3A_413 : vector<16xf32>
          %mul3A_415 = arith.constant 9 : i32
          %mul3A_416 = arith.muli %mul3A_415, %scan3A_69 : i32
          %add3A_417 = arith.constant 2 : i32
          %add3A_418 = arith.addi %mul3A_416, %add3A_417 : i32
          %get3A_419 = arith.index_cast %add3A_418 : i32 to index
          %get3A_420 = arith.constant 64 : index
          %get3A_421 = tpu.vector_load %arg6[%get3A_419, %get3A_420] {strides = array<i32>} : memref<288x128xf32, #tpu.memory_space<vmem>>, vector<1x16xf32>,
          %get3A_422 = vector.shape_cast %get3A_421 : vector<1x16xf32> to vector<16xf32>
          %add3A_423 = arith.addf %add3A_414, %get3A_422 : vector<16xf32>
          %mul3A_424 = arith.constant 9 : i32
          %mul3A_425 = arith.muli %mul3A_424, %scan3A_69 : i32
          %add3A_426 = arith.constant 3 : i32
          %add3A_427 = arith.addi %mul3A_425, %add3A_426 : i32
          %get3A_428 = arith.index_cast %add3A_427 : i32 to index
          %get3A_429 = arith.constant 64 : index
          %get3A_430 = tpu.vector_load %arg6[%get3A_428, %get3A_429] {strides = array<i32>} : memref<288x128xf32, #tpu.memory_space<vmem>>, vector<1x16xf32>,
          %get3A_431 = vector.shape_cast %get3A_430 : vector<1x16xf32> to vector<16xf32>
          %add3A_432 = arith.addf %add3A_423, %get3A_431 : vector<16xf32>
          %mul3A_433 = arith.constant 9 : i32
          %mul3A_434 = arith.muli %mul3A_433, %scan3A_69 : i32
          %add3A_435 = arith.constant 4 : i32
          %add3A_436 = arith.addi %mul3A_434, %add3A_435 : i32
          %get3A_437 = arith.index_cast %add3A_436 : i32 to index
          %get3A_438 = arith.constant 64 : index
          %get3A_439 = tpu.vector_load %arg6[%get3A_437, %get3A_438] {strides = array<i32>} : memref<288x128xf32, #tpu.memory_space<vmem>>, vector<1x16xf32>,
          %get3A_440 = vector.shape_cast %get3A_439 : vector<1x16xf32> to vector<16xf32>
          %add3A_441 = arith.addf %add3A_432, %get3A_440 : vector<16xf32>
          %mul3A_442 = arith.constant 9 : i32
          %mul3A_443 = arith.muli %mul3A_442, %scan3A_69 : i32
          %add3A_444 = arith.constant 5 : i32
          %add3A_445 = arith.addi %mul3A_443, %add3A_444 : i32
          %get3A_446 = arith.index_cast %add3A_445 : i32 to index
          %get3A_447 = arith.constant 64 : index
          %get3A_448 = tpu.vector_load %arg6[%get3A_446, %get3A_447] {strides = array<i32>} : memref<288x128xf32, #tpu.memory_space<vmem>>, vector<1x16xf32>,
          %get3A_449 = vector.shape_cast %get3A_448 : vector<1x16xf32> to vector<16xf32>
          %add3A_450 = arith.addf %add3A_441, %get3A_449 : vector<16xf32>
          %mul3A_451 = arith.constant 9 : i32
          %mul3A_452 = arith.muli %mul3A_451, %scan3A_69 : i32
          %add3A_453 = arith.constant 6 : i32
          %add3A_454 = arith.addi %mul3A_452, %add3A_453 : i32
          %get3A_455 = arith.index_cast %add3A_454 : i32 to index
          %get3A_456 = arith.constant 64 : index
          %get3A_457 = tpu.vector_load %arg6[%get3A_455, %get3A_456] {strides = array<i32>} : memref<288x128xf32, #tpu.memory_space<vmem>>, vector<1x16xf32>,
          %get3A_458 = vector.shape_cast %get3A_457 : vector<1x16xf32> to vector<16xf32>
          %add3A_459 = arith.addf %add3A_450, %get3A_458 : vector<16xf32>
          %mul3A_460 = arith.constant 9 : i32
          %mul3A_461 = arith.muli %mul3A_460, %scan3A_69 : i32
          %add3A_462 = arith.constant 7 : i32
          %add3A_463 = arith.addi %mul3A_461, %add3A_462 : i32
          %get3A_464 = arith.index_cast %add3A_463 : i32 to index
          %get3A_465 = arith.constant 64 : index
          %get3A_466 = tpu.vector_load %arg6[%get3A_464, %get3A_465] {strides = array<i32>} : memref<288x128xf32, #tpu.memory_space<vmem>>, vector<1x16xf32>,
          %get3A_467 = vector.shape_cast %get3A_466 : vector<1x16xf32> to vector<16xf32>
          %add3A_468 = arith.addf %add3A_459, %get3A_467 : vector<16xf32>
          %mul3A_469 = arith.constant 9 : i32
          %mul3A_470 = arith.muli %mul3A_469, %scan3A_69 : i32
          %add3A_471 = arith.constant 8 : i32
          %add3A_472 = arith.addi %mul3A_470, %add3A_471 : i32
          %get3A_473 = arith.index_cast %add3A_472 : i32 to index
          %get3A_474 = arith.constant 64 : index
          %get3A_475 = tpu.vector_load %arg6[%get3A_473, %get3A_474] {strides = array<i32>} : memref<288x128xf32, #tpu.memory_space<vmem>>, vector<1x16xf32>,
          %get3A_476 = vector.shape_cast %get3A_475 : vector<1x16xf32> to vector<16xf32>
          %add3A_477 = arith.addf %add3A_468, %get3A_476 : vector<16xf32>
          %swap3A_478 = arith.index_cast %scan3A_69 : i32 to index
          %swap3A_479 = arith.constant 64 : index
          %swap3A_480 = tpu.vector_load %arg8[%swap3A_478, %swap3A_479] {strides = array<i32>} : memref<32x128xf32, #tpu.memory_space<vmem>>, vector<1x16xf32>,
          %swap3A_481 = vector.shape_cast %swap3A_480 : vector<1x16xf32> to vector<16xf32>
          %swap3A_482 = vector.shape_cast %add3A_477 : vector<16xf32> to vector<1x16xf32>
          tpu.vector_store %arg8[%swap3A_478, %swap3A_479], %swap3A_482 {strides = array<i32>} : memref<32x128xf32, #tpu.memory_space<vmem>>, vector<1x16xf32>,
          %mul3A_483 = arith.constant 9 : i32
          %mul3A_484 = arith.muli %mul3A_483, %scan3A_69 : i32
          %get3A_485 = arith.index_cast %mul3A_484 : i32 to index
          %get3A_486 = arith.constant 80 : index
          %get3A_487 = tpu.vector_load %arg6[%get3A_485, %get3A_486] {strides = array<i32>} : memref<288x128xf32, #tpu.memory_space<vmem>>, vector<1x16xf32>,
          %get3A_488 = vector.shape_cast %get3A_487 : vector<1x16xf32> to vector<16xf32>
          %mul3A_489 = arith.constant 9 : i32
          %mul3A_490 = arith.muli %mul3A_489, %scan3A_69 : i32
          %add3A_491 = arith.constant 1 : i32
          %add3A_492 = arith.addi %mul3A_490, %add3A_491 : i32
          %get3A_493 = arith.index_cast %add3A_492 : i32 to index
          %get3A_494 = arith.constant 80 : index
          %get3A_495 = tpu.vector_load %arg6[%get3A_493, %get3A_494] {strides = array<i32>} : memref<288x128xf32, #tpu.memory_space<vmem>>, vector<1x16xf32>,
          %get3A_496 = vector.shape_cast %get3A_495 : vector<1x16xf32> to vector<16xf32>
          %add3A_497 = arith.addf %get3A_488, %get3A_496 : vector<16xf32>
          %mul3A_498 = arith.constant 9 : i32
          %mul3A_499 = arith.muli %mul3A_498, %scan3A_69 : i32
          %add3A_500 = arith.constant 2 : i32
          %add3A_501 = arith.addi %mul3A_499, %add3A_500 : i32
          %get3A_502 = arith.index_cast %add3A_501 : i32 to index
          %get3A_503 = arith.constant 80 : index
          %get3A_504 = tpu.vector_load %arg6[%get3A_502, %get3A_503] {strides = array<i32>} : memref<288x128xf32, #tpu.memory_space<vmem>>, vector<1x16xf32>,
          %get3A_505 = vector.shape_cast %get3A_504 : vector<1x16xf32> to vector<16xf32>
          %add3A_506 = arith.addf %add3A_497, %get3A_505 : vector<16xf32>
          %mul3A_507 = arith.constant 9 : i32
          %mul3A_508 = arith.muli %mul3A_507, %scan3A_69 : i32
          %add3A_509 = arith.constant 3 : i32
          %add3A_510 = arith.addi %mul3A_508, %add3A_509 : i32
          %get3A_511 = arith.index_cast %add3A_510 : i32 to index
          %get3A_512 = arith.constant 80 : index
          %get3A_513 = tpu.vector_load %arg6[%get3A_511, %get3A_512] {strides = array<i32>} : memref<288x128xf32, #tpu.memory_space<vmem>>, vector<1x16xf32>,
          %get3A_514 = vector.shape_cast %get3A_513 : vector<1x16xf32> to vector<16xf32>
          %add3A_515 = arith.addf %add3A_506, %get3A_514 : vector<16xf32>
          %mul3A_516 = arith.constant 9 : i32
          %mul3A_517 = arith.muli %mul3A_516, %scan3A_69 : i32
          %add3A_518 = arith.constant 4 : i32
          %add3A_519 = arith.addi %mul3A_517, %add3A_518 : i32
          %get3A_520 = arith.index_cast %add3A_519 : i32 to index
          %get3A_521 = arith.constant 80 : index
          %get3A_522 = tpu.vector_load %arg6[%get3A_520, %get3A_521] {strides = array<i32>} : memref<288x128xf32, #tpu.memory_space<vmem>>, vector<1x16xf32>,
          %get3A_523 = vector.shape_cast %get3A_522 : vector<1x16xf32> to vector<16xf32>
          %add3A_524 = arith.addf %add3A_515, %get3A_523 : vector<16xf32>
          %mul3A_525 = arith.constant 9 : i32
          %mul3A_526 = arith.muli %mul3A_525, %scan3A_69 : i32
          %add3A_527 = arith.constant 5 : i32
          %add3A_528 = arith.addi %mul3A_526, %add3A_527 : i32
          %get3A_529 = arith.index_cast %add3A_528 : i32 to index
          %get3A_530 = arith.constant 80 : index
          %get3A_531 = tpu.vector_load %arg6[%get3A_529, %get3A_530] {strides = array<i32>} : memref<288x128xf32, #tpu.memory_space<vmem>>, vector<1x16xf32>,
          %get3A_532 = vector.shape_cast %get3A_531 : vector<1x16xf32> to vector<16xf32>
          %add3A_533 = arith.addf %add3A_524, %get3A_532 : vector<16xf32>
          %mul3A_534 = arith.constant 9 : i32
          %mul3A_535 = arith.muli %mul3A_534, %scan3A_69 : i32
          %add3A_536 = arith.constant 6 : i32
          %add3A_537 = arith.addi %mul3A_535, %add3A_536 : i32
          %get3A_538 = arith.index_cast %add3A_537 : i32 to index
          %get3A_539 = arith.constant 80 : index
          %get3A_540 = tpu.vector_load %arg6[%get3A_538, %get3A_539] {strides = array<i32>} : memref<288x128xf32, #tpu.memory_space<vmem>>, vector<1x16xf32>,
          %get3A_541 = vector.shape_cast %get3A_540 : vector<1x16xf32> to vector<16xf32>
          %add3A_542 = arith.addf %add3A_533, %get3A_541 : vector<16xf32>
          %mul3A_543 = arith.constant 9 : i32
          %mul3A_544 = arith.muli %mul3A_543, %scan3A_69 : i32
          %add3A_545 = arith.constant 7 : i32
          %add3A_546 = arith.addi %mul3A_544, %add3A_545 : i32
          %get3A_547 = arith.index_cast %add3A_546 : i32 to index
          %get3A_548 = arith.constant 80 : index
          %get3A_549 = tpu.vector_load %arg6[%get3A_547, %get3A_548] {strides = array<i32>} : memref<288x128xf32, #tpu.memory_space<vmem>>, vector<1x16xf32>,
          %get3A_550 = vector.shape_cast %get3A_549 : vector<1x16xf32> to vector<16xf32>
          %add3A_551 = arith.addf %add3A_542, %get3A_550 : vector<16xf32>
          %mul3A_552 = arith.constant 9 : i32
          %mul3A_553 = arith.muli %mul3A_552, %scan3A_69 : i32
          %add3A_554 = arith.constant 8 : i32
          %add3A_555 = arith.addi %mul3A_553, %add3A_554 : i32
          %get3A_556 = arith.index_cast %add3A_555 : i32 to index
          %get3A_557 = arith.constant 80 : index
          %get3A_558 = tpu.vector_load %arg6[%get3A_556, %get3A_557] {strides = array<i32>} : memref<288x128xf32, #tpu.memory_space<vmem>>, vector<1x16xf32>,
          %get3A_559 = vector.shape_cast %get3A_558 : vector<1x16xf32> to vector<16xf32>
          %add3A_560 = arith.addf %add3A_551, %get3A_559 : vector<16xf32>
          %swap3A_561 = arith.index_cast %scan3A_69 : i32 to index
          %swap3A_562 = arith.constant 80 : index
          %swap3A_563 = tpu.vector_load %arg8[%swap3A_561, %swap3A_562] {strides = array<i32>} : memref<32x128xf32, #tpu.memory_space<vmem>>, vector<1x16xf32>,
          %swap3A_564 = vector.shape_cast %swap3A_563 : vector<1x16xf32> to vector<16xf32>
          %swap3A_565 = vector.shape_cast %add3A_560 : vector<16xf32> to vector<1x16xf32>
          tpu.vector_store %arg8[%swap3A_561, %swap3A_562], %swap3A_565 {strides = array<i32>} : memref<32x128xf32, #tpu.memory_space<vmem>>, vector<1x16xf32>,
          %mul3A_566 = arith.constant 9 : i32
          %mul3A_567 = arith.muli %mul3A_566, %scan3A_69 : i32
          %get3A_568 = arith.index_cast %mul3A_567 : i32 to index
          %get3A_569 = arith.constant 96 : index
          %get3A_570 = tpu.vector_load %arg6[%get3A_568, %get3A_569] {strides = array<i32>} : memref<288x128xf32, #tpu.memory_space<vmem>>, vector<1x16xf32>,
          %get3A_571 = vector.shape_cast %get3A_570 : vector<1x16xf32> to vector<16xf32>
          %mul3A_572 = arith.constant 9 : i32
          %mul3A_573 = arith.muli %mul3A_572, %scan3A_69 : i32
          %add3A_574 = arith.constant 1 : i32
          %add3A_575 = arith.addi %mul3A_573, %add3A_574 : i32
          %get3A_576 = arith.index_cast %add3A_575 : i32 to index
          %get3A_577 = arith.constant 96 : index
          %get3A_578 = tpu.vector_load %arg6[%get3A_576, %get3A_577] {strides = array<i32>} : memref<288x128xf32, #tpu.memory_space<vmem>>, vector<1x16xf32>,
          %get3A_579 = vector.shape_cast %get3A_578 : vector<1x16xf32> to vector<16xf32>
          %add3A_580 = arith.addf %get3A_571, %get3A_579 : vector<16xf32>
          %mul3A_581 = arith.constant 9 : i32
          %mul3A_582 = arith.muli %mul3A_581, %scan3A_69 : i32
          %add3A_583 = arith.constant 2 : i32
          %add3A_584 = arith.addi %mul3A_582, %add3A_583 : i32
          %get3A_585 = arith.index_cast %add3A_584 : i32 to index
          %get3A_586 = arith.constant 96 : index
          %get3A_587 = tpu.vector_load %arg6[%get3A_585, %get3A_586] {strides = array<i32>} : memref<288x128xf32, #tpu.memory_space<vmem>>, vector<1x16xf32>,
          %get3A_588 = vector.shape_cast %get3A_587 : vector<1x16xf32> to vector<16xf32>
          %add3A_589 = arith.addf %add3A_580, %get3A_588 : vector<16xf32>
          %mul3A_590 = arith.constant 9 : i32
          %mul3A_591 = arith.muli %mul3A_590, %scan3A_69 : i32
          %add3A_592 = arith.constant 3 : i32
          %add3A_593 = arith.addi %mul3A_591, %add3A_592 : i32
          %get3A_594 = arith.index_cast %add3A_593 : i32 to index
          %get3A_595 = arith.constant 96 : index
          %get3A_596 = tpu.vector_load %arg6[%get3A_594, %get3A_595] {strides = array<i32>} : memref<288x128xf32, #tpu.memory_space<vmem>>, vector<1x16xf32>,
          %get3A_597 = vector.shape_cast %get3A_596 : vector<1x16xf32> to vector<16xf32>
          %add3A_598 = arith.addf %add3A_589, %get3A_597 : vector<16xf32>
          %mul3A_599 = arith.constant 9 : i32
          %mul3A_600 = arith.muli %mul3A_599, %scan3A_69 : i32
          %add3A_601 = arith.constant 4 : i32
          %add3A_602 = arith.addi %mul3A_600, %add3A_601 : i32
          %get3A_603 = arith.index_cast %add3A_602 : i32 to index
          %get3A_604 = arith.constant 96 : index
          %get3A_605 = tpu.vector_load %arg6[%get3A_603, %get3A_604] {strides = array<i32>} : memref<288x128xf32, #tpu.memory_space<vmem>>, vector<1x16xf32>,
          %get3A_606 = vector.shape_cast %get3A_605 : vector<1x16xf32> to vector<16xf32>
          %add3A_607 = arith.addf %add3A_598, %get3A_606 : vector<16xf32>
          %mul3A_608 = arith.constant 9 : i32
          %mul3A_609 = arith.muli %mul3A_608, %scan3A_69 : i32
          %add3A_610 = arith.constant 5 : i32
          %add3A_611 = arith.addi %mul3A_609, %add3A_610 : i32
          %get3A_612 = arith.index_cast %add3A_611 : i32 to index
          %get3A_613 = arith.constant 96 : index
          %get3A_614 = tpu.vector_load %arg6[%get3A_612, %get3A_613] {strides = array<i32>} : memref<288x128xf32, #tpu.memory_space<vmem>>, vector<1x16xf32>,
          %get3A_615 = vector.shape_cast %get3A_614 : vector<1x16xf32> to vector<16xf32>
          %add3A_616 = arith.addf %add3A_607, %get3A_615 : vector<16xf32>
          %mul3A_617 = arith.constant 9 : i32
          %mul3A_618 = arith.muli %mul3A_617, %scan3A_69 : i32
          %add3A_619 = arith.constant 6 : i32
          %add3A_620 = arith.addi %mul3A_618, %add3A_619 : i32
          %get3A_621 = arith.index_cast %add3A_620 : i32 to index
          %get3A_622 = arith.constant 96 : index
          %get3A_623 = tpu.vector_load %arg6[%get3A_621, %get3A_622] {strides = array<i32>} : memref<288x128xf32, #tpu.memory_space<vmem>>, vector<1x16xf32>,
          %get3A_624 = vector.shape_cast %get3A_623 : vector<1x16xf32> to vector<16xf32>
          %add3A_625 = arith.addf %add3A_616, %get3A_624 : vector<16xf32>
          %mul3A_626 = arith.constant 9 : i32
          %mul3A_627 = arith.muli %mul3A_626, %scan3A_69 : i32
          %add3A_628 = arith.constant 7 : i32
          %add3A_629 = arith.addi %mul3A_627, %add3A_628 : i32
          %get3A_630 = arith.index_cast %add3A_629 : i32 to index
          %get3A_631 = arith.constant 96 : index
          %get3A_632 = tpu.vector_load %arg6[%get3A_630, %get3A_631] {strides = array<i32>} : memref<288x128xf32, #tpu.memory_space<vmem>>, vector<1x16xf32>,
          %get3A_633 = vector.shape_cast %get3A_632 : vector<1x16xf32> to vector<16xf32>
          %add3A_634 = arith.addf %add3A_625, %get3A_633 : vector<16xf32>
          %mul3A_635 = arith.constant 9 : i32
          %mul3A_636 = arith.muli %mul3A_635, %scan3A_69 : i32
          %add3A_637 = arith.constant 8 : i32
          %add3A_638 = arith.addi %mul3A_636, %add3A_637 : i32
          %get3A_639 = arith.index_cast %add3A_638 : i32 to index
          %get3A_640 = arith.constant 96 : index
          %get3A_641 = tpu.vector_load %arg6[%get3A_639, %get3A_640] {strides = array<i32>} : memref<288x128xf32, #tpu.memory_space<vmem>>, vector<1x16xf32>,
          %get3A_642 = vector.shape_cast %get3A_641 : vector<1x16xf32> to vector<16xf32>
          %add3A_643 = arith.addf %add3A_634, %get3A_642 : vector<16xf32>
          %swap3A_644 = arith.index_cast %scan3A_69 : i32 to index
          %swap3A_645 = arith.constant 96 : index
          %swap3A_646 = tpu.vector_load %arg8[%swap3A_644, %swap3A_645] {strides = array<i32>} : memref<32x128xf32, #tpu.memory_space<vmem>>, vector<1x16xf32>,
          %swap3A_647 = vector.shape_cast %swap3A_646 : vector<1x16xf32> to vector<16xf32>
          %swap3A_648 = vector.shape_cast %add3A_643 : vector<16xf32> to vector<1x16xf32>
          tpu.vector_store %arg8[%swap3A_644, %swap3A_645], %swap3A_648 {strides = array<i32>} : memref<32x128xf32, #tpu.memory_space<vmem>>, vector<1x16xf32>,
          %mul3A_649 = arith.constant 9 : i32
          %mul3A_650 = arith.muli %mul3A_649, %scan3A_69 : i32
          %get3A_651 = arith.index_cast %mul3A_650 : i32 to index
          %get3A_652 = arith.constant 112 : index
          %get3A_653 = tpu.vector_load %arg6[%get3A_651, %get3A_652] {strides = array<i32>} : memref<288x128xf32, #tpu.memory_space<vmem>>, vector<1x16xf32>,
          %get3A_654 = vector.shape_cast %get3A_653 : vector<1x16xf32> to vector<16xf32>
          %mul3A_655 = arith.constant 9 : i32
          %mul3A_656 = arith.muli %mul3A_655, %scan3A_69 : i32
          %add3A_657 = arith.constant 1 : i32
          %add3A_658 = arith.addi %mul3A_656, %add3A_657 : i32
          %get3A_659 = arith.index_cast %add3A_658 : i32 to index
          %get3A_660 = arith.constant 112 : index
          %get3A_661 = tpu.vector_load %arg6[%get3A_659, %get3A_660] {strides = array<i32>} : memref<288x128xf32, #tpu.memory_space<vmem>>, vector<1x16xf32>,
          %get3A_662 = vector.shape_cast %get3A_661 : vector<1x16xf32> to vector<16xf32>
          %add3A_663 = arith.addf %get3A_654, %get3A_662 : vector<16xf32>
          %mul3A_664 = arith.constant 9 : i32
          %mul3A_665 = arith.muli %mul3A_664, %scan3A_69 : i32
          %add3A_666 = arith.constant 2 : i32
          %add3A_667 = arith.addi %mul3A_665, %add3A_666 : i32
          %get3A_668 = arith.index_cast %add3A_667 : i32 to index
          %get3A_669 = arith.constant 112 : index
          %get3A_670 = tpu.vector_load %arg6[%get3A_668, %get3A_669] {strides = array<i32>} : memref<288x128xf32, #tpu.memory_space<vmem>>, vector<1x16xf32>,
          %get3A_671 = vector.shape_cast %get3A_670 : vector<1x16xf32> to vector<16xf32>
          %add3A_672 = arith.addf %add3A_663, %get3A_671 : vector<16xf32>
          %mul3A_673 = arith.constant 9 : i32
          %mul3A_674 = arith.muli %mul3A_673, %scan3A_69 : i32
          %add3A_675 = arith.constant 3 : i32
          %add3A_676 = arith.addi %mul3A_674, %add3A_675 : i32
          %get3A_677 = arith.index_cast %add3A_676 : i32 to index
          %get3A_678 = arith.constant 112 : index
          %get3A_679 = tpu.vector_load %arg6[%get3A_677, %get3A_678] {strides = array<i32>} : memref<288x128xf32, #tpu.memory_space<vmem>>, vector<1x16xf32>,
          %get3A_680 = vector.shape_cast %get3A_679 : vector<1x16xf32> to vector<16xf32>
          %add3A_681 = arith.addf %add3A_672, %get3A_680 : vector<16xf32>
          %mul3A_682 = arith.constant 9 : i32
          %mul3A_683 = arith.muli %mul3A_682, %scan3A_69 : i32
          %add3A_684 = arith.constant 4 : i32
          %add3A_685 = arith.addi %mul3A_683, %add3A_684 : i32
          %get3A_686 = arith.index_cast %add3A_685 : i32 to index
          %get3A_687 = arith.constant 112 : index
          %get3A_688 = tpu.vector_load %arg6[%get3A_686, %get3A_687] {strides = array<i32>} : memref<288x128xf32, #tpu.memory_space<vmem>>, vector<1x16xf32>,
          %get3A_689 = vector.shape_cast %get3A_688 : vector<1x16xf32> to vector<16xf32>
          %add3A_690 = arith.addf %add3A_681, %get3A_689 : vector<16xf32>
          %mul3A_691 = arith.constant 9 : i32
          %mul3A_692 = arith.muli %mul3A_691, %scan3A_69 : i32
          %add3A_693 = arith.constant 5 : i32
          %add3A_694 = arith.addi %mul3A_692, %add3A_693 : i32
          %get3A_695 = arith.index_cast %add3A_694 : i32 to index
          %get3A_696 = arith.constant 112 : index
          %get3A_697 = tpu.vector_load %arg6[%get3A_695, %get3A_696] {strides = array<i32>} : memref<288x128xf32, #tpu.memory_space<vmem>>, vector<1x16xf32>,
          %get3A_698 = vector.shape_cast %get3A_697 : vector<1x16xf32> to vector<16xf32>
          %add3A_699 = arith.addf %add3A_690, %get3A_698 : vector<16xf32>
          %mul3A_700 = arith.constant 9 : i32
          %mul3A_701 = arith.muli %mul3A_700, %scan3A_69 : i32
          %add3A_702 = arith.constant 6 : i32
          %add3A_703 = arith.addi %mul3A_701, %add3A_702 : i32
          %get3A_704 = arith.index_cast %add3A_703 : i32 to index
          %get3A_705 = arith.constant 112 : index
          %get3A_706 = tpu.vector_load %arg6[%get3A_704, %get3A_705] {strides = array<i32>} : memref<288x128xf32, #tpu.memory_space<vmem>>, vector<1x16xf32>,
          %get3A_707 = vector.shape_cast %get3A_706 : vector<1x16xf32> to vector<16xf32>
          %add3A_708 = arith.addf %add3A_699, %get3A_707 : vector<16xf32>
          %mul3A_709 = arith.constant 9 : i32
          %mul3A_710 = arith.muli %mul3A_709, %scan3A_69 : i32
          %add3A_711 = arith.constant 7 : i32
          %add3A_712 = arith.addi %mul3A_710, %add3A_711 : i32
          %get3A_713 = arith.index_cast %add3A_712 : i32 to index
          %get3A_714 = arith.constant 112 : index
          %get3A_715 = tpu.vector_load %arg6[%get3A_713, %get3A_714] {strides = array<i32>} : memref<288x128xf32, #tpu.memory_space<vmem>>, vector<1x16xf32>,
          %get3A_716 = vector.shape_cast %get3A_715 : vector<1x16xf32> to vector<16xf32>
          %add3A_717 = arith.addf %add3A_708, %get3A_716 : vector<16xf32>
          %mul3A_718 = arith.constant 9 : i32
          %mul3A_719 = arith.muli %mul3A_718, %scan3A_69 : i32
          %add3A_720 = arith.constant 8 : i32
          %add3A_721 = arith.addi %mul3A_719, %add3A_720 : i32
          %get3A_722 = arith.index_cast %add3A_721 : i32 to index
          %get3A_723 = arith.constant 112 : index
          %get3A_724 = tpu.vector_load %arg6[%get3A_722, %get3A_723] {strides = array<i32>} : memref<288x128xf32, #tpu.memory_space<vmem>>, vector<1x16xf32>,
          %get3A_725 = vector.shape_cast %get3A_724 : vector<1x16xf32> to vector<16xf32>
          %add3A_726 = arith.addf %add3A_717, %get3A_725 : vector<16xf32>
          %swap3A_727 = arith.index_cast %scan3A_69 : i32 to index
          %swap3A_728 = arith.constant 112 : index
          %swap3A_729 = tpu.vector_load %arg8[%swap3A_727, %swap3A_728] {strides = array<i32>} : memref<32x128xf32, #tpu.memory_space<vmem>>, vector<1x16xf32>,
          %swap3A_730 = vector.shape_cast %swap3A_729 : vector<1x16xf32> to vector<16xf32>
          %swap3A_731 = vector.shape_cast %add3A_726 : vector<16xf32> to vector<1x16xf32>
          tpu.vector_store %arg8[%swap3A_727, %swap3A_728], %swap3A_731 {strides = array<i32>} : memref<32x128xf32, #tpu.memory_space<vmem>>, vector<1x16xf32>,
        }
        %scan3A_65 = arith.constant 32 : i32
        %mul3A_66 = arith.constant 32 : i32
        %mul3A_67 = arith.muli %mul3A_66, %while3A_20 : i32
        %add3A_68 = arith.addi %mul3A_2, %mul3A_67 : i32
        "tpu.region"() ({
          %run_scoped3A = tpu.sem_alloc : memref<!tpu.dma_semaphore, #tpu.memory_space<semaphore_mem>>
          %dma_start3A_69 = arith.constant 0 : i32
          %dma_start3A_70 = tpu.memref_slice %arg4[%add3A_68, %dma_start3A_69] : memref<100000x128xf32, #tpu.memory_space<hbm>> -> memref<32x128xf32, #tpu.memory_space<hbm>>
          %dma_start3A_71 = arith.constant 0 : i32
          %dma_start3A_72 = tpu.memref_slice %arg4[%add3A_68, %dma_start3A_71] : memref<100000x128xf32, #tpu.memory_space<hbm>> -> memref<32x128xf32, #tpu.memory_space<hbm>>
          tpu.enqueue_dma source(%arg8 : memref<32x128xf32, #tpu.memory_space<vmem>>) target(%dma_start3A_72 : memref<32x128xf32, #tpu.memory_space<hbm>>) target_semaphore(%run_scoped3A : memref<!tpu.dma_semaphore, #tpu.memory_space<semaphore_mem>>)
          %dma_wait3A_73 = arith.constant 0 : i32
          %dma_wait3A_74 = tpu.memref_slice %arg4[%add3A_68, %dma_wait3A_73] : memref<100000x128xf32, #tpu.memory_space<hbm>> -> memref<32x128xf32, #tpu.memory_space<hbm>>
          %dma_wait3A_75 = arith.constant 0 : i32
          %dma_wait3A_76 = tpu.memref_slice %arg4[%add3A_68, %dma_wait3A_75] : memref<100000x128xf32, #tpu.memory_space<hbm>> -> memref<32x128xf32, #tpu.memory_space<hbm>>
          tpu.wait_dma2 semaphore(%run_scoped3A : memref<!tpu.dma_semaphore, #tpu.memory_space<semaphore_mem>>) src(%arg8 : memref<32x128xf32, #tpu.memory_space<vmem>>) dst(%dma_wait3A_76 : memref<32x128xf32, #tpu.memory_space<hbm>>)
          tpu.yield
        }) : () -> ()
      } else {
      }
      %not3A_51 = arith.constant true
      %not3A_52 = arith.xori %eq3A_34, %not3A_51 : i1
      %convert_element_type3A_53 = arith.extui %not3A_52 : i1 to i32
      %cond3A_54 = arith.constant 0 : i32
      %cond3A_55 = arith.cmpi ne, %convert_element_type3A_53, %cond3A_54 : i32
      scf.if %cond3A_55 {
        %mul3A_56 = arith.constant 288 : i32
        %mul3A_57 = arith.muli %mul3A_56, %while3A_20 : i32
        %dma_wait3A = tpu.memref_slice %arg5[%mul3A_57] : memref<28224xi32, #tpu.memory_space<vmem>> -> memref<288xi32, #tpu.memory_space<vmem>>
        %dma_wait3A_58 = arith.constant 0 : i32
        %dma_wait3A_59 = arith.constant 0 : i32
        %dma_wait3A_60 = tpu.memref_slice %arg3[%dma_wait3A_58, %dma_wait3A_59] : memref<176x128xf32, #tpu.memory_space<hbm>> -> memref<176x128xf32, #tpu.memory_space<hbm>>
        tpu.wait_indirect_dma semaphore(%arg10 : memref<!tpu.dma_semaphore, #tpu.memory_space<semaphore_mem>>) src(%dma_wait3A_60 : memref<176x128xf32, #tpu.memory_space<hbm>>) dst(%arg7 : memref<288x128xf32, #tpu.memory_space<vmem>>)
        %scan3A = arith.constant 0 : i32
        %scan3A_61 = arith.constant 0 : i32
        %scan3A_62 = arith.constant 32 : i32
        %scan3A_63 = arith.addi %scan3A_61, %scan3A_62 : i32
        %scan3A_64 = arith.constant 1 : i32
        scf.for %scan3A_69 = %scan3A_61 to %scan3A_63 step %scan3A_64  : i32 {
          %mul3A_70 = arith.constant 9 : i32
          %mul3A_71 = arith.muli %mul3A_70, %scan3A_69 : i32
          %get3A = arith.index_cast %mul3A_71 : i32 to index
          %get3A_72 = arith.constant 0 : index
          %get3A_73 = tpu.vector_load %arg7[%get3A, %get3A_72] {strides = array<i32>} : memref<288x128xf32, #tpu.memory_space<vmem>>, vector<1x16xf32>,
          %get3A_74 = vector.shape_cast %get3A_73 : vector<1x16xf32> to vector<16xf32>
          %mul3A_75 = arith.constant 9 : i32
          %mul3A_76 = arith.muli %mul3A_75, %scan3A_69 : i32
          %add3A_77 = arith.constant 1 : i32
          %add3A_78 = arith.addi %mul3A_76, %add3A_77 : i32
          %get3A_79 = arith.index_cast %add3A_78 : i32 to index
          %get3A_80 = arith.constant 0 : index
          %get3A_81 = tpu.vector_load %arg7[%get3A_79, %get3A_80] {strides = array<i32>} : memref<288x128xf32, #tpu.memory_space<vmem>>, vector<1x16xf32>,
          %get3A_82 = vector.shape_cast %get3A_81 : vector<1x16xf32> to vector<16xf32>
          %add3A_83 = arith.addf %get3A_74, %get3A_82 : vector<16xf32>
          %mul3A_84 = arith.constant 9 : i32
          %mul3A_85 = arith.muli %mul3A_84, %scan3A_69 : i32
          %add3A_86 = arith.constant 2 : i32
          %add3A_87 = arith.addi %mul3A_85, %add3A_86 : i32
          %get3A_88 = arith.index_cast %add3A_87 : i32 to index
          %get3A_89 = arith.constant 0 : index
          %get3A_90 = tpu.vector_load %arg7[%get3A_88, %get3A_89] {strides = array<i32>} : memref<288x128xf32, #tpu.memory_space<vmem>>, vector<1x16xf32>,
          %get3A_91 = vector.shape_cast %get3A_90 : vector<1x16xf32> to vector<16xf32>
          %add3A_92 = arith.addf %add3A_83, %get3A_91 : vector<16xf32>
          %mul3A_93 = arith.constant 9 : i32
          %mul3A_94 = arith.muli %mul3A_93, %scan3A_69 : i32
          %add3A_95 = arith.constant 3 : i32
          %add3A_96 = arith.addi %mul3A_94, %add3A_95 : i32
          %get3A_97 = arith.index_cast %add3A_96 : i32 to index
          %get3A_98 = arith.constant 0 : index
          %get3A_99 = tpu.vector_load %arg7[%get3A_97, %get3A_98] {strides = array<i32>} : memref<288x128xf32, #tpu.memory_space<vmem>>, vector<1x16xf32>,
          %get3A_100 = vector.shape_cast %get3A_99 : vector<1x16xf32> to vector<16xf32>
          %add3A_101 = arith.addf %add3A_92, %get3A_100 : vector<16xf32>
          %mul3A_102 = arith.constant 9 : i32
          %mul3A_103 = arith.muli %mul3A_102, %scan3A_69 : i32
          %add3A_104 = arith.constant 4 : i32
          %add3A_105 = arith.addi %mul3A_103, %add3A_104 : i32
          %get3A_106 = arith.index_cast %add3A_105 : i32 to index
          %get3A_107 = arith.constant 0 : index
          %get3A_108 = tpu.vector_load %arg7[%get3A_106, %get3A_107] {strides = array<i32>} : memref<288x128xf32, #tpu.memory_space<vmem>>, vector<1x16xf32>,
          %get3A_109 = vector.shape_cast %get3A_108 : vector<1x16xf32> to vector<16xf32>
          %add3A_110 = arith.addf %add3A_101, %get3A_109 : vector<16xf32>
          %mul3A_111 = arith.constant 9 : i32
          %mul3A_112 = arith.muli %mul3A_111, %scan3A_69 : i32
          %add3A_113 = arith.constant 5 : i32
          %add3A_114 = arith.addi %mul3A_112, %add3A_113 : i32
          %get3A_115 = arith.index_cast %add3A_114 : i32 to index
          %get3A_116 = arith.constant 0 : index
          %get3A_117 = tpu.vector_load %arg7[%get3A_115, %get3A_116] {strides = array<i32>} : memref<288x128xf32, #tpu.memory_space<vmem>>, vector<1x16xf32>,
          %get3A_118 = vector.shape_cast %get3A_117 : vector<1x16xf32> to vector<16xf32>
          %add3A_119 = arith.addf %add3A_110, %get3A_118 : vector<16xf32>
          %mul3A_120 = arith.constant 9 : i32
          %mul3A_121 = arith.muli %mul3A_120, %scan3A_69 : i32
          %add3A_122 = arith.constant 6 : i32
          %add3A_123 = arith.addi %mul3A_121, %add3A_122 : i32
          %get3A_124 = arith.index_cast %add3A_123 : i32 to index
          %get3A_125 = arith.constant 0 : index
          %get3A_126 = tpu.vector_load %arg7[%get3A_124, %get3A_125] {strides = array<i32>} : memref<288x128xf32, #tpu.memory_space<vmem>>, vector<1x16xf32>,
          %get3A_127 = vector.shape_cast %get3A_126 : vector<1x16xf32> to vector<16xf32>
          %add3A_128 = arith.addf %add3A_119, %get3A_127 : vector<16xf32>
          %mul3A_129 = arith.constant 9 : i32
          %mul3A_130 = arith.muli %mul3A_129, %scan3A_69 : i32
          %add3A_131 = arith.constant 7 : i32
          %add3A_132 = arith.addi %mul3A_130, %add3A_131 : i32
          %get3A_133 = arith.index_cast %add3A_132 : i32 to index
          %get3A_134 = arith.constant 0 : index
          %get3A_135 = tpu.vector_load %arg7[%get3A_133, %get3A_134] {strides = array<i32>} : memref<288x128xf32, #tpu.memory_space<vmem>>, vector<1x16xf32>,
          %get3A_136 = vector.shape_cast %get3A_135 : vector<1x16xf32> to vector<16xf32>
          %add3A_137 = arith.addf %add3A_128, %get3A_136 : vector<16xf32>
          %mul3A_138 = arith.constant 9 : i32
          %mul3A_139 = arith.muli %mul3A_138, %scan3A_69 : i32
          %add3A_140 = arith.constant 8 : i32
          %add3A_141 = arith.addi %mul3A_139, %add3A_140 : i32
          %get3A_142 = arith.index_cast %add3A_141 : i32 to index
          %get3A_143 = arith.constant 0 : index
          %get3A_144 = tpu.vector_load %arg7[%get3A_142, %get3A_143] {strides = array<i32>} : memref<288x128xf32, #tpu.memory_space<vmem>>, vector<1x16xf32>,
          %get3A_145 = vector.shape_cast %get3A_144 : vector<1x16xf32> to vector<16xf32>
          %add3A_146 = arith.addf %add3A_137, %get3A_145 : vector<16xf32>
          %swap3A = arith.index_cast %scan3A_69 : i32 to index
          %swap3A_147 = arith.constant 0 : index
          %swap3A_148 = tpu.vector_load %arg8[%swap3A, %swap3A_147] {strides = array<i32>} : memref<32x128xf32, #tpu.memory_space<vmem>>, vector<1x16xf32>,
          %swap3A_149 = vector.shape_cast %swap3A_148 : vector<1x16xf32> to vector<16xf32>
          %swap3A_150 = vector.shape_cast %add3A_146 : vector<16xf32> to vector<1x16xf32>
          tpu.vector_store %arg8[%swap3A, %swap3A_147], %swap3A_150 {strides = array<i32>} : memref<32x128xf32, #tpu.memory_space<vmem>>, vector<1x16xf32>,
          %mul3A_151 = arith.constant 9 : i32
          %mul3A_152 = arith.muli %mul3A_151, %scan3A_69 : i32
          %get3A_153 = arith.index_cast %mul3A_152 : i32 to index
          %get3A_154 = arith.constant 16 : index
          %get3A_155 = tpu.vector_load %arg7[%get3A_153, %get3A_154] {strides = array<i32>} : memref<288x128xf32, #tpu.memory_space<vmem>>, vector<1x16xf32>,
          %get3A_156 = vector.shape_cast %get3A_155 : vector<1x16xf32> to vector<16xf32>
          %mul3A_157 = arith.constant 9 : i32
          %mul3A_158 = arith.muli %mul3A_157, %scan3A_69 : i32
          %add3A_159 = arith.constant 1 : i32
          %add3A_160 = arith.addi %mul3A_158, %add3A_159 : i32
          %get3A_161 = arith.index_cast %add3A_160 : i32 to index
          %get3A_162 = arith.constant 16 : index
          %get3A_163 = tpu.vector_load %arg7[%get3A_161, %get3A_162] {strides = array<i32>} : memref<288x128xf32, #tpu.memory_space<vmem>>, vector<1x16xf32>,
          %get3A_164 = vector.shape_cast %get3A_163 : vector<1x16xf32> to vector<16xf32>
          %add3A_165 = arith.addf %get3A_156, %get3A_164 : vector<16xf32>
          %mul3A_166 = arith.constant 9 : i32
          %mul3A_167 = arith.muli %mul3A_166, %scan3A_69 : i32
          %add3A_168 = arith.constant 2 : i32
          %add3A_169 = arith.addi %mul3A_167, %add3A_168 : i32
          %get3A_170 = arith.index_cast %add3A_169 : i32 to index
          %get3A_171 = arith.constant 16 : index
          %get3A_172 = tpu.vector_load %arg7[%get3A_170, %get3A_171] {strides = array<i32>} : memref<288x128xf32, #tpu.memory_space<vmem>>, vector<1x16xf32>,
          %get3A_173 = vector.shape_cast %get3A_172 : vector<1x16xf32> to vector<16xf32>
          %add3A_174 = arith.addf %add3A_165, %get3A_173 : vector<16xf32>
          %mul3A_175 = arith.constant 9 : i32
          %mul3A_176 = arith.muli %mul3A_175, %scan3A_69 : i32
          %add3A_177 = arith.constant 3 : i32
          %add3A_178 = arith.addi %mul3A_176, %add3A_177 : i32
          %get3A_179 = arith.index_cast %add3A_178 : i32 to index
          %get3A_180 = arith.constant 16 : index
          %get3A_181 = tpu.vector_load %arg7[%get3A_179, %get3A_180] {strides = array<i32>} : memref<288x128xf32, #tpu.memory_space<vmem>>, vector<1x16xf32>,
          %get3A_182 = vector.shape_cast %get3A_181 : vector<1x16xf32> to vector<16xf32>
          %add3A_183 = arith.addf %add3A_174, %get3A_182 : vector<16xf32>
          %mul3A_184 = arith.constant 9 : i32
          %mul3A_185 = arith.muli %mul3A_184, %scan3A_69 : i32
          %add3A_186 = arith.constant 4 : i32
          %add3A_187 = arith.addi %mul3A_185, %add3A_186 : i32
          %get3A_188 = arith.index_cast %add3A_187 : i32 to index
          %get3A_189 = arith.constant 16 : index
          %get3A_190 = tpu.vector_load %arg7[%get3A_188, %get3A_189] {strides = array<i32>} : memref<288x128xf32, #tpu.memory_space<vmem>>, vector<1x16xf32>,
          %get3A_191 = vector.shape_cast %get3A_190 : vector<1x16xf32> to vector<16xf32>
          %add3A_192 = arith.addf %add3A_183, %get3A_191 : vector<16xf32>
          %mul3A_193 = arith.constant 9 : i32
          %mul3A_194 = arith.muli %mul3A_193, %scan3A_69 : i32
          %add3A_195 = arith.constant 5 : i32
          %add3A_196 = arith.addi %mul3A_194, %add3A_195 : i32
          %get3A_197 = arith.index_cast %add3A_196 : i32 to index
          %get3A_198 = arith.constant 16 : index
          %get3A_199 = tpu.vector_load %arg7[%get3A_197, %get3A_198] {strides = array<i32>} : memref<288x128xf32, #tpu.memory_space<vmem>>, vector<1x16xf32>,
          %get3A_200 = vector.shape_cast %get3A_199 : vector<1x16xf32> to vector<16xf32>
          %add3A_201 = arith.addf %add3A_192, %get3A_200 : vector<16xf32>
          %mul3A_202 = arith.constant 9 : i32
          %mul3A_203 = arith.muli %mul3A_202, %scan3A_69 : i32
          %add3A_204 = arith.constant 6 : i32
          %add3A_205 = arith.addi %mul3A_203, %add3A_204 : i32
          %get3A_206 = arith.index_cast %add3A_205 : i32 to index
          %get3A_207 = arith.constant 16 : index
          %get3A_208 = tpu.vector_load %arg7[%get3A_206, %get3A_207] {strides = array<i32>} : memref<288x128xf32, #tpu.memory_space<vmem>>, vector<1x16xf32>,
          %get3A_209 = vector.shape_cast %get3A_208 : vector<1x16xf32> to vector<16xf32>
          %add3A_210 = arith.addf %add3A_201, %get3A_209 : vector<16xf32>
          %mul3A_211 = arith.constant 9 : i32
          %mul3A_212 = arith.muli %mul3A_211, %scan3A_69 : i32
          %add3A_213 = arith.constant 7 : i32
          %add3A_214 = arith.addi %mul3A_212, %add3A_213 : i32
          %get3A_215 = arith.index_cast %add3A_214 : i32 to index
          %get3A_216 = arith.constant 16 : index
          %get3A_217 = tpu.vector_load %arg7[%get3A_215, %get3A_216] {strides = array<i32>} : memref<288x128xf32, #tpu.memory_space<vmem>>, vector<1x16xf32>,
          %get3A_218 = vector.shape_cast %get3A_217 : vector<1x16xf32> to vector<16xf32>
          %add3A_219 = arith.addf %add3A_210, %get3A_218 : vector<16xf32>
          %mul3A_220 = arith.constant 9 : i32
          %mul3A_221 = arith.muli %mul3A_220, %scan3A_69 : i32
          %add3A_222 = arith.constant 8 : i32
          %add3A_223 = arith.addi %mul3A_221, %add3A_222 : i32
          %get3A_224 = arith.index_cast %add3A_223 : i32 to index
          %get3A_225 = arith.constant 16 : index
          %get3A_226 = tpu.vector_load %arg7[%get3A_224, %get3A_225] {strides = array<i32>} : memref<288x128xf32, #tpu.memory_space<vmem>>, vector<1x16xf32>,
          %get3A_227 = vector.shape_cast %get3A_226 : vector<1x16xf32> to vector<16xf32>
          %add3A_228 = arith.addf %add3A_219, %get3A_227 : vector<16xf32>
          %swap3A_229 = arith.index_cast %scan3A_69 : i32 to index
          %swap3A_230 = arith.constant 16 : index
          %swap3A_231 = tpu.vector_load %arg8[%swap3A_229, %swap3A_230] {strides = array<i32>} : memref<32x128xf32, #tpu.memory_space<vmem>>, vector<1x16xf32>,
          %swap3A_232 = vector.shape_cast %swap3A_231 : vector<1x16xf32> to vector<16xf32>
          %swap3A_233 = vector.shape_cast %add3A_228 : vector<16xf32> to vector<1x16xf32>
          tpu.vector_store %arg8[%swap3A_229, %swap3A_230], %swap3A_233 {strides = array<i32>} : memref<32x128xf32, #tpu.memory_space<vmem>>, vector<1x16xf32>,
          %mul3A_234 = arith.constant 9 : i32
          %mul3A_235 = arith.muli %mul3A_234, %scan3A_69 : i32
          %get3A_236 = arith.index_cast %mul3A_235 : i32 to index
          %get3A_237 = arith.constant 32 : index
          %get3A_238 = tpu.vector_load %arg7[%get3A_236, %get3A_237] {strides = array<i32>} : memref<288x128xf32, #tpu.memory_space<vmem>>, vector<1x16xf32>,
          %get3A_239 = vector.shape_cast %get3A_238 : vector<1x16xf32> to vector<16xf32>
          %mul3A_240 = arith.constant 9 : i32
          %mul3A_241 = arith.muli %mul3A_240, %scan3A_69 : i32
          %add3A_242 = arith.constant 1 : i32
          %add3A_243 = arith.addi %mul3A_241, %add3A_242 : i32
          %get3A_244 = arith.index_cast %add3A_243 : i32 to index
          %get3A_245 = arith.constant 32 : index
          %get3A_246 = tpu.vector_load %arg7[%get3A_244, %get3A_245] {strides = array<i32>} : memref<288x128xf32, #tpu.memory_space<vmem>>, vector<1x16xf32>,
          %get3A_247 = vector.shape_cast %get3A_246 : vector<1x16xf32> to vector<16xf32>
          %add3A_248 = arith.addf %get3A_239, %get3A_247 : vector<16xf32>
          %mul3A_249 = arith.constant 9 : i32
          %mul3A_250 = arith.muli %mul3A_249, %scan3A_69 : i32
          %add3A_251 = arith.constant 2 : i32
          %add3A_252 = arith.addi %mul3A_250, %add3A_251 : i32
          %get3A_253 = arith.index_cast %add3A_252 : i32 to index
          %get3A_254 = arith.constant 32 : index
          %get3A_255 = tpu.vector_load %arg7[%get3A_253, %get3A_254] {strides = array<i32>} : memref<288x128xf32, #tpu.memory_space<vmem>>, vector<1x16xf32>,
          %get3A_256 = vector.shape_cast %get3A_255 : vector<1x16xf32> to vector<16xf32>
          %add3A_257 = arith.addf %add3A_248, %get3A_256 : vector<16xf32>
          %mul3A_258 = arith.constant 9 : i32
          %mul3A_259 = arith.muli %mul3A_258, %scan3A_69 : i32
          %add3A_260 = arith.constant 3 : i32
          %add3A_261 = arith.addi %mul3A_259, %add3A_260 : i32
          %get3A_262 = arith.index_cast %add3A_261 : i32 to index
          %get3A_263 = arith.constant 32 : index
          %get3A_264 = tpu.vector_load %arg7[%get3A_262, %get3A_263] {strides = array<i32>} : memref<288x128xf32, #tpu.memory_space<vmem>>, vector<1x16xf32>,
          %get3A_265 = vector.shape_cast %get3A_264 : vector<1x16xf32> to vector<16xf32>
          %add3A_266 = arith.addf %add3A_257, %get3A_265 : vector<16xf32>
          %mul3A_267 = arith.constant 9 : i32
          %mul3A_268 = arith.muli %mul3A_267, %scan3A_69 : i32
          %add3A_269 = arith.constant 4 : i32
          %add3A_270 = arith.addi %mul3A_268, %add3A_269 : i32
          %get3A_271 = arith.index_cast %add3A_270 : i32 to index
          %get3A_272 = arith.constant 32 : index
          %get3A_273 = tpu.vector_load %arg7[%get3A_271, %get3A_272] {strides = array<i32>} : memref<288x128xf32, #tpu.memory_space<vmem>>, vector<1x16xf32>,
          %get3A_274 = vector.shape_cast %get3A_273 : vector<1x16xf32> to vector<16xf32>
          %add3A_275 = arith.addf %add3A_266, %get3A_274 : vector<16xf32>
          %mul3A_276 = arith.constant 9 : i32
          %mul3A_277 = arith.muli %mul3A_276, %scan3A_69 : i32
          %add3A_278 = arith.constant 5 : i32
          %add3A_279 = arith.addi %mul3A_277, %add3A_278 : i32
          %get3A_280 = arith.index_cast %add3A_279 : i32 to index
          %get3A_281 = arith.constant 32 : index
          %get3A_282 = tpu.vector_load %arg7[%get3A_280, %get3A_281] {strides = array<i32>} : memref<288x128xf32, #tpu.memory_space<vmem>>, vector<1x16xf32>,
          %get3A_283 = vector.shape_cast %get3A_282 : vector<1x16xf32> to vector<16xf32>
          %add3A_284 = arith.addf %add3A_275, %get3A_283 : vector<16xf32>
          %mul3A_285 = arith.constant 9 : i32
          %mul3A_286 = arith.muli %mul3A_285, %scan3A_69 : i32
          %add3A_287 = arith.constant 6 : i32
          %add3A_288 = arith.addi %mul3A_286, %add3A_287 : i32
          %get3A_289 = arith.index_cast %add3A_288 : i32 to index
          %get3A_290 = arith.constant 32 : index
          %get3A_291 = tpu.vector_load %arg7[%get3A_289, %get3A_290] {strides = array<i32>} : memref<288x128xf32, #tpu.memory_space<vmem>>, vector<1x16xf32>,
          %get3A_292 = vector.shape_cast %get3A_291 : vector<1x16xf32> to vector<16xf32>
          %add3A_293 = arith.addf %add3A_284, %get3A_292 : vector<16xf32>
          %mul3A_294 = arith.constant 9 : i32
          %mul3A_295 = arith.muli %mul3A_294, %scan3A_69 : i32
          %add3A_296 = arith.constant 7 : i32
          %add3A_297 = arith.addi %mul3A_295, %add3A_296 : i32
          %get3A_298 = arith.index_cast %add3A_297 : i32 to index
          %get3A_299 = arith.constant 32 : index
          %get3A_300 = tpu.vector_load %arg7[%get3A_298, %get3A_299] {strides = array<i32>} : memref<288x128xf32, #tpu.memory_space<vmem>>, vector<1x16xf32>,
          %get3A_301 = vector.shape_cast %get3A_300 : vector<1x16xf32> to vector<16xf32>
          %add3A_302 = arith.addf %add3A_293, %get3A_301 : vector<16xf32>
          %mul3A_303 = arith.constant 9 : i32
          %mul3A_304 = arith.muli %mul3A_303, %scan3A_69 : i32
          %add3A_305 = arith.constant 8 : i32
          %add3A_306 = arith.addi %mul3A_304, %add3A_305 : i32
          %get3A_307 = arith.index_cast %add3A_306 : i32 to index
          %get3A_308 = arith.constant 32 : index
          %get3A_309 = tpu.vector_load %arg7[%get3A_307, %get3A_308] {strides = array<i32>} : memref<288x128xf32, #tpu.memory_space<vmem>>, vector<1x16xf32>,
          %get3A_310 = vector.shape_cast %get3A_309 : vector<1x16xf32> to vector<16xf32>
          %add3A_311 = arith.addf %add3A_302, %get3A_310 : vector<16xf32>
          %swap3A_312 = arith.index_cast %scan3A_69 : i32 to index
          %swap3A_313 = arith.constant 32 : index
          %swap3A_314 = tpu.vector_load %arg8[%swap3A_312, %swap3A_313] {strides = array<i32>} : memref<32x128xf32, #tpu.memory_space<vmem>>, vector<1x16xf32>,
          %swap3A_315 = vector.shape_cast %swap3A_314 : vector<1x16xf32> to vector<16xf32>
          %swap3A_316 = vector.shape_cast %add3A_311 : vector<16xf32> to vector<1x16xf32>
          tpu.vector_store %arg8[%swap3A_312, %swap3A_313], %swap3A_316 {strides = array<i32>} : memref<32x128xf32, #tpu.memory_space<vmem>>, vector<1x16xf32>,
          %mul3A_317 = arith.constant 9 : i32
          %mul3A_318 = arith.muli %mul3A_317, %scan3A_69 : i32
          %get3A_319 = arith.index_cast %mul3A_318 : i32 to index
          %get3A_320 = arith.constant 48 : index
          %get3A_321 = tpu.vector_load %arg7[%get3A_319, %get3A_320] {strides = array<i32>} : memref<288x128xf32, #tpu.memory_space<vmem>>, vector<1x16xf32>,
          %get3A_322 = vector.shape_cast %get3A_321 : vector<1x16xf32> to vector<16xf32>
          %mul3A_323 = arith.constant 9 : i32
          %mul3A_324 = arith.muli %mul3A_323, %scan3A_69 : i32
          %add3A_325 = arith.constant 1 : i32
          %add3A_326 = arith.addi %mul3A_324, %add3A_325 : i32
          %get3A_327 = arith.index_cast %add3A_326 : i32 to index
          %get3A_328 = arith.constant 48 : index
          %get3A_329 = tpu.vector_load %arg7[%get3A_327, %get3A_328] {strides = array<i32>} : memref<288x128xf32, #tpu.memory_space<vmem>>, vector<1x16xf32>,
          %get3A_330 = vector.shape_cast %get3A_329 : vector<1x16xf32> to vector<16xf32>
          %add3A_331 = arith.addf %get3A_322, %get3A_330 : vector<16xf32>
          %mul3A_332 = arith.constant 9 : i32
          %mul3A_333 = arith.muli %mul3A_332, %scan3A_69 : i32
          %add3A_334 = arith.constant 2 : i32
          %add3A_335 = arith.addi %mul3A_333, %add3A_334 : i32
          %get3A_336 = arith.index_cast %add3A_335 : i32 to index
          %get3A_337 = arith.constant 48 : index
          %get3A_338 = tpu.vector_load %arg7[%get3A_336, %get3A_337] {strides = array<i32>} : memref<288x128xf32, #tpu.memory_space<vmem>>, vector<1x16xf32>,
          %get3A_339 = vector.shape_cast %get3A_338 : vector<1x16xf32> to vector<16xf32>
          %add3A_340 = arith.addf %add3A_331, %get3A_339 : vector<16xf32>
          %mul3A_341 = arith.constant 9 : i32
          %mul3A_342 = arith.muli %mul3A_341, %scan3A_69 : i32
          %add3A_343 = arith.constant 3 : i32
          %add3A_344 = arith.addi %mul3A_342, %add3A_343 : i32
          %get3A_345 = arith.index_cast %add3A_344 : i32 to index
          %get3A_346 = arith.constant 48 : index
          %get3A_347 = tpu.vector_load %arg7[%get3A_345, %get3A_346] {strides = array<i32>} : memref<288x128xf32, #tpu.memory_space<vmem>>, vector<1x16xf32>,
          %get3A_348 = vector.shape_cast %get3A_347 : vector<1x16xf32> to vector<16xf32>
          %add3A_349 = arith.addf %add3A_340, %get3A_348 : vector<16xf32>
          %mul3A_350 = arith.constant 9 : i32
          %mul3A_351 = arith.muli %mul3A_350, %scan3A_69 : i32
          %add3A_352 = arith.constant 4 : i32
          %add3A_353 = arith.addi %mul3A_351, %add3A_352 : i32
          %get3A_354 = arith.index_cast %add3A_353 : i32 to index
          %get3A_355 = arith.constant 48 : index
          %get3A_356 = tpu.vector_load %arg7[%get3A_354, %get3A_355] {strides = array<i32>} : memref<288x128xf32, #tpu.memory_space<vmem>>, vector<1x16xf32>,
          %get3A_357 = vector.shape_cast %get3A_356 : vector<1x16xf32> to vector<16xf32>
          %add3A_358 = arith.addf %add3A_349, %get3A_357 : vector<16xf32>
          %mul3A_359 = arith.constant 9 : i32
          %mul3A_360 = arith.muli %mul3A_359, %scan3A_69 : i32
          %add3A_361 = arith.constant 5 : i32
          %add3A_362 = arith.addi %mul3A_360, %add3A_361 : i32
          %get3A_363 = arith.index_cast %add3A_362 : i32 to index
          %get3A_364 = arith.constant 48 : index
          %get3A_365 = tpu.vector_load %arg7[%get3A_363, %get3A_364] {strides = array<i32>} : memref<288x128xf32, #tpu.memory_space<vmem>>, vector<1x16xf32>,
          %get3A_366 = vector.shape_cast %get3A_365 : vector<1x16xf32> to vector<16xf32>
          %add3A_367 = arith.addf %add3A_358, %get3A_366 : vector<16xf32>
          %mul3A_368 = arith.constant 9 : i32
          %mul3A_369 = arith.muli %mul3A_368, %scan3A_69 : i32
          %add3A_370 = arith.constant 6 : i32
          %add3A_371 = arith.addi %mul3A_369, %add3A_370 : i32
          %get3A_372 = arith.index_cast %add3A_371 : i32 to index
          %get3A_373 = arith.constant 48 : index
          %get3A_374 = tpu.vector_load %arg7[%get3A_372, %get3A_373] {strides = array<i32>} : memref<288x128xf32, #tpu.memory_space<vmem>>, vector<1x16xf32>,
          %get3A_375 = vector.shape_cast %get3A_374 : vector<1x16xf32> to vector<16xf32>
          %add3A_376 = arith.addf %add3A_367, %get3A_375 : vector<16xf32>
          %mul3A_377 = arith.constant 9 : i32
          %mul3A_378 = arith.muli %mul3A_377, %scan3A_69 : i32
          %add3A_379 = arith.constant 7 : i32
          %add3A_380 = arith.addi %mul3A_378, %add3A_379 : i32
          %get3A_381 = arith.index_cast %add3A_380 : i32 to index
          %get3A_382 = arith.constant 48 : index
          %get3A_383 = tpu.vector_load %arg7[%get3A_381, %get3A_382] {strides = array<i32>} : memref<288x128xf32, #tpu.memory_space<vmem>>, vector<1x16xf32>,
          %get3A_384 = vector.shape_cast %get3A_383 : vector<1x16xf32> to vector<16xf32>
          %add3A_385 = arith.addf %add3A_376, %get3A_384 : vector<16xf32>
          %mul3A_386 = arith.constant 9 : i32
          %mul3A_387 = arith.muli %mul3A_386, %scan3A_69 : i32
          %add3A_388 = arith.constant 8 : i32
          %add3A_389 = arith.addi %mul3A_387, %add3A_388 : i32
          %get3A_390 = arith.index_cast %add3A_389 : i32 to index
          %get3A_391 = arith.constant 48 : index
          %get3A_392 = tpu.vector_load %arg7[%get3A_390, %get3A_391] {strides = array<i32>} : memref<288x128xf32, #tpu.memory_space<vmem>>, vector<1x16xf32>,
          %get3A_393 = vector.shape_cast %get3A_392 : vector<1x16xf32> to vector<16xf32>
          %add3A_394 = arith.addf %add3A_385, %get3A_393 : vector<16xf32>
          %swap3A_395 = arith.index_cast %scan3A_69 : i32 to index
          %swap3A_396 = arith.constant 48 : index
          %swap3A_397 = tpu.vector_load %arg8[%swap3A_395, %swap3A_396] {strides = array<i32>} : memref<32x128xf32, #tpu.memory_space<vmem>>, vector<1x16xf32>,
          %swap3A_398 = vector.shape_cast %swap3A_397 : vector<1x16xf32> to vector<16xf32>
          %swap3A_399 = vector.shape_cast %add3A_394 : vector<16xf32> to vector<1x16xf32>
          tpu.vector_store %arg8[%swap3A_395, %swap3A_396], %swap3A_399 {strides = array<i32>} : memref<32x128xf32, #tpu.memory_space<vmem>>, vector<1x16xf32>,
          %mul3A_400 = arith.constant 9 : i32
          %mul3A_401 = arith.muli %mul3A_400, %scan3A_69 : i32
          %get3A_402 = arith.index_cast %mul3A_401 : i32 to index
          %get3A_403 = arith.constant 64 : index
          %get3A_404 = tpu.vector_load %arg7[%get3A_402, %get3A_403] {strides = array<i32>} : memref<288x128xf32, #tpu.memory_space<vmem>>, vector<1x16xf32>,
          %get3A_405 = vector.shape_cast %get3A_404 : vector<1x16xf32> to vector<16xf32>
          %mul3A_406 = arith.constant 9 : i32
          %mul3A_407 = arith.muli %mul3A_406, %scan3A_69 : i32
          %add3A_408 = arith.constant 1 : i32
          %add3A_409 = arith.addi %mul3A_407, %add3A_408 : i32
          %get3A_410 = arith.index_cast %add3A_409 : i32 to index
          %get3A_411 = arith.constant 64 : index
          %get3A_412 = tpu.vector_load %arg7[%get3A_410, %get3A_411] {strides = array<i32>} : memref<288x128xf32, #tpu.memory_space<vmem>>, vector<1x16xf32>,
          %get3A_413 = vector.shape_cast %get3A_412 : vector<1x16xf32> to vector<16xf32>
          %add3A_414 = arith.addf %get3A_405, %get3A_413 : vector<16xf32>
          %mul3A_415 = arith.constant 9 : i32
          %mul3A_416 = arith.muli %mul3A_415, %scan3A_69 : i32
          %add3A_417 = arith.constant 2 : i32
          %add3A_418 = arith.addi %mul3A_416, %add3A_417 : i32
          %get3A_419 = arith.index_cast %add3A_418 : i32 to index
          %get3A_420 = arith.constant 64 : index
          %get3A_421 = tpu.vector_load %arg7[%get3A_419, %get3A_420] {strides = array<i32>} : memref<288x128xf32, #tpu.memory_space<vmem>>, vector<1x16xf32>,
          %get3A_422 = vector.shape_cast %get3A_421 : vector<1x16xf32> to vector<16xf32>
          %add3A_423 = arith.addf %add3A_414, %get3A_422 : vector<16xf32>
          %mul3A_424 = arith.constant 9 : i32
          %mul3A_425 = arith.muli %mul3A_424, %scan3A_69 : i32
          %add3A_426 = arith.constant 3 : i32
          %add3A_427 = arith.addi %mul3A_425, %add3A_426 : i32
          %get3A_428 = arith.index_cast %add3A_427 : i32 to index
          %get3A_429 = arith.constant 64 : index
          %get3A_430 = tpu.vector_load %arg7[%get3A_428, %get3A_429] {strides = array<i32>} : memref<288x128xf32, #tpu.memory_space<vmem>>, vector<1x16xf32>,
          %get3A_431 = vector.shape_cast %get3A_430 : vector<1x16xf32> to vector<16xf32>
          %add3A_432 = arith.addf %add3A_423, %get3A_431 : vector<16xf32>
          %mul3A_433 = arith.constant 9 : i32
          %mul3A_434 = arith.muli %mul3A_433, %scan3A_69 : i32
          %add3A_435 = arith.constant 4 : i32
          %add3A_436 = arith.addi %mul3A_434, %add3A_435 : i32
          %get3A_437 = arith.index_cast %add3A_436 : i32 to index
          %get3A_438 = arith.constant 64 : index
          %get3A_439 = tpu.vector_load %arg7[%get3A_437, %get3A_438] {strides = array<i32>} : memref<288x128xf32, #tpu.memory_space<vmem>>, vector<1x16xf32>,
          %get3A_440 = vector.shape_cast %get3A_439 : vector<1x16xf32> to vector<16xf32>
          %add3A_441 = arith.addf %add3A_432, %get3A_440 : vector<16xf32>
          %mul3A_442 = arith.constant 9 : i32
          %mul3A_443 = arith.muli %mul3A_442, %scan3A_69 : i32
          %add3A_444 = arith.constant 5 : i32
          %add3A_445 = arith.addi %mul3A_443, %add3A_444 : i32
          %get3A_446 = arith.index_cast %add3A_445 : i32 to index
          %get3A_447 = arith.constant 64 : index
          %get3A_448 = tpu.vector_load %arg7[%get3A_446, %get3A_447] {strides = array<i32>} : memref<288x128xf32, #tpu.memory_space<vmem>>, vector<1x16xf32>,
          %get3A_449 = vector.shape_cast %get3A_448 : vector<1x16xf32> to vector<16xf32>
          %add3A_450 = arith.addf %add3A_441, %get3A_449 : vector<16xf32>
          %mul3A_451 = arith.constant 9 : i32
          %mul3A_452 = arith.muli %mul3A_451, %scan3A_69 : i32
          %add3A_453 = arith.constant 6 : i32
          %add3A_454 = arith.addi %mul3A_452, %add3A_453 : i32
          %get3A_455 = arith.index_cast %add3A_454 : i32 to index
          %get3A_456 = arith.constant 64 : index
          %get3A_457 = tpu.vector_load %arg7[%get3A_455, %get3A_456] {strides = array<i32>} : memref<288x128xf32, #tpu.memory_space<vmem>>, vector<1x16xf32>,
          %get3A_458 = vector.shape_cast %get3A_457 : vector<1x16xf32> to vector<16xf32>
          %add3A_459 = arith.addf %add3A_450, %get3A_458 : vector<16xf32>
          %mul3A_460 = arith.constant 9 : i32
          %mul3A_461 = arith.muli %mul3A_460, %scan3A_69 : i32
          %add3A_462 = arith.constant 7 : i32
          %add3A_463 = arith.addi %mul3A_461, %add3A_462 : i32
          %get3A_464 = arith.index_cast %add3A_463 : i32 to index
          %get3A_465 = arith.constant 64 : index
          %get3A_466 = tpu.vector_load %arg7[%get3A_464, %get3A_465] {strides = array<i32>} : memref<288x128xf32, #tpu.memory_space<vmem>>, vector<1x16xf32>,
          %get3A_467 = vector.shape_cast %get3A_466 : vector<1x16xf32> to vector<16xf32>
          %add3A_468 = arith.addf %add3A_459, %get3A_467 : vector<16xf32>
          %mul3A_469 = arith.constant 9 : i32
          %mul3A_470 = arith.muli %mul3A_469, %scan3A_69 : i32
          %add3A_471 = arith.constant 8 : i32
          %add3A_472 = arith.addi %mul3A_470, %add3A_471 : i32
          %get3A_473 = arith.index_cast %add3A_472 : i32 to index
          %get3A_474 = arith.constant 64 : index
          %get3A_475 = tpu.vector_load %arg7[%get3A_473, %get3A_474] {strides = array<i32>} : memref<288x128xf32, #tpu.memory_space<vmem>>, vector<1x16xf32>,
          %get3A_476 = vector.shape_cast %get3A_475 : vector<1x16xf32> to vector<16xf32>
          %add3A_477 = arith.addf %add3A_468, %get3A_476 : vector<16xf32>
          %swap3A_478 = arith.index_cast %scan3A_69 : i32 to index
          %swap3A_479 = arith.constant 64 : index
          %swap3A_480 = tpu.vector_load %arg8[%swap3A_478, %swap3A_479] {strides = array<i32>} : memref<32x128xf32, #tpu.memory_space<vmem>>, vector<1x16xf32>,
          %swap3A_481 = vector.shape_cast %swap3A_480 : vector<1x16xf32> to vector<16xf32>
          %swap3A_482 = vector.shape_cast %add3A_477 : vector<16xf32> to vector<1x16xf32>
          tpu.vector_store %arg8[%swap3A_478, %swap3A_479], %swap3A_482 {strides = array<i32>} : memref<32x128xf32, #tpu.memory_space<vmem>>, vector<1x16xf32>,
          %mul3A_483 = arith.constant 9 : i32
          %mul3A_484 = arith.muli %mul3A_483, %scan3A_69 : i32
          %get3A_485 = arith.index_cast %mul3A_484 : i32 to index
          %get3A_486 = arith.constant 80 : index
          %get3A_487 = tpu.vector_load %arg7[%get3A_485, %get3A_486] {strides = array<i32>} : memref<288x128xf32, #tpu.memory_space<vmem>>, vector<1x16xf32>,
          %get3A_488 = vector.shape_cast %get3A_487 : vector<1x16xf32> to vector<16xf32>
          %mul3A_489 = arith.constant 9 : i32
          %mul3A_490 = arith.muli %mul3A_489, %scan3A_69 : i32
          %add3A_491 = arith.constant 1 : i32
          %add3A_492 = arith.addi %mul3A_490, %add3A_491 : i32
          %get3A_493 = arith.index_cast %add3A_492 : i32 to index
          %get3A_494 = arith.constant 80 : index
          %get3A_495 = tpu.vector_load %arg7[%get3A_493, %get3A_494] {strides = array<i32>} : memref<288x128xf32, #tpu.memory_space<vmem>>, vector<1x16xf32>,
          %get3A_496 = vector.shape_cast %get3A_495 : vector<1x16xf32> to vector<16xf32>
          %add3A_497 = arith.addf %get3A_488, %get3A_496 : vector<16xf32>
          %mul3A_498 = arith.constant 9 : i32
          %mul3A_499 = arith.muli %mul3A_498, %scan3A_69 : i32
          %add3A_500 = arith.constant 2 : i32
          %add3A_501 = arith.addi %mul3A_499, %add3A_500 : i32
          %get3A_502 = arith.index_cast %add3A_501 : i32 to index
          %get3A_503 = arith.constant 80 : index
          %get3A_504 = tpu.vector_load %arg7[%get3A_502, %get3A_503] {strides = array<i32>} : memref<288x128xf32, #tpu.memory_space<vmem>>, vector<1x16xf32>,
          %get3A_505 = vector.shape_cast %get3A_504 : vector<1x16xf32> to vector<16xf32>
          %add3A_506 = arith.addf %add3A_497, %get3A_505 : vector<16xf32>
          %mul3A_507 = arith.constant 9 : i32
          %mul3A_508 = arith.muli %mul3A_507, %scan3A_69 : i32
          %add3A_509 = arith.constant 3 : i32
          %add3A_510 = arith.addi %mul3A_508, %add3A_509 : i32
          %get3A_511 = arith.index_cast %add3A_510 : i32 to index
          %get3A_512 = arith.constant 80 : index
          %get3A_513 = tpu.vector_load %arg7[%get3A_511, %get3A_512] {strides = array<i32>} : memref<288x128xf32, #tpu.memory_space<vmem>>, vector<1x16xf32>,
          %get3A_514 = vector.shape_cast %get3A_513 : vector<1x16xf32> to vector<16xf32>
          %add3A_515 = arith.addf %add3A_506, %get3A_514 : vector<16xf32>
          %mul3A_516 = arith.constant 9 : i32
          %mul3A_517 = arith.muli %mul3A_516, %scan3A_69 : i32
          %add3A_518 = arith.constant 4 : i32
          %add3A_519 = arith.addi %mul3A_517, %add3A_518 : i32
          %get3A_520 = arith.index_cast %add3A_519 : i32 to index
          %get3A_521 = arith.constant 80 : index
          %get3A_522 = tpu.vector_load %arg7[%get3A_520, %get3A_521] {strides = array<i32>} : memref<288x128xf32, #tpu.memory_space<vmem>>, vector<1x16xf32>,
          %get3A_523 = vector.shape_cast %get3A_522 : vector<1x16xf32> to vector<16xf32>
          %add3A_524 = arith.addf %add3A_515, %get3A_523 : vector<16xf32>
          %mul3A_525 = arith.constant 9 : i32
          %mul3A_526 = arith.muli %mul3A_525, %scan3A_69 : i32
          %add3A_527 = arith.constant 5 : i32
          %add3A_528 = arith.addi %mul3A_526, %add3A_527 : i32
          %get3A_529 = arith.index_cast %add3A_528 : i32 to index
          %get3A_530 = arith.constant 80 : index
          %get3A_531 = tpu.vector_load %arg7[%get3A_529, %get3A_530] {strides = array<i32>} : memref<288x128xf32, #tpu.memory_space<vmem>>, vector<1x16xf32>,
          %get3A_532 = vector.shape_cast %get3A_531 : vector<1x16xf32> to vector<16xf32>
          %add3A_533 = arith.addf %add3A_524, %get3A_532 : vector<16xf32>
          %mul3A_534 = arith.constant 9 : i32
          %mul3A_535 = arith.muli %mul3A_534, %scan3A_69 : i32
          %add3A_536 = arith.constant 6 : i32
          %add3A_537 = arith.addi %mul3A_535, %add3A_536 : i32
          %get3A_538 = arith.index_cast %add3A_537 : i32 to index
          %get3A_539 = arith.constant 80 : index
          %get3A_540 = tpu.vector_load %arg7[%get3A_538, %get3A_539] {strides = array<i32>} : memref<288x128xf32, #tpu.memory_space<vmem>>, vector<1x16xf32>,
          %get3A_541 = vector.shape_cast %get3A_540 : vector<1x16xf32> to vector<16xf32>
          %add3A_542 = arith.addf %add3A_533, %get3A_541 : vector<16xf32>
          %mul3A_543 = arith.constant 9 : i32
          %mul3A_544 = arith.muli %mul3A_543, %scan3A_69 : i32
          %add3A_545 = arith.constant 7 : i32
          %add3A_546 = arith.addi %mul3A_544, %add3A_545 : i32
          %get3A_547 = arith.index_cast %add3A_546 : i32 to index
          %get3A_548 = arith.constant 80 : index
          %get3A_549 = tpu.vector_load %arg7[%get3A_547, %get3A_548] {strides = array<i32>} : memref<288x128xf32, #tpu.memory_space<vmem>>, vector<1x16xf32>,
          %get3A_550 = vector.shape_cast %get3A_549 : vector<1x16xf32> to vector<16xf32>
          %add3A_551 = arith.addf %add3A_542, %get3A_550 : vector<16xf32>
          %mul3A_552 = arith.constant 9 : i32
          %mul3A_553 = arith.muli %mul3A_552, %scan3A_69 : i32
          %add3A_554 = arith.constant 8 : i32
          %add3A_555 = arith.addi %mul3A_553, %add3A_554 : i32
          %get3A_556 = arith.index_cast %add3A_555 : i32 to index
          %get3A_557 = arith.constant 80 : index
          %get3A_558 = tpu.vector_load %arg7[%get3A_556, %get3A_557] {strides = array<i32>} : memref<288x128xf32, #tpu.memory_space<vmem>>, vector<1x16xf32>,
          %get3A_559 = vector.shape_cast %get3A_558 : vector<1x16xf32> to vector<16xf32>
          %add3A_560 = arith.addf %add3A_551, %get3A_559 : vector<16xf32>
          %swap3A_561 = arith.index_cast %scan3A_69 : i32 to index
          %swap3A_562 = arith.constant 80 : index
          %swap3A_563 = tpu.vector_load %arg8[%swap3A_561, %swap3A_562] {strides = array<i32>} : memref<32x128xf32, #tpu.memory_space<vmem>>, vector<1x16xf32>,
          %swap3A_564 = vector.shape_cast %swap3A_563 : vector<1x16xf32> to vector<16xf32>
          %swap3A_565 = vector.shape_cast %add3A_560 : vector<16xf32> to vector<1x16xf32>
          tpu.vector_store %arg8[%swap3A_561, %swap3A_562], %swap3A_565 {strides = array<i32>} : memref<32x128xf32, #tpu.memory_space<vmem>>, vector<1x16xf32>,
          %mul3A_566 = arith.constant 9 : i32
          %mul3A_567 = arith.muli %mul3A_566, %scan3A_69 : i32
          %get3A_568 = arith.index_cast %mul3A_567 : i32 to index
          %get3A_569 = arith.constant 96 : index
          %get3A_570 = tpu.vector_load %arg7[%get3A_568, %get3A_569] {strides = array<i32>} : memref<288x128xf32, #tpu.memory_space<vmem>>, vector<1x16xf32>,
          %get3A_571 = vector.shape_cast %get3A_570 : vector<1x16xf32> to vector<16xf32>
          %mul3A_572 = arith.constant 9 : i32
          %mul3A_573 = arith.muli %mul3A_572, %scan3A_69 : i32
          %add3A_574 = arith.constant 1 : i32
          %add3A_575 = arith.addi %mul3A_573, %add3A_574 : i32
          %get3A_576 = arith.index_cast %add3A_575 : i32 to index
          %get3A_577 = arith.constant 96 : index
          %get3A_578 = tpu.vector_load %arg7[%get3A_576, %get3A_577] {strides = array<i32>} : memref<288x128xf32, #tpu.memory_space<vmem>>, vector<1x16xf32>,
          %get3A_579 = vector.shape_cast %get3A_578 : vector<1x16xf32> to vector<16xf32>
          %add3A_580 = arith.addf %get3A_571, %get3A_579 : vector<16xf32>
          %mul3A_581 = arith.constant 9 : i32
          %mul3A_582 = arith.muli %mul3A_581, %scan3A_69 : i32
          %add3A_583 = arith.constant 2 : i32
          %add3A_584 = arith.addi %mul3A_582, %add3A_583 : i32
          %get3A_585 = arith.index_cast %add3A_584 : i32 to index
          %get3A_586 = arith.constant 96 : index
          %get3A_587 = tpu.vector_load %arg7[%get3A_585, %get3A_586] {strides = array<i32>} : memref<288x128xf32, #tpu.memory_space<vmem>>, vector<1x16xf32>,
          %get3A_588 = vector.shape_cast %get3A_587 : vector<1x16xf32> to vector<16xf32>
          %add3A_589 = arith.addf %add3A_580, %get3A_588 : vector<16xf32>
          %mul3A_590 = arith.constant 9 : i32
          %mul3A_591 = arith.muli %mul3A_590, %scan3A_69 : i32
          %add3A_592 = arith.constant 3 : i32
          %add3A_593 = arith.addi %mul3A_591, %add3A_592 : i32
          %get3A_594 = arith.index_cast %add3A_593 : i32 to index
          %get3A_595 = arith.constant 96 : index
          %get3A_596 = tpu.vector_load %arg7[%get3A_594, %get3A_595] {strides = array<i32>} : memref<288x128xf32, #tpu.memory_space<vmem>>, vector<1x16xf32>,
          %get3A_597 = vector.shape_cast %get3A_596 : vector<1x16xf32> to vector<16xf32>
          %add3A_598 = arith.addf %add3A_589, %get3A_597 : vector<16xf32>
          %mul3A_599 = arith.constant 9 : i32
          %mul3A_600 = arith.muli %mul3A_599, %scan3A_69 : i32
          %add3A_601 = arith.constant 4 : i32
          %add3A_602 = arith.addi %mul3A_600, %add3A_601 : i32
          %get3A_603 = arith.index_cast %add3A_602 : i32 to index
          %get3A_604 = arith.constant 96 : index
          %get3A_605 = tpu.vector_load %arg7[%get3A_603, %get3A_604] {strides = array<i32>} : memref<288x128xf32, #tpu.memory_space<vmem>>, vector<1x16xf32>,
          %get3A_606 = vector.shape_cast %get3A_605 : vector<1x16xf32> to vector<16xf32>
          %add3A_607 = arith.addf %add3A_598, %get3A_606 : vector<16xf32>
          %mul3A_608 = arith.constant 9 : i32
          %mul3A_609 = arith.muli %mul3A_608, %scan3A_69 : i32
          %add3A_610 = arith.constant 5 : i32
          %add3A_611 = arith.addi %mul3A_609, %add3A_610 : i32
          %get3A_612 = arith.index_cast %add3A_611 : i32 to index
          %get3A_613 = arith.constant 96 : index
          %get3A_614 = tpu.vector_load %arg7[%get3A_612, %get3A_613] {strides = array<i32>} : memref<288x128xf32, #tpu.memory_space<vmem>>, vector<1x16xf32>,
          %get3A_615 = vector.shape_cast %get3A_614 : vector<1x16xf32> to vector<16xf32>
          %add3A_616 = arith.addf %add3A_607, %get3A_615 : vector<16xf32>
          %mul3A_617 = arith.constant 9 : i32
          %mul3A_618 = arith.muli %mul3A_617, %scan3A_69 : i32
          %add3A_619 = arith.constant 6 : i32
          %add3A_620 = arith.addi %mul3A_618, %add3A_619 : i32
          %get3A_621 = arith.index_cast %add3A_620 : i32 to index
          %get3A_622 = arith.constant 96 : index
          %get3A_623 = tpu.vector_load %arg7[%get3A_621, %get3A_622] {strides = array<i32>} : memref<288x128xf32, #tpu.memory_space<vmem>>, vector<1x16xf32>,
          %get3A_624 = vector.shape_cast %get3A_623 : vector<1x16xf32> to vector<16xf32>
          %add3A_625 = arith.addf %add3A_616, %get3A_624 : vector<16xf32>
          %mul3A_626 = arith.constant 9 : i32
          %mul3A_627 = arith.muli %mul3A_626, %scan3A_69 : i32
          %add3A_628 = arith.constant 7 : i32
          %add3A_629 = arith.addi %mul3A_627, %add3A_628 : i32
          %get3A_630 = arith.index_cast %add3A_629 : i32 to index
          %get3A_631 = arith.constant 96 : index
          %get3A_632 = tpu.vector_load %arg7[%get3A_630, %get3A_631] {strides = array<i32>} : memref<288x128xf32, #tpu.memory_space<vmem>>, vector<1x16xf32>,
          %get3A_633 = vector.shape_cast %get3A_632 : vector<1x16xf32> to vector<16xf32>
          %add3A_634 = arith.addf %add3A_625, %get3A_633 : vector<16xf32>
          %mul3A_635 = arith.constant 9 : i32
          %mul3A_636 = arith.muli %mul3A_635, %scan3A_69 : i32
          %add3A_637 = arith.constant 8 : i32
          %add3A_638 = arith.addi %mul3A_636, %add3A_637 : i32
          %get3A_639 = arith.index_cast %add3A_638 : i32 to index
          %get3A_640 = arith.constant 96 : index
          %get3A_641 = tpu.vector_load %arg7[%get3A_639, %get3A_640] {strides = array<i32>} : memref<288x128xf32, #tpu.memory_space<vmem>>, vector<1x16xf32>,
          %get3A_642 = vector.shape_cast %get3A_641 : vector<1x16xf32> to vector<16xf32>
          %add3A_643 = arith.addf %add3A_634, %get3A_642 : vector<16xf32>
          %swap3A_644 = arith.index_cast %scan3A_69 : i32 to index
          %swap3A_645 = arith.constant 96 : index
          %swap3A_646 = tpu.vector_load %arg8[%swap3A_644, %swap3A_645] {strides = array<i32>} : memref<32x128xf32, #tpu.memory_space<vmem>>, vector<1x16xf32>,
          %swap3A_647 = vector.shape_cast %swap3A_646 : vector<1x16xf32> to vector<16xf32>
          %swap3A_648 = vector.shape_cast %add3A_643 : vector<16xf32> to vector<1x16xf32>
          tpu.vector_store %arg8[%swap3A_644, %swap3A_645], %swap3A_648 {strides = array<i32>} : memref<32x128xf32, #tpu.memory_space<vmem>>, vector<1x16xf32>,
          %mul3A_649 = arith.constant 9 : i32
          %mul3A_650 = arith.muli %mul3A_649, %scan3A_69 : i32
          %get3A_651 = arith.index_cast %mul3A_650 : i32 to index
          %get3A_652 = arith.constant 112 : index
          %get3A_653 = tpu.vector_load %arg7[%get3A_651, %get3A_652] {strides = array<i32>} : memref<288x128xf32, #tpu.memory_space<vmem>>, vector<1x16xf32>,
          %get3A_654 = vector.shape_cast %get3A_653 : vector<1x16xf32> to vector<16xf32>
          %mul3A_655 = arith.constant 9 : i32
          %mul3A_656 = arith.muli %mul3A_655, %scan3A_69 : i32
          %add3A_657 = arith.constant 1 : i32
          %add3A_658 = arith.addi %mul3A_656, %add3A_657 : i32
          %get3A_659 = arith.index_cast %add3A_658 : i32 to index
          %get3A_660 = arith.constant 112 : index
          %get3A_661 = tpu.vector_load %arg7[%get3A_659, %get3A_660] {strides = array<i32>} : memref<288x128xf32, #tpu.memory_space<vmem>>, vector<1x16xf32>,
          %get3A_662 = vector.shape_cast %get3A_661 : vector<1x16xf32> to vector<16xf32>
          %add3A_663 = arith.addf %get3A_654, %get3A_662 : vector<16xf32>
          %mul3A_664 = arith.constant 9 : i32
          %mul3A_665 = arith.muli %mul3A_664, %scan3A_69 : i32
          %add3A_666 = arith.constant 2 : i32
          %add3A_667 = arith.addi %mul3A_665, %add3A_666 : i32
          %get3A_668 = arith.index_cast %add3A_667 : i32 to index
          %get3A_669 = arith.constant 112 : index
          %get3A_670 = tpu.vector_load %arg7[%get3A_668, %get3A_669] {strides = array<i32>} : memref<288x128xf32, #tpu.memory_space<vmem>>, vector<1x16xf32>,
          %get3A_671 = vector.shape_cast %get3A_670 : vector<1x16xf32> to vector<16xf32>
          %add3A_672 = arith.addf %add3A_663, %get3A_671 : vector<16xf32>
          %mul3A_673 = arith.constant 9 : i32
          %mul3A_674 = arith.muli %mul3A_673, %scan3A_69 : i32
          %add3A_675 = arith.constant 3 : i32
          %add3A_676 = arith.addi %mul3A_674, %add3A_675 : i32
          %get3A_677 = arith.index_cast %add3A_676 : i32 to index
          %get3A_678 = arith.constant 112 : index
          %get3A_679 = tpu.vector_load %arg7[%get3A_677, %get3A_678] {strides = array<i32>} : memref<288x128xf32, #tpu.memory_space<vmem>>, vector<1x16xf32>,
          %get3A_680 = vector.shape_cast %get3A_679 : vector<1x16xf32> to vector<16xf32>
          %add3A_681 = arith.addf %add3A_672, %get3A_680 : vector<16xf32>
          %mul3A_682 = arith.constant 9 : i32
          %mul3A_683 = arith.muli %mul3A_682, %scan3A_69 : i32
          %add3A_684 = arith.constant 4 : i32
          %add3A_685 = arith.addi %mul3A_683, %add3A_684 : i32
          %get3A_686 = arith.index_cast %add3A_685 : i32 to index
          %get3A_687 = arith.constant 112 : index
          %get3A_688 = tpu.vector_load %arg7[%get3A_686, %get3A_687] {strides = array<i32>} : memref<288x128xf32, #tpu.memory_space<vmem>>, vector<1x16xf32>,
          %get3A_689 = vector.shape_cast %get3A_688 : vector<1x16xf32> to vector<16xf32>
          %add3A_690 = arith.addf %add3A_681, %get3A_689 : vector<16xf32>
          %mul3A_691 = arith.constant 9 : i32
          %mul3A_692 = arith.muli %mul3A_691, %scan3A_69 : i32
          %add3A_693 = arith.constant 5 : i32
          %add3A_694 = arith.addi %mul3A_692, %add3A_693 : i32
          %get3A_695 = arith.index_cast %add3A_694 : i32 to index
          %get3A_696 = arith.constant 112 : index
          %get3A_697 = tpu.vector_load %arg7[%get3A_695, %get3A_696] {strides = array<i32>} : memref<288x128xf32, #tpu.memory_space<vmem>>, vector<1x16xf32>,
          %get3A_698 = vector.shape_cast %get3A_697 : vector<1x16xf32> to vector<16xf32>
          %add3A_699 = arith.addf %add3A_690, %get3A_698 : vector<16xf32>
          %mul3A_700 = arith.constant 9 : i32
          %mul3A_701 = arith.muli %mul3A_700, %scan3A_69 : i32
          %add3A_702 = arith.constant 6 : i32
          %add3A_703 = arith.addi %mul3A_701, %add3A_702 : i32
          %get3A_704 = arith.index_cast %add3A_703 : i32 to index
          %get3A_705 = arith.constant 112 : index
          %get3A_706 = tpu.vector_load %arg7[%get3A_704, %get3A_705] {strides = array<i32>} : memref<288x128xf32, #tpu.memory_space<vmem>>, vector<1x16xf32>,
          %get3A_707 = vector.shape_cast %get3A_706 : vector<1x16xf32> to vector<16xf32>
          %add3A_708 = arith.addf %add3A_699, %get3A_707 : vector<16xf32>
          %mul3A_709 = arith.constant 9 : i32
          %mul3A_710 = arith.muli %mul3A_709, %scan3A_69 : i32
          %add3A_711 = arith.constant 7 : i32
          %add3A_712 = arith.addi %mul3A_710, %add3A_711 : i32
          %get3A_713 = arith.index_cast %add3A_712 : i32 to index
          %get3A_714 = arith.constant 112 : index
          %get3A_715 = tpu.vector_load %arg7[%get3A_713, %get3A_714] {strides = array<i32>} : memref<288x128xf32, #tpu.memory_space<vmem>>, vector<1x16xf32>,
          %get3A_716 = vector.shape_cast %get3A_715 : vector<1x16xf32> to vector<16xf32>
          %add3A_717 = arith.addf %add3A_708, %get3A_716 : vector<16xf32>
          %mul3A_718 = arith.constant 9 : i32
          %mul3A_719 = arith.muli %mul3A_718, %scan3A_69 : i32
          %add3A_720 = arith.constant 8 : i32
          %add3A_721 = arith.addi %mul3A_719, %add3A_720 : i32
          %get3A_722 = arith.index_cast %add3A_721 : i32 to index
          %get3A_723 = arith.constant 112 : index
          %get3A_724 = tpu.vector_load %arg7[%get3A_722, %get3A_723] {strides = array<i32>} : memref<288x128xf32, #tpu.memory_space<vmem>>, vector<1x16xf32>,
          %get3A_725 = vector.shape_cast %get3A_724 : vector<1x16xf32> to vector<16xf32>
          %add3A_726 = arith.addf %add3A_717, %get3A_725 : vector<16xf32>
          %swap3A_727 = arith.index_cast %scan3A_69 : i32 to index
          %swap3A_728 = arith.constant 112 : index
          %swap3A_729 = tpu.vector_load %arg8[%swap3A_727, %swap3A_728] {strides = array<i32>} : memref<32x128xf32, #tpu.memory_space<vmem>>, vector<1x16xf32>,
          %swap3A_730 = vector.shape_cast %swap3A_729 : vector<1x16xf32> to vector<16xf32>
          %swap3A_731 = vector.shape_cast %add3A_726 : vector<16xf32> to vector<1x16xf32>
          tpu.vector_store %arg8[%swap3A_727, %swap3A_728], %swap3A_731 {strides = array<i32>} : memref<32x128xf32, #tpu.memory_space<vmem>>, vector<1x16xf32>,
        }
        %scan3A_65 = arith.constant 32 : i32
        %mul3A_66 = arith.constant 32 : i32
        %mul3A_67 = arith.muli %mul3A_66, %while3A_20 : i32
        %add3A_68 = arith.addi %mul3A_2, %mul3A_67 : i32
        "tpu.region"() ({
          %run_scoped3A = tpu.sem_alloc : memref<!tpu.dma_semaphore, #tpu.memory_space<semaphore_mem>>
          %dma_start3A_69 = arith.constant 0 : i32
          %dma_start3A_70 = tpu.memref_slice %arg4[%add3A_68, %dma_start3A_69] : memref<100000x128xf32, #tpu.memory_space<hbm>> -> memref<32x128xf32, #tpu.memory_space<hbm>>
          %dma_start3A_71 = arith.constant 0 : i32
          %dma_start3A_72 = tpu.memref_slice %arg4[%add3A_68, %dma_start3A_71] : memref<100000x128xf32, #tpu.memory_space<hbm>> -> memref<32x128xf32, #tpu.memory_space<hbm>>
          tpu.enqueue_dma source(%arg8 : memref<32x128xf32, #tpu.memory_space<vmem>>) target(%dma_start3A_72 : memref<32x128xf32, #tpu.memory_space<hbm>>) target_semaphore(%run_scoped3A : memref<!tpu.dma_semaphore, #tpu.memory_space<semaphore_mem>>)
          %dma_wait3A_73 = arith.constant 0 : i32
          %dma_wait3A_74 = tpu.memref_slice %arg4[%add3A_68, %dma_wait3A_73] : memref<100000x128xf32, #tpu.memory_space<hbm>> -> memref<32x128xf32, #tpu.memory_space<hbm>>
          %dma_wait3A_75 = arith.constant 0 : i32
          %dma_wait3A_76 = tpu.memref_slice %arg4[%add3A_68, %dma_wait3A_75] : memref<100000x128xf32, #tpu.memory_space<hbm>> -> memref<32x128xf32, #tpu.memory_space<hbm>>
          tpu.wait_dma2 semaphore(%run_scoped3A : memref<!tpu.dma_semaphore, #tpu.memory_space<semaphore_mem>>) src(%arg8 : memref<32x128xf32, #tpu.memory_space<vmem>>) dst(%dma_wait3A_76 : memref<32x128xf32, #tpu.memory_space<hbm>>)
          tpu.yield
        }) : () -> ()
      } else {
      }
    }
    return
  }
}

module attributes {stable_mosaic.version = 14 : i64} {
  func.func @_idx_body(%arg0: i32, %arg1: memref<5000x174xf32, #tpu.memory_space<vmem>>, %arg2: memref<256x128xbf16, #tpu.memory_space<vmem>>, %arg3: memref<5000x9xi32, #tpu.memory_space<vmem>>) attributes {dimension_semantics = [#tpu.dimension_semantics<arbitrary>], iteration_bounds = array<i64: 20>, scalar_prefetch = 0 : i64, scratch_operands = 0 : i64, tpu.core_type = #tpu.core_type<tc>, window_params = [{transform_indices = @transform_0, window_bounds = array<i64: 5000, 174>}, {pipeline_mode = #tpu.pipeline_mode<synchronous>, transform_indices = @transform_1, window_bounds = array<i64: 256, 128>}, {transform_indices = @transform_2, window_bounds = array<i64: 5000, 9>}]} {
    %get3A = arith.constant 0 : index
    %get3A_0 = arith.constant 0 : index
    %get3A_1 = vector.load %arg1[%get3A, %get3A_0] : memref<5000x174xf32, #tpu.memory_space<vmem>>, vector<5000x174xf32>
    %slice3A = vector.extract_strided_slice %get3A_1 {offsets = [0, 0], sizes = [5000, 119], strides = [1, 1]} : vector<5000x174xf32> to vector<5000x119xf32>
    %reduce_max3A = arith.constant dense<0xFF800000> : vector<5000xf32>
    %reduce_max3A_2 = vector.multi_reduction <maximumf>, %slice3A, %reduce_max3A [1] : vector<5000x119xf32> to vector<5000xf32>
    %broadcast_in_dim3A = vector.shape_cast %reduce_max3A_2 : vector<5000xf32> to vector<5000x1xf32>
    %broadcast_in_dim3A_3 = vector.shape_cast %broadcast_in_dim3A : vector<5000x1xf32> to vector<5000x1xf32>
    %broadcast_in_dim3A_4 = vector.broadcast %broadcast_in_dim3A_3 : vector<5000x1xf32> to vector<5000x119xf32>
    %slice3A_5 = vector.extract_strided_slice %get3A_1 {offsets = [0, 119], sizes = [5000, 5], strides = [1, 1]} : vector<5000x174xf32> to vector<5000x5xf32>
    %reduce_max3A_6 = arith.constant dense<0xFF800000> : vector<5000xf32>
    %reduce_max3A_7 = vector.multi_reduction <maximumf>, %slice3A_5, %reduce_max3A_6 [1] : vector<5000x5xf32> to vector<5000xf32>
    %broadcast_in_dim3A_8 = vector.shape_cast %reduce_max3A_7 : vector<5000xf32> to vector<5000x1xf32>
    %broadcast_in_dim3A_9 = vector.shape_cast %broadcast_in_dim3A_8 : vector<5000x1xf32> to vector<5000x1xf32>
    %broadcast_in_dim3A_10 = vector.broadcast %broadcast_in_dim3A_9 : vector<5000x1xf32> to vector<5000x5xf32>
    %slice3A_11 = vector.extract_strided_slice %get3A_1 {offsets = [0, 124], sizes = [5000, 12], strides = [1, 1]} : vector<5000x174xf32> to vector<5000x12xf32>
    %reduce_max3A_12 = arith.constant dense<0xFF800000> : vector<5000xf32>
    %reduce_max3A_13 = vector.multi_reduction <maximumf>, %slice3A_11, %reduce_max3A_12 [1] : vector<5000x12xf32> to vector<5000xf32>
    %broadcast_in_dim3A_14 = vector.shape_cast %reduce_max3A_13 : vector<5000xf32> to vector<5000x1xf32>
    %broadcast_in_dim3A_15 = vector.shape_cast %broadcast_in_dim3A_14 : vector<5000x1xf32> to vector<5000x1xf32>
    %broadcast_in_dim3A_16 = vector.broadcast %broadcast_in_dim3A_15 : vector<5000x1xf32> to vector<5000x12xf32>
    %slice3A_17 = vector.extract_strided_slice %get3A_1 {offsets = [0, 136], sizes = [5000, 12], strides = [1, 1]} : vector<5000x174xf32> to vector<5000x12xf32>
    %reduce_max3A_18 = arith.constant dense<0xFF800000> : vector<5000xf32>
    %reduce_max3A_19 = vector.multi_reduction <maximumf>, %slice3A_17, %reduce_max3A_18 [1] : vector<5000x12xf32> to vector<5000xf32>
    %broadcast_in_dim3A_20 = vector.shape_cast %reduce_max3A_19 : vector<5000xf32> to vector<5000x1xf32>
    %broadcast_in_dim3A_21 = vector.shape_cast %broadcast_in_dim3A_20 : vector<5000x1xf32> to vector<5000x1xf32>
    %broadcast_in_dim3A_22 = vector.broadcast %broadcast_in_dim3A_21 : vector<5000x1xf32> to vector<5000x12xf32>
    %slice3A_23 = vector.extract_strided_slice %get3A_1 {offsets = [0, 148], sizes = [5000, 10], strides = [1, 1]} : vector<5000x174xf32> to vector<5000x10xf32>
    %reduce_max3A_24 = arith.constant dense<0xFF800000> : vector<5000xf32>
    %reduce_max3A_25 = vector.multi_reduction <maximumf>, %slice3A_23, %reduce_max3A_24 [1] : vector<5000x10xf32> to vector<5000xf32>
    %broadcast_in_dim3A_26 = vector.shape_cast %reduce_max3A_25 : vector<5000xf32> to vector<5000x1xf32>
    %broadcast_in_dim3A_27 = vector.shape_cast %broadcast_in_dim3A_26 : vector<5000x1xf32> to vector<5000x1xf32>
    %broadcast_in_dim3A_28 = vector.broadcast %broadcast_in_dim3A_27 : vector<5000x1xf32> to vector<5000x10xf32>
    %slice3A_29 = vector.extract_strided_slice %get3A_1 {offsets = [0, 158], sizes = [5000, 6], strides = [1, 1]} : vector<5000x174xf32> to vector<5000x6xf32>
    %reduce_max3A_30 = arith.constant dense<0xFF800000> : vector<5000xf32>
    %reduce_max3A_31 = vector.multi_reduction <maximumf>, %slice3A_29, %reduce_max3A_30 [1] : vector<5000x6xf32> to vector<5000xf32>
    %broadcast_in_dim3A_32 = vector.shape_cast %reduce_max3A_31 : vector<5000xf32> to vector<5000x1xf32>
    %broadcast_in_dim3A_33 = vector.shape_cast %broadcast_in_dim3A_32 : vector<5000x1xf32> to vector<5000x1xf32>
    %broadcast_in_dim3A_34 = vector.broadcast %broadcast_in_dim3A_33 : vector<5000x1xf32> to vector<5000x6xf32>
    %slice3A_35 = vector.extract_strided_slice %get3A_1 {offsets = [0, 164], sizes = [5000, 6], strides = [1, 1]} : vector<5000x174xf32> to vector<5000x6xf32>
    %reduce_max3A_36 = arith.constant dense<0xFF800000> : vector<5000xf32>
    %reduce_max3A_37 = vector.multi_reduction <maximumf>, %slice3A_35, %reduce_max3A_36 [1] : vector<5000x6xf32> to vector<5000xf32>
    %broadcast_in_dim3A_38 = vector.shape_cast %reduce_max3A_37 : vector<5000xf32> to vector<5000x1xf32>
    %broadcast_in_dim3A_39 = vector.shape_cast %broadcast_in_dim3A_38 : vector<5000x1xf32> to vector<5000x1xf32>
    %broadcast_in_dim3A_40 = vector.broadcast %broadcast_in_dim3A_39 : vector<5000x1xf32> to vector<5000x6xf32>
    %slice3A_41 = vector.extract_strided_slice %get3A_1 {offsets = [0, 170], sizes = [5000, 2], strides = [1, 1]} : vector<5000x174xf32> to vector<5000x2xf32>
    %reduce_max3A_42 = arith.constant dense<0xFF800000> : vector<5000xf32>
    %reduce_max3A_43 = vector.multi_reduction <maximumf>, %slice3A_41, %reduce_max3A_42 [1] : vector<5000x2xf32> to vector<5000xf32>
    %broadcast_in_dim3A_44 = vector.shape_cast %reduce_max3A_43 : vector<5000xf32> to vector<5000x1xf32>
    %broadcast_in_dim3A_45 = vector.shape_cast %broadcast_in_dim3A_44 : vector<5000x1xf32> to vector<5000x1xf32>
    %broadcast_in_dim3A_46 = vector.broadcast %broadcast_in_dim3A_45 : vector<5000x1xf32> to vector<5000x2xf32>
    %slice3A_47 = vector.extract_strided_slice %get3A_1 {offsets = [0, 172], sizes = [5000, 2], strides = [1, 1]} : vector<5000x174xf32> to vector<5000x2xf32>
    %reduce_max3A_48 = arith.constant dense<0xFF800000> : vector<5000xf32>
    %reduce_max3A_49 = vector.multi_reduction <maximumf>, %slice3A_47, %reduce_max3A_48 [1] : vector<5000x2xf32> to vector<5000xf32>
    %broadcast_in_dim3A_50 = vector.shape_cast %reduce_max3A_49 : vector<5000xf32> to vector<5000x1xf32>
    %broadcast_in_dim3A_51 = vector.shape_cast %broadcast_in_dim3A_50 : vector<5000x1xf32> to vector<5000x1xf32>
    %broadcast_in_dim3A_52 = vector.broadcast %broadcast_in_dim3A_51 : vector<5000x1xf32> to vector<5000x2xf32>
    %concatenate3A = tpu.concatenate %broadcast_in_dim3A_4, %broadcast_in_dim3A_10, %broadcast_in_dim3A_16, %broadcast_in_dim3A_22, %broadcast_in_dim3A_28, %broadcast_in_dim3A_34, %broadcast_in_dim3A_40, %broadcast_in_dim3A_46, %broadcast_in_dim3A_52 in 1 : vector<5000x119xf32>, vector<5000x5xf32>, vector<5000x12xf32>, vector<5000x12xf32>, vector<5000x10xf32>, vector<5000x6xf32>, vector<5000x6xf32>, vector<5000x2xf32>, vector<5000x2xf32> -> vector<5000x174xf32>
    %eq3A = arith.cmpf oeq, %get3A_1, %concatenate3A : vector<5000x174xf32>
    %convert_element_type3A = arith.extui %eq3A : vector<5000x174xi1> to vector<5000x174xi32>
    %convert_element_type3A_53 = arith.sitofp %convert_element_type3A : vector<5000x174xi32> to vector<5000x174xf32>
    %convert_element_type3A_54 = arith.truncf %convert_element_type3A_53 : vector<5000x174xf32> to vector<5000x174xbf16>
    %broadcast_in_dim3A_55 = arith.constant 0.000000e+00 : bf16
    %broadcast_in_dim3A_56 = vector.broadcast %broadcast_in_dim3A_55 : bf16 to vector<5000x82xbf16>
    %concatenate3A_57 = tpu.concatenate %convert_element_type3A_54, %broadcast_in_dim3A_56 in 1 : vector<5000x174xbf16>, vector<5000x82xbf16> -> vector<5000x256xbf16>
    %get3A_58 = arith.constant 0 : index
    %get3A_59 = arith.constant 0 : index
    %get3A_60 = vector.load %arg2[%get3A_58, %get3A_59] : memref<256x128xbf16, #tpu.memory_space<vmem>>, vector<256x128xbf16>
    %dot_general3A = arith.constant dense<0.000000e+00> : vector<5000x128xf32>
    %dot_general3A_61 = tpu.matmul %concatenate3A_57, %get3A_60, %dot_general3A {dimension_numbers = #tpu.dot_dimension_numbers<[1], [0], [0], [1], [0, 0, 1, 1], [], []>, transpose_lhs_hint = false} : vector<5000x256xbf16>, vector<256x128xbf16>, vector<5000x128xf32> -> vector<5000x128xf32>
    %slice3A_62 = vector.extract_strided_slice %dot_general3A_61 {offsets = [0, 0], sizes = [5000, 9], strides = [1, 1]} : vector<5000x128xf32> to vector<5000x9xf32>
    %min3A = arith.constant 1.750000e+02 : f32
    %min3A_63 = vector.broadcast %min3A : f32 to vector<5000x9xf32>
    %min3A_64 = arith.minimumf %slice3A_62, %min3A_63 : vector<5000x9xf32>
    %convert_element_type3A_65 = arith.fptosi %min3A_64 : vector<5000x9xf32> to vector<5000x9xi32>
    %swap3A = arith.constant 0 : index
    %swap3A_66 = arith.constant 0 : index
    %swap3A_67 = vector.load %arg3[%swap3A, %swap3A_66] : memref<5000x9xi32, #tpu.memory_space<vmem>>, vector<5000x9xi32>
    tpu.vector_store %arg3[%swap3A, %swap3A_66], %convert_element_type3A_65 {strides = array<i32>} : memref<5000x9xi32, #tpu.memory_space<vmem>>, vector<5000x9xi32>,
    return
  }
  func.func @transform_0(%arg0: i32) -> (i32, i32) {
    %c0_i32 = arith.constant 0 : i32
    %c0_i32_0 = arith.constant 0 : i32
    return %arg0, %c0_i32 : i32, i32
  }
  func.func @transform_1(%arg0: i32) -> (i32, i32) {
    %c0_i32 = arith.constant 0 : i32
    %c0_i32_0 = arith.constant 0 : i32
    %c0_i32_1 = arith.constant 0 : i32
    return %c0_i32, %c0_i32_0 : i32, i32
  }
  func.func @transform_2(%arg0: i32) -> (i32, i32) {
    %c0_i32 = arith.constant 0 : i32
    %c0_i32_0 = arith.constant 0 : i32
    return %arg0, %c0_i32 : i32, i32
  }
}

</mosaic_0001>

<sc_bundles>
// kernel: kernel.4.cloned.1.call-start
scs
__scs_entry_jumppad:
0x0: {  	(pc) =	sbr.rel $0x88, $3  }
0x1: {  	(tag) =	ssettag $0x0;
	lr =	simm.s32 $0x1  }
0x2: {  	[smem:$0x3F97] =	sst lr;
	_ =	strace $0xD0000000  }
0x3: {  	_ = 	snop  }
0x4: {  	_ = 	snop  }
0x5: {  	_ = 	snop  }
0x6: {  	_ = 	snop  }
0x7: {  	_ = 	snop  }
__scs_overlays_trampoline_lowered:
0x8: {  	[smem:$0x3FA6] =	sst s0  }
0x9: {  	[smem:$0x3FA7] =	sst s1  }
0xa: {  	[smem:$0x3FA8] =	sst s2  }
0xb: {  	[smem:$0x3FA9] =	sst s3  }
0xc: {  	[smem:$0x3FAA] =	sst s4  }
0xd: {  	[smem:$0x3FAB] =	sst s5  }
0xe: {  	[smem:$0x3FAC] =	sst s6  }
0xf: {  	[smem:$0x3FAD] =	sst s7  }
0x10: {  	[smem:$0x3FAE] =	sst s8  }
0x11: {  	[smem:$0x3FAF] =	sst s9;
	s0 =	simm.s32 @!p0 $0x0  }
0x12: {  	s1 =	sld [smem:$0x3F95];
	s0 =	simm.s32 @p0 $0x1  }
0x13: {  	[smem:$0x3FB0] =	sst s0;
	s0 =	simm.s32 @!p1 $0x0  }
0x14: {  	s2 =	sld [smem:$0x3F94];
	s0 =	simm.s32 @p1 $0x1  }
0x15: {  	[smem:$0x3FB1] =	sst s0;
	s0 =	simm.s32 @!p2 $0x0  }
0x16: {  	s3 =	sld [smem:$0x3FDB];
	s0 =	simm.s32 @p2 $0x1  }
0x17: {  	s4 =	simm.s32 $0x1BF5;
	[smem:$0x3FB3] =	sst s0  }
0x18: {  	s0 =	sld [smem:$0x3F96];
	_ =	swait.ge [sflag:s4], $0x0  }
0x19: {  	s7 =	sld [smem:$0x3F97]  }
0x1a: {  	s8 =	sadd.s32 $0xFFFFE003, lr  }
0x1b: {  	s9 =	sadd.s32 $0xFFFFFEF7, lr;
	s5 =	simm.s32 $0xFFFFFFFF;
	p2 =	slt.u32 s8, $0xFFFFF086  }
0x1c: {  	p1 =	slt.u32 s9, $0xF7A;
	s5 =	simm.s32 @!p2 $0x0  }
0x1d: {  	s5 =	simm.s32 @p1 $0x1;
	p0 =	seq.s32 s7, s2  }
0x1e: {  	s7 =	smul.u32 @!p0 $0xF7A, s2;
	p2 =	seq.s32 @!p0 s5, $0x0  }
0x1f: {  	s9 =	smul.u32 $0xF7A, s1;
	s8 =	simm.s32 @!p0 $0x1BF5;
	p2 =	por !p2, p0  }
0x20: {  	[sflag:s8] =	ssyncset.s32 @!p0 $0xFFFFF086;
	s6 =	sadd.s32 @!p0 s3, s7;
	s7 =	simm.s32 @!p0 $0x108  }
0x21: {  	s3 =	sadd.s32 s3, s9;
	s6 =	sadd.s32 @!p0 $0x88, s6;
	s7 =	simm.s32 @p2 $0x1082  }
0x22: {  	[simem:s7], [sflag:s8] =	dma.local @!p0 [hbm:s6], $0xF7A  }
0x23: {  	s9 =	sor.u32 $0xD0000000, s2;
	s6 =	simm.s32 $0x108;
	_ =	swait.ge @!p0 [sflag:s8], $0x0  }
0x24: {  	s3 =	sadd.s32 $0x88, s3;
	s6 =	simm.s32 @!p1 $0x1082;
	[sflag:s4] =	ssyncset.s32 $0xFFFFF086  }
0x25: {  	[simem:s6], [sflag:s4] =	dma.local [hbm:s3], $0xF7A  }
0x26: {  	[smem:$0x3F97] =	sst s1;
	(tag) =	ssettag s2;
	_ =	strace s9  }
0x27: {  	s1 =	sld [smem:$0x3FA7]  }
0x28: {  	s2 =	sld [smem:$0x3FA8]  }
0x29: {  	s4 =	sld [smem:$0x3FAA]  }
0x2a: {  	p0 =	seq.s32 s5, $0x0;
	s5 =	sld [smem:$0x3FAB]  }
0x2b: {  	s6 =	sld [smem:$0x3FAC]  }
0x2c: {  	s7 =	sld [smem:$0x3FAD]  }
0x2d: {  	s3 =	simm.s32 $0x108;
	s8 =	sld [smem:$0x3FAE]  }
0x2e: {  	s3 =	simm.s32 @!p0 $0x1082;
	s9 =	sld [smem:$0x3FAF]  }
0x2f: {  	lr =	sadd.s32 s0, s3;
	s0 =	sld [smem:$0x3FA6]  }
0x30: {  	s3 =	sld [smem:$0x3FA9]  }
0x31: {  	[smem:$0x3FB2] =	sst s10  }
0x32: {  	s10 =	sld [smem:$0x3FB0];
	_ =	sdelay $0x3  }
0x33: {  	p0 =	seq.s32 s10, $0x1;
	s10 =	sld [smem:$0x3FB2];
	_ =	sdelay $0x3  }
0x34: {  	[smem:$0x3FB2] =	sst s10  }
0x35: {  	s10 =	sld [smem:$0x3FB1];
	_ =	sdelay $0x3  }
0x36: {  	p1 =	seq.s32 s10, $0x1;
	s10 =	sld [smem:$0x3FB2];
	_ =	sdelay $0x3  }
0x37: {  	[smem:$0x3FB2] =	sst s10  }
0x38: {  	s10 =	sld [smem:$0x3FB3]  }
0x39: {  	_ = 	snop;
	(pc) =	sbr.ind lr, $3  }
0x3a: {  	_ = 	snop  }
0x3b: {  	_ = 	snop  }
0x3c: {  	p2 =	seq.s32 s10, $0x1;
	s10 =	sld [smem:$0x3FB2]  }
0x3d: {  	_ =	shalt  }
0x3e: {  	_ =	shalt  }
0x3f: {  	_ =	shalt  }
0x40: {  	_ =	shalt  }
0x41: {  	_ =	shalt  }
0x42: {  	_ =	shalt  }
0x43: {  	_ =	shalt  }
0x44: {  	_ =	shalt  }
0x45: {  	_ =	shalt  }
0x46: {  	_ =	shalt  }
0x47: {  	_ =	shalt  }
0x48: {  	_ =	shalt  }
0x49: {  	_ =	shalt  }
0x4a: {  	_ =	shalt  }
0x4b: {  	_ =	shalt  }
0x4c: {  	_ =	shalt  }
0x4d: {  	_ =	shalt  }
0x4e: {  	_ =	shalt  }
0x4f: {  	_ =	shalt  }
0x50: {  	_ =	shalt  }
0x51: {  	_ =	shalt  }
0x52: {  	_ =	shalt  }
0x53: {  	_ =	shalt  }
0x54: {  	_ =	shalt  }
0x55: {  	_ =	shalt  }
0x56: {  	_ =	shalt  }
0x57: {  	_ =	shalt  }
0x58: {  	_ =	shalt  }
0x59: {  	_ =	shalt  }
0x5a: {  	_ =	shalt  }
0x5b: {  	_ =	shalt  }
0x5c: {  	_ =	shalt  }
0x5d: {  	_ =	shalt  }
0x5e: {  	_ =	shalt  }
0x5f: {  	_ =	shalt  }
0x60: {  	_ =	shalt  }
0x61: {  	_ =	shalt  }
0x62: {  	_ =	shalt  }
0x63: {  	_ =	shalt  }
0x64: {  	_ =	shalt  }
0x65: {  	_ =	shalt  }
0x66: {  	_ =	shalt  }
0x67: {  	_ =	shalt  }
0x68: {  	_ =	shalt  }
0x69: {  	_ =	shalt  }
0x6a: {  	_ =	shalt  }
0x6b: {  	_ =	shalt  }
0x6c: {  	_ =	shalt  }
0x6d: {  	_ =	shalt  }
0x6e: {  	_ =	shalt  }
0x6f: {  	_ =	shalt  }
0x70: {  	_ =	shalt  }
0x71: {  	_ =	shalt  }
0x72: {  	_ =	shalt  }
0x73: {  	_ =	shalt  }
0x74: {  	_ =	shalt  }
0x75: {  	_ =	shalt  }
0x76: {  	_ =	shalt  }
0x77: {  	_ =	shalt  }
0x78: {  	_ =	shalt  }
0x79: {  	_ =	shalt  }
0x7a: {  	_ =	shalt  }
0x7b: {  	_ =	shalt  }
0x7c: {  	_ =	shalt  }
0x7d: {  	_ =	shalt  }
0x7e: {  	_ =	shalt  }
0x7f: {  	_ =	shalt  }
0x80: {  	_ =	shalt  }
0x81: {  	_ =	shalt  }
0x82: {  	_ =	shalt  }
0x83: {  	_ =	shalt  }
0x84: {  	_ =	shalt  }
0x85: {  	_ =	shalt  }
0x86: {  	_ =	shalt  }
0x87: {  	_ =	shalt  }
.Lfunc_end0:
.L_simem_size_0:
called_computation_lowered:
.L_overlay_start_0:
0x88: {  	s2 =	sld [smem:$0x3FD9]  }
0x89: {  	s3 =	sld [smem:$0x3FFE];
	_ =	sdelay $0x1  }
0x8a: {  	s1 =	srdreg.scid  }
0x8b: {  	s0 =	sand.u32 $0x1, s1  }
0x8c: {  	s17 =	sshll.u32 s0, $0xA;
	s2 =	sadd.s32 s3, s2  }
0x8d: {  	s2 =	sadd.s32 s2, s17  }
0x8e: {  	[smem:$0x3FBE] =	sst s2  }
0x8f: {  	_ = 	snop  }
0x90: {  	s2 =	sld [smem:$0x3FD0];
	(tm) =	ssettm $0x1  }
0x91: {  	s18 =	sld [smem:$0x3FFB];
	_ =	sdelay $0x3  }
0x92: {  	_ =	strace s18  }
0x93: {  	s3 =	sld [smem:$0x3FFC];
	_ =	sdelay $0x3  }
0x94: {  	_ =	strace s3  }
0x95: {  	s3 =	sld [smem:$0x3FFD];
	_ =	sdelay $0x3  }
0x96: {  	_ =	strace s3  }
0x97: {  	_ =	strace $0x8FFFFFFF  }
0x98: {  	s19 =	sld [smem:$0x3FDB];
	_ =	sdelay $0x1  }
0x99: {  	s4 =	simm.s32 $_scs_section_size  }
0x9a: {  	s5 =	simm.s32 $_size__tile_overlayer_lowered;
	s6 =	simm.s32 $_tile_overlayer_lowered  }
0x9b: {  	s22 =	simm.s32 $0x1BFF;
	s21 =	sshll.u32 s6, $0x1;
	s3 =	sadd.s32 s4, s19  }
0x9c: {  	s7 =	simm.s32 $0x0;
	s20 =	sshll.u32 s5, $0x1;
	s5 =	sadd.s32 s21, s3  }
0x9d: {  	[timem:s7], [sflag:s22] =	dma.local [hbm:s5], s20  }
0x9e: {  	_ =	swait.ge [sflag:s22], s20  }
0x9f: {  	s4 =	ssub.s32 $0x0, s20;
	[sflag:s22] =	ssyncset.done $0x0  }
0xa0: {  	[sflag:s22] =	ssyncadd.s32 s4;
	_ =	sdelay $0x1  }
0xa1: {  	s23 =	simm.s32 $0x1B8B  }
0xa2: {  	_ =	swait.ge [sflag:s23], $0x1  }
0xa3: {  	[sflag:s23] =	ssyncset.done $0x0  }
0xa4: {  	s25 =	simm.s32 $0x1B8E;
	s24 =	sld [smem:$0x3FFE];
	[sflag:s23] =	ssyncadd.s32 $0xFFFFFFFF  }
0xa5: {  	s26 =	simm.s32 $execute0_lowered;
	[smem:$0x3FD2] =	sst s25  }
0xa6: {  	s5 =	sshll.u32 s26, $0x1;
	_ =	strace $0x80000046;
	[dreg:$0x1] =	wrdreg $0xFFFFFFFF  }
0xa7: {  	s28 =	simm.s32 $_size_execute0_lowered;
	s3 =	sadd.s32 s3, s5;
	[dreg:$0x0] =	wrdreg $0x0  }
0xa8: {  	s5 =	sshll.u32 s28, $0x1;
	[dreg:$0x2] =	wrdreg s3  }
0xa9: {  	[dreg:$0x3] =	wrdreg s5  }
0xaa: {  	[dreg:$0x4] =	wrdreg $0xC0  }
0xab: {  	_ =	task [dreg:s7], $0x5FFFF  }
0xac: {  	[dreg:$0x1] =	wrdreg $0xFFFFFFFF  }
0xad: {  	[dreg:$0x0] =	wrdreg $0x60  }
0xae: {  	[dreg:$0x2] =	wrdreg s24  }
0xaf: {  	[dreg:$0x3] =	wrdreg s2  }
0xb0: {  	[dreg:$0x4] =	wrdreg $0x9  }
0xb1: {  	_ =	task.clear_ibuf [dreg:s7], $0x5FFFF;
	_ =	strace $0x90000046  }
0xb2: {  	s29 =	simm.s32 $0x9;
	_ =	strace $0x80000048  }
0xb3: {  	_ =	swait.ge [sflag:s29], $0x1  }
0xb4: {  	[sflag:s29] =	ssyncadd.s32 $0xFFFFFFFF  }
0xb5: {  	_ =	strace $0x90000048  }
0xb6: {  	_ =	sfence  }
0xb7: {  	s30 =	sld [smem:$0x0];
	_ =	sdelay $0x2  }
0xb8: {  	s31 =	sshll.u32 s1, $0xD;
	s1 =	sshrl.u32 s1, $0x2  }
0xb9: {  	s3 =	sand.u32 $0x4000, s31;
	s1 =	sadd.s32 s1, s30  }
0xba: {  	s0 =	sor.u32 s3, s0;
	s1 =	sshll.u32 s1, $0x11  }
0xbb: {  	s0 =	sor.u32 s1, s0  }
0xbc: {  	s0 =	sadd.s32 $0x8F2B, s0  }
0xbd: {  	[sflag:s0] =	ssyncadd.remote.s32 $0x1  }
0xbe: {  	_ =	sfence.sel $0xFFFF  }
0xbf: {  	[dreg:$0x0] =	wrdreg $0xFFFFFFFF;
	(pc) =	sbr.abs _section_cstart, $3  }
0xc0: {  	[dreg:$0x1] =	wrdreg $0xFFFFFFFF  }
0xc1: {  	_ =	task.clear_ibuf [dreg:s7], $0x2FFFF;
	_ =	strace $0x9FFFFFFF  }
0xc2: {  	(tm) =	ssettm $0x7FFFFFFF  }
0xc3: {  	_ =	shalt  }
tec
execute0_lowered:
.L_overlay_start_1:
0x0: {  	(tag) =	ssettag $0x1  }
0x1: {  	s4 =	rddreg [dreg:$0x0];
	s1 =	srdreg.scid  }
0x2: {  	s0 =	stileid.u32;
	s2 =	rddreg [dreg:$0x1];
	s3 =	simm.s32 $0x0  }
0x3: {  	s9 =	simm.s32 $0x3;
	s10 =	simm.s32 $0x120;
	s11 =	simm.s32 $0x6E80  }
0x4: {  	s12 =	simm.s32 $0x1;
	s13 =	simm.s32 $0x18E80;
	s14 =	simm.s32 $0x4  }
0x5: {  	s15 =	simm.s32 $0x2;
	s5 =	sand.u32 $0x1, s1;
	s1 =	rddreg [dreg:$0x2]  }
0x6: {  	s16 =	simm.s32 $0x0;
	s6 =	sshll.u32 s0, $0x1;
	[smem:$0x7FF] =	sst s3  }
.Ltmp0:
0x7: {  	s7 =	sor.u32 s5, s6;
	s5 =	ssub.s32 $0x2, s5;
	(pc) =	sbr.rel .LBB2_1-.Ltmp0, $4  }
0x8: {  	_ =	strace $0x80000047;
	s6 =	smul.u32 $0xDC8, s7;
	s8 =	sshrl.u32 s5, $0x1  }
0x9: {  	p0 =	seq.s32 s7, $0x1F;
	s7 =	smul.u32 $0x62000, s7;
	s8 =	ssub.s32 s5, s8  }
0xa: {  	s5 =	simm.s32 $0x57;
	s6 =	sadd.s32 s6, s4;
	s4 =	sadd.s32 $0x1D200, s4  }
0xb: {  	s5 =	simm.s32 @!p0 $0x62;
	s8 =	smax.u32 s8, $0x1;
	s6 =	sadd.s32 $0x1800, s6  }
.LBB2_11:
0xc: {  	s16 =	sadd.s32 $0x1, s16  }
0xd: {  	p0 =	sne.s32 s16, s8  }
.Ltmp1:
0xe: {  	_ = 	snop;
	(pc) =	sbr.rel @!p0 .LBB2_12-.Ltmp1, $1  }
0xf: {  	_ =	sdelay $0x3  }
.LBB2_1:
0x10: {  	[tilespmem:s3], [sflag:$0x3] =	stream.linear.gather [hbm4b:s6+s3], $0x6E40, $0x38;
	[tilespmem:$0x19E80] =	vst v63  }
.Ltmp2:
0x11: {  	_ = 	snop;
	(pc) =	sbr.rel .LBB2_2-.Ltmp2, $4  }
0x12: {  	_ =	swait.ge [sflag:s9], $0x6E40  }
0x13: {  	[sflag:s9] =	ssyncset.done $0x0  }
0x14: {  	s18 =	simm.s32 $0x0;
	[sflag:s9] =	ssyncadd.s32 $0xFFFF91C0  }
0x15: {  	[tilespmem:s11], [sflag:$0x1] =	stream.indirect.gather [hbm4b:s4+s10], $0x80, s3, s10, $0xb8;
	[tilespmem:$0x19E80] =	vst v63  }
.LBB2_10:
0x16: {  	p0 =	sne.s32 s17, s5  }
.Ltmp3:
0x17: {  	_ = 	snop;
	(pc) =	sbr.rel @!p0 .LBB2_11-.Ltmp3, $2  }
0x18: {  	_ =	sdelay $0x2  }
0x19: {  	s18 =	smov.u32 s17  }
.LBB2_2:
0x1a: {  	s17 =	sadd.s32 $0x1, s18  }
0x1b: {  	s19 =	sand.u32 $0x1, s18;
	p1 =	sge.u32 s17, s5  }
0x1c: {  	p0 =	sne.s32 @!p1 s19, $0x0  }
0x1d: {  	p2 =	por p0, p1  }
0x1e: {  	p0 =	seq.s32 s19, $0x1;
	s20 =	smul.u32 @!p2 $0x480, s17  }
0x1f: {  	p1 =	por !p0, p1;
	s21 =	simm.s32 @!p2 $0x120  }
0x20: {  	s22 =	simm.s32 @!p2 $0xFE80;
	s23 =	smul.u32 @!p1 $0x480, s17;
	s20 =	sshra.s32 @!p2 s20, $0x2  }
0x21: {  	[tilespmem:s22], [sflag:$0x2] =	stream.indirect.gather @!p2 [hbm4b:s4+s21], $0x80, s20, s21, $0xb8;
	[tilespmem:$0x19E80] =	vst v63  }
0x22: {  	s20 =	sshra.s32 @!p1 s23, $0x2;
	s21 =	simm.s32 @!p1 $0x120;
	s22 =	simm.s32 @!p1 $0x6E80  }
0x23: {  	[tilespmem:s22], [sflag:$0x1] =	stream.indirect.gather @!p1 [hbm4b:s4+s21], $0x80, s20, s21, $0xb8;
	[tilespmem:$0x19E80] =	vst v63  }
0x24: {  	p1 =	sne.s32 s19, $0x0  }
.Ltmp4:
0x25: {  	_ = 	snop;
	(pc) =	sbr.rel @p1 .LBB2_6-.Ltmp4, $1  }
0x26: {  	_ =	sdelay $0x3  }
0x27: {  	_ =	swait.ge [sflag:s12], $0x9000  }
0x28: {  	[sflag:s12] =	ssyncset.done $0x0  }
0x29: {  	s19 =	simm.s32 $0x70C0;
	[sflag:s12] =	ssyncadd.s32 $0xFFFF7000  }
0x2a: {  	v0 =	vld [tilespmem:s19+$0xFFFFFE40]  }
0x2b: {  	v1 =	vld [tilespmem:s19+$0xFFFFFDC0];
	_ =	sdelay $0x1  }
0x2c: {  	v2 =	vld [tilespmem:s19+$0xFFFFFEC0];
	_ =	sdelay $0x1  }
0x2d: {  	v3 =	vld [tilespmem:s19+$0xFFFFFF40]  }
0x2e: {  	v0 =	vadd.f32 v0, v1  }
0x2f: {  	v1 =	vld [tilespmem:s19+$0xFFFFFFC0]  }
0x30: {  	v0 =	vadd.f32 v2, v0  }
0x31: {  	v2 =	vld [tilespmem:s19+$0x40]  }
0x32: {  	v0 =	vadd.f32 v3, v0  }
0x33: {  	v3 =	vld [tilespmem:s19+$0xC0]  }
0x34: {  	v0 =	vadd.f32 v1, v0  }
0x35: {  	v1 =	vld [tilespmem:s19+$0x140]  }
0x36: {  	v0 =	vadd.f32 v2, v0  }
0x37: {  	v2 =	vld [tilespmem:s19+$0x1C0]  }
0x38: {  	v0 =	vadd.f32 v3, v0;
	_ =	sdelay $0x1  }
0x39: {  	v0 =	vadd.f32 v1, v0;
	_ =	sdelay $0x1  }
0x3a: {  	v0 =	vadd.f32 v2, v0  }
0x3b: {  	s20 =	simm.s32 $0x0  }
0x3c: {  	[tilespmem:s20+$0x18E80] =	vst v0  }
0x3d: {  	v0 =	vld [tilespmem:s19+$0xFFFFFDD0]  }
0x3e: {  	v1 =	vld [tilespmem:s19+$0xFFFFFE50];
	_ =	sdelay $0x1  }
0x3f: {  	v2 =	vld [tilespmem:s19+$0xFFFFFED0];
	_ =	sdelay $0x1  }
0x40: {  	v3 =	vld [tilespmem:s19+$0xFFFFFF50]  }
0x41: {  	v0 =	vadd.f32 v1, v0  }
0x42: {  	v1 =	vld [tilespmem:s19+$0xFFFFFFD0]  }
0x43: {  	v0 =	vadd.f32 v2, v0  }
0x44: {  	v2 =	vld [tilespmem:s19+$0x50]  }
0x45: {  	v0 =	vadd.f32 v3, v0  }
0x46: {  	v3 =	vld [tilespmem:s19+$0xD0]  }
0x47: {  	v0 =	vadd.f32 v1, v0  }
0x48: {  	v1 =	vld [tilespmem:s19+$0x150]  }
0x49: {  	v0 =	vadd.f32 v2, v0  }
0x4a: {  	v2 =	vld [tilespmem:s19+$0x1D0]  }
0x4b: {  	v0 =	vadd.f32 v3, v0;
	_ =	sdelay $0x1  }
0x4c: {  	v0 =	vadd.f32 v1, v0;
	_ =	sdelay $0x1  }
0x4d: {  	v0 =	vadd.f32 v2, v0;
	_ =	sdelay $0x1  }
0x4e: {  	[tilespmem:s20+$0x18E90] =	vst v0  }
0x4f: {  	v0 =	vld [tilespmem:s19+$0xFFFFFDE0]  }
0x50: {  	v1 =	vld [tilespmem:s19+$0xFFFFFE60];
	_ =	sdelay $0x1  }
0x51: {  	v2 =	vld [tilespmem:s19+$0xFFFFFEE0];
	_ =	sdelay $0x1  }
0x52: {  	v3 =	vld [tilespmem:s19+$0xFFFFFF60]  }
0x53: {  	v0 =	vadd.f32 v1, v0  }
0x54: {  	v1 =	vld [tilespmem:s19+$0xFFFFFFE0]  }
0x55: {  	v0 =	vadd.f32 v2, v0  }
0x56: {  	v2 =	vld [tilespmem:s19+$0x60]  }
0x57: {  	v0 =	vadd.f32 v3, v0  }
0x58: {  	v3 =	vld [tilespmem:s19+$0xE0]  }
0x59: {  	v0 =	vadd.f32 v1, v0  }
0x5a: {  	v1 =	vld [tilespmem:s19+$0x160]  }
0x5b: {  	v0 =	vadd.f32 v2, v0  }
0x5c: {  	v2 =	vld [tilespmem:s19+$0x1E0]  }
0x5d: {  	v0 =	vadd.f32 v3, v0;
	_ =	sdelay $0x1  }
0x5e: {  	v0 =	vadd.f32 v1, v0;
	_ =	sdelay $0x1  }
0x5f: {  	v0 =	vadd.f32 v2, v0;
	_ =	sdelay $0x1  }
0x60: {  	[tilespmem:s20+$0x18EA0] =	vst v0  }
0x61: {  	v0 =	vld [tilespmem:s19+$0xFFFFFDF0]  }
0x62: {  	v1 =	vld [tilespmem:s19+$0xFFFFFE70];
	_ =	sdelay $0x1  }
0x63: {  	v2 =	vld [tilespmem:s19+$0xFFFFFEF0];
	_ =	sdelay $0x1  }
0x64: {  	v3 =	vld [tilespmem:s19+$0xFFFFFF70]  }
0x65: {  	v0 =	vadd.f32 v1, v0  }
0x66: {  	v1 =	vld [tilespmem:s19+$0xFFFFFFF0]  }
0x67: {  	v0 =	vadd.f32 v2, v0  }
0x68: {  	v2 =	vld [tilespmem:s19+$0x70]  }
0x69: {  	v0 =	vadd.f32 v3, v0  }
0x6a: {  	v3 =	vld [tilespmem:s19+$0xF0]  }
0x6b: {  	v0 =	vadd.f32 v1, v0  }
0x6c: {  	v1 =	vld [tilespmem:s19+$0x170]  }
0x6d: {  	v0 =	vadd.f32 v2, v0  }
0x6e: {  	v2 =	vld [tilespmem:s19+$0x1F0]  }
0x6f: {  	v0 =	vadd.f32 v3, v0;
	_ =	sdelay $0x1  }
0x70: {  	v0 =	vadd.f32 v1, v0;
	_ =	sdelay $0x1  }
0x71: {  	v0 =	vadd.f32 v2, v0;
	_ =	sdelay $0x1  }
0x72: {  	[tilespmem:s20+$0x18EB0] =	vst v0  }
0x73: {  	v0 =	vld [tilespmem:s19+$0xFFFFFE00]  }
0x74: {  	v1 =	vld [tilespmem:s19+$0xFFFFFE80];
	_ =	sdelay $0x1  }
0x75: {  	v2 =	vld [tilespmem:s19+$0xFFFFFF00];
	_ =	sdelay $0x1  }
0x76: {  	v3 =	vld [tilespmem:s19+$0xFFFFFF80]  }
0x77: {  	v0 =	vadd.f32 v1, v0  }
0x78: {  	v1 =	vld [tilespmem:s19+$0x0]  }
0x79: {  	v0 =	vadd.f32 v2, v0  }
0x7a: {  	v2 =	vld [tilespmem:s19+$0x80]  }
0x7b: {  	v0 =	vadd.f32 v3, v0  }
0x7c: {  	v3 =	vld [tilespmem:s19+$0x100]  }
0x7d: {  	v0 =	vadd.f32 v1, v0  }
0x7e: {  	v1 =	vld [tilespmem:s19+$0x180]  }
0x7f: {  	v0 =	vadd.f32 v2, v0  }
0x80: {  	v2 =	vld [tilespmem:s19+$0x200]  }
0x81: {  	v0 =	vadd.f32 v3, v0;
	_ =	sdelay $0x1  }
0x82: {  	v0 =	vadd.f32 v1, v0;
	_ =	sdelay $0x1  }
0x83: {  	v0 =	vadd.f32 v2, v0;
	_ =	sdelay $0x1  }
0x84: {  	[tilespmem:s20+$0x18EC0] =	vst v0  }
0x85: {  	v0 =	vld [tilespmem:s19+$0xFFFFFE10]  }
0x86: {  	v1 =	vld [tilespmem:s19+$0xFFFFFE90];
	_ =	sdelay $0x1  }
0x87: {  	v2 =	vld [tilespmem:s19+$0xFFFFFF10];
	_ =	sdelay $0x1  }
0x88: {  	v3 =	vld [tilespmem:s19+$0xFFFFFF90]  }
0x89: {  	v0 =	vadd.f32 v1, v0  }
0x8a: {  	v1 =	vld [tilespmem:s19+$0x10]  }
0x8b: {  	v0 =	vadd.f32 v2, v0  }
0x8c: {  	v2 =	vld [tilespmem:s19+$0x90]  }
0x8d: {  	v0 =	vadd.f32 v3, v0  }
0x8e: {  	v3 =	vld [tilespmem:s19+$0x110]  }
0x8f: {  	v0 =	vadd.f32 v1, v0  }
0x90: {  	v1 =	vld [tilespmem:s19+$0x190]  }
0x91: {  	v0 =	vadd.f32 v2, v0  }
0x92: {  	v2 =	vld [tilespmem:s19+$0x210]  }
0x93: {  	v0 =	vadd.f32 v3, v0;
	_ =	sdelay $0x1  }
0x94: {  	v0 =	vadd.f32 v1, v0;
	_ =	sdelay $0x1  }
0x95: {  	v0 =	vadd.f32 v2, v0;
	_ =	sdelay $0x1  }
0x96: {  	[tilespmem:s20+$0x18ED0] =	vst v0  }
0x97: {  	v0 =	vld [tilespmem:s19+$0xFFFFFE20]  }
0x98: {  	v1 =	vld [tilespmem:s19+$0xFFFFFEA0];
	_ =	sdelay $0x1  }
0x99: {  	v2 =	vld [tilespmem:s19+$0xFFFFFF20];
	_ =	sdelay $0x1  }
0x9a: {  	v3 =	vld [tilespmem:s19+$0xFFFFFFA0]  }
0x9b: {  	v0 =	vadd.f32 v1, v0  }
0x9c: {  	v1 =	vld [tilespmem:s19+$0x20]  }
0x9d: {  	v0 =	vadd.f32 v2, v0  }
0x9e: {  	v2 =	vld [tilespmem:s19+$0xA0]  }
0x9f: {  	v0 =	vadd.f32 v3, v0  }
0xa0: {  	v3 =	vld [tilespmem:s19+$0x120]  }
0xa1: {  	v0 =	vadd.f32 v1, v0  }
0xa2: {  	v1 =	vld [tilespmem:s19+$0x1A0]  }
0xa3: {  	v0 =	vadd.f32 v2, v0  }
0xa4: {  	v2 =	vld [tilespmem:s19+$0x220]  }
0xa5: {  	v0 =	vadd.f32 v3, v0;
	_ =	sdelay $0x1  }
0xa6: {  	v0 =	vadd.f32 v1, v0;
	_ =	sdelay $0x1  }
0xa7: {  	v0 =	vadd.f32 v2, v0;
	_ =	sdelay $0x1  }
0xa8: {  	[tilespmem:s20+$0x18EE0] =	vst v0  }
0xa9: {  	v0 =	vld [tilespmem:s19+$0xFFFFFE30]  }
0xaa: {  	v1 =	vld [tilespmem:s19+$0xFFFFFEB0];
	_ =	sdelay $0x1  }
0xab: {  	v2 =	vld [tilespmem:s19+$0xFFFFFF30];
	_ =	sdelay $0x1  }
0xac: {  	v3 =	vld [tilespmem:s19+$0xFFFFFFB0]  }
0xad: {  	v0 =	vadd.f32 v1, v0  }
0xae: {  	v4 =	vld [tilespmem:s19+$0x30]  }
0xaf: {  	v2 =	vadd.f32 v2, v0  }
0xb0: {  	v1 =	vld [tilespmem:s19+$0x130]  }
0xb1: {  	v0 =	vld [tilespmem:s19+$0xB0];
	v5 =	vadd.f32 v3, v2  }
0xb2: {  	v2 =	vld [tilespmem:s19+$0x1B0]  }
0xb3: {  	s21 =	simm.s32 $0x200;
	v3 =	vld [tilespmem:s19+$0x230];
	v4 =	vadd.f32 v4, v5  }
.LBB2_4:
0xb4: {  	p1 =	sne.s32 s21, $0x3E00  }
0xb5: {  	s19 =	sadd.s32 $0x480, s19;
	s22 =	smov.u32 s21;
	s21 =	sadd.s32 $0x200, s21  }
0xb6: {  	v0 =	vadd.f32 v0, v4;
	_ =	sdelay $0x1  }
0xb7: {  	v0 =	vadd.f32 v1, v0;
	_ =	sdelay $0x1  }
0xb8: {  	v0 =	vadd.f32 v2, v0;
	_ =	sdelay $0x1  }
0xb9: {  	v0 =	vadd.f32 v3, v0;
	_ =	sdelay $0x1  }
0xba: {  	[tilespmem:s20+$0x18EF0] =	vst v0  }
0xbb: {  	v0 =	vld [tilespmem:s19+$0xFFFFFE40]  }
0xbc: {  	v1 =	vld [tilespmem:s19+$0xFFFFFDC0];
	_ =	sdelay $0x1  }
0xbd: {  	v2 =	vld [tilespmem:s19+$0xFFFFFEC0]  }
0xbe: {  	v3 =	vld [tilespmem:s19+$0xFFFFFF40];
	_ =	sdelay $0x1  }
0xbf: {  	v0 =	vadd.f32 v0, v1;
	v1 =	vld [tilespmem:s19+$0xFFFFFFC0];
	_ =	sdelay $0x1  }
0xc0: {  	v0 =	vadd.f32 v2, v0  }
0xc1: {  	v2 =	vld [tilespmem:s19+$0x40]  }
0xc2: {  	v0 =	vadd.f32 v3, v0  }
0xc3: {  	v3 =	vld [tilespmem:s19+$0xC0]  }
0xc4: {  	v0 =	vadd.f32 v1, v0  }
0xc5: {  	v1 =	vld [tilespmem:s19+$0x140]  }
0xc6: {  	v0 =	vadd.f32 v2, v0  }
0xc7: {  	v2 =	vld [tilespmem:s19+$0x1C0]  }
0xc8: {  	v0 =	vadd.f32 v3, v0;
	_ =	sdelay $0x1  }
0xc9: {  	v0 =	vadd.f32 v1, v0;
	_ =	sdelay $0x1  }
0xca: {  	v0 =	vadd.f32 v2, v0  }
0xcb: {  	s20 =	sshra.s32 s22, $0x2  }
0xcc: {  	[tilespmem:s20+$0x18E80] =	vst v0  }
0xcd: {  	v0 =	vld [tilespmem:s19+$0xFFFFFDD0]  }
0xce: {  	v1 =	vld [tilespmem:s19+$0xFFFFFE50];
	_ =	sdelay $0x1  }
0xcf: {  	v2 =	vld [tilespmem:s19+$0xFFFFFED0];
	_ =	sdelay $0x1  }
0xd0: {  	v3 =	vld [tilespmem:s19+$0xFFFFFF50]  }
0xd1: {  	v0 =	vadd.f32 v1, v0  }
0xd2: {  	v1 =	vld [tilespmem:s19+$0xFFFFFFD0]  }
0xd3: {  	v0 =	vadd.f32 v2, v0  }
0xd4: {  	v2 =	vld [tilespmem:s19+$0x50]  }
0xd5: {  	v0 =	vadd.f32 v3, v0  }
0xd6: {  	v3 =	vld [tilespmem:s19+$0xD0]  }
0xd7: {  	v0 =	vadd.f32 v1, v0  }
0xd8: {  	v1 =	vld [tilespmem:s19+$0x150]  }
0xd9: {  	v0 =	vadd.f32 v2, v0  }
0xda: {  	v2 =	vld [tilespmem:s19+$0x1D0]  }
0xdb: {  	v0 =	vadd.f32 v3, v0;
	_ =	sdelay $0x1  }
0xdc: {  	v0 =	vadd.f32 v1, v0;
	_ =	sdelay $0x1  }
0xdd: {  	v0 =	vadd.f32 v2, v0;
	_ =	sdelay $0x1  }
0xde: {  	[tilespmem:s20+$0x18E90] =	vst v0  }
0xdf: {  	v0 =	vld [tilespmem:s19+$0xFFFFFDE0]  }
0xe0: {  	v1 =	vld [tilespmem:s19+$0xFFFFFE60];
	_ =	sdelay $0x1  }
0xe1: {  	v2 =	vld [tilespmem:s19+$0xFFFFFEE0];
	_ =	sdelay $0x1  }
0xe2: {  	v3 =	vld [tilespmem:s19+$0xFFFFFF60]  }
0xe3: {  	v0 =	vadd.f32 v1, v0  }
0xe4: {  	v1 =	vld [tilespmem:s19+$0xFFFFFFE0]  }
0xe5: {  	v0 =	vadd.f32 v2, v0  }
0xe6: {  	v2 =	vld [tilespmem:s19+$0x60]  }
0xe7: {  	v0 =	vadd.f32 v3, v0  }
0xe8: {  	v3 =	vld [tilespmem:s19+$0xE0]  }
0xe9: {  	v0 =	vadd.f32 v1, v0  }
0xea: {  	v1 =	vld [tilespmem:s19+$0x160]  }
0xeb: {  	v0 =	vadd.f32 v2, v0  }
0xec: {  	v2 =	vld [tilespmem:s19+$0x1E0]  }
0xed: {  	v0 =	vadd.f32 v3, v0;
	_ =	sdelay $0x1  }
0xee: {  	v0 =	vadd.f32 v1, v0;
	_ =	sdelay $0x1  }
0xef: {  	v0 =	vadd.f32 v2, v0;
	_ =	sdelay $0x1  }
0xf0: {  	[tilespmem:s20+$0x18EA0] =	vst v0  }
0xf1: {  	v0 =	vld [tilespmem:s19+$0xFFFFFDF0]  }
0xf2: {  	v1 =	vld [tilespmem:s19+$0xFFFFFE70]  }
0xf3: {  	v2 =	vld [tilespmem:s19+$0xFFFFFEF0];
	_ =	sdelay $0x2  }
0xf4: {  	v3 =	vld [tilespmem:s19+$0xFFFFFF70]  }
0xf5: {  	v0 =	vadd.f32 v1, v0  }
0xf6: {  	v1 =	vld [tilespmem:s19+$0xFFFFFFF0]  }
0xf7: {  	v0 =	vadd.f32 v2, v0  }
0xf8: {  	v2 =	vld [tilespmem:s19+$0x70]  }
0xf9: {  	v0 =	vadd.f32 v3, v0  }
0xfa: {  	v3 =	vld [tilespmem:s19+$0xF0]  }
0xfb: {  	v0 =	vadd.f32 v1, v0  }
0xfc: {  	v1 =	vld [tilespmem:s19+$0x170]  }
0xfd: {  	v0 =	vadd.f32 v2, v0  }
0xfe: {  	v2 =	vld [tilespmem:s19+$0x1F0]  }
0xff: {  	v0 =	vadd.f32 v3, v0;
	_ =	sdelay $0x1  }
0x100: {  	v0 =	vadd.f32 v1, v0;
	_ =	sdelay $0x1  }
0x101: {  	v0 =	vadd.f32 v2, v0;
	_ =	sdelay $0x1  }
0x102: {  	[tilespmem:s20+$0x18EB0] =	vst v0  }
0x103: {  	v0 =	vld [tilespmem:s19+$0xFFFFFE00]  }
0x104: {  	v1 =	vld [tilespmem:s19+$0xFFFFFE80]  }
0x105: {  	v2 =	vld [tilespmem:s19+$0xFFFFFF00];
	_ =	sdelay $0x2  }
0x106: {  	v3 =	vld [tilespmem:s19+$0xFFFFFF80]  }
0x107: {  	v0 =	vadd.f32 v1, v0  }
0x108: {  	v1 =	vld [tilespmem:s19+$0x0]  }
0x109: {  	v0 =	vadd.f32 v2, v0  }
0x10a: {  	v2 =	vld [tilespmem:s19+$0x80]  }
0x10b: {  	v0 =	vadd.f32 v3, v0  }
0x10c: {  	v3 =	vld [tilespmem:s19+$0x100]  }
0x10d: {  	v0 =	vadd.f32 v1, v0  }
0x10e: {  	v1 =	vld [tilespmem:s19+$0x180]  }
0x10f: {  	v0 =	vadd.f32 v2, v0  }
0x110: {  	v2 =	vld [tilespmem:s19+$0x200]  }
0x111: {  	v0 =	vadd.f32 v3, v0;
	_ =	sdelay $0x1  }
0x112: {  	v0 =	vadd.f32 v1, v0;
	_ =	sdelay $0x1  }
0x113: {  	v0 =	vadd.f32 v2, v0;
	_ =	sdelay $0x1  }
0x114: {  	[tilespmem:s20+$0x18EC0] =	vst v0  }
0x115: {  	v0 =	vld [tilespmem:s19+$0xFFFFFE10]  }
0x116: {  	v1 =	vld [tilespmem:s19+$0xFFFFFE90]  }
0x117: {  	v2 =	vld [tilespmem:s19+$0xFFFFFF10]  }
0x118: {  	v3 =	vld [tilespmem:s19+$0xFFFFFF90]  }
0x119: {  	v4 =	vld [tilespmem:s19+$0x10]  }
0x11a: {  	v5 =	vld [tilespmem:s19+$0x90]  }
0x11b: {  	v0 =	vadd.f32 v1, v0;
	v1 =	vld [tilespmem:s19+$0x110]  }
0x11c: {  	v6 =	vld [tilespmem:s19+$0x190]  }
0x11d: {  	v0 =	vadd.f32 v2, v0;
	v2 =	vld [tilespmem:s19+$0x210];
	_ =	sdelay $0x1  }
0x11e: {  	v0 =	vadd.f32 v3, v0;
	_ =	sdelay $0x1  }
0x11f: {  	v0 =	vadd.f32 v4, v0;
	_ =	sdelay $0x1  }
0x120: {  	v0 =	vadd.f32 v5, v0;
	_ =	sdelay $0x1  }
0x121: {  	v0 =	vadd.f32 v1, v0;
	_ =	sdelay $0x1  }
0x122: {  	v0 =	vadd.f32 v6, v0;
	_ =	sdelay $0x1  }
0x123: {  	v0 =	vadd.f32 v2, v0;
	_ =	sdelay $0x1  }
0x124: {  	[tilespmem:s20+$0x18ED0] =	vst v0  }
0x125: {  	v0 =	vld [tilespmem:s19+$0xFFFFFE20]  }
0x126: {  	v1 =	vld [tilespmem:s19+$0xFFFFFEA0]  }
0x127: {  	v2 =	vld [tilespmem:s19+$0xFFFFFF20]  }
0x128: {  	v3 =	vld [tilespmem:s19+$0xFFFFFFA0]  }
0x129: {  	v4 =	vld [tilespmem:s19+$0x20]  }
0x12a: {  	v5 =	vld [tilespmem:s19+$0xA0]  }
0x12b: {  	v0 =	vadd.f32 v1, v0;
	v1 =	vld [tilespmem:s19+$0x120]  }
0x12c: {  	v6 =	vld [tilespmem:s19+$0x1A0]  }
0x12d: {  	v0 =	vadd.f32 v2, v0;
	v2 =	vld [tilespmem:s19+$0x220];
	_ =	sdelay $0x1  }
0x12e: {  	v0 =	vadd.f32 v3, v0;
	_ =	sdelay $0x1  }
0x12f: {  	v0 =	vadd.f32 v4, v0;
	_ =	sdelay $0x1  }
0x130: {  	v0 =	vadd.f32 v5, v0;
	_ =	sdelay $0x1  }
0x131: {  	v0 =	vadd.f32 v1, v0;
	_ =	sdelay $0x1  }
0x132: {  	v0 =	vadd.f32 v6, v0;
	_ =	sdelay $0x1  }
0x133: {  	v0 =	vadd.f32 v2, v0;
	_ =	sdelay $0x1  }
0x134: {  	[tilespmem:s20+$0x18EE0] =	vst v0  }
0x135: {  	v1 =	vld [tilespmem:s19+$0xFFFFFE30]  }
0x136: {  	v2 =	vld [tilespmem:s19+$0xFFFFFEB0]  }
0x137: {  	v3 =	vld [tilespmem:s19+$0xFFFFFF30]  }
0x138: {  	v4 =	vld [tilespmem:s19+$0xFFFFFFB0]  }
0x139: {  	v5 =	vld [tilespmem:s19+$0x30]  }
0x13a: {  	v0 =	vld [tilespmem:s19+$0xB0]  }
0x13b: {  	v6 =	vadd.f32 v2, v1;
	v1 =	vld [tilespmem:s19+$0x130]  }
0x13c: {  	v2 =	vld [tilespmem:s19+$0x1B0]  }
.Ltmp5:
0x13d: {  	v6 =	vadd.f32 v3, v6;
	v3 =	vld [tilespmem:s19+$0x230];
	(pc) =	sbr.rel @p1 .LBB2_4-.Ltmp5, $3  }
0x13e: {  	_ = 	snop  }
0x13f: {  	v4 =	vadd.f32 v4, v6;
	_ =	sdelay $0x1  }
0x140: {  	v4 =	vadd.f32 v5, v4  }
0x141: {  	_ = 	snop  }
0x142: {  	v0 =	vadd.f32 v0, v4;
	_ =	sdelay $0x1  }
0x143: {  	v0 =	vadd.f32 v1, v0;
	_ =	sdelay $0x1  }
0x144: {  	v0 =	vadd.f32 v2, v0  }
0x145: {  	s19 =	sshll.u32 s18, $0xC  }
0x146: {  	s19 =	sadd.s32 s7, s19;
	v0 =	vadd.f32 v3, v0  }
0x147: {  	s19 =	sshrl.u32 s19, $0x3  }
0x148: {  	s19 =	sadd.s32 s2, s19;
	[tilespmem:s20+$0x18EF0] =	vst v0  }
0x149: {  	[hbm4b:s19+s3] =	stream.linear.scatter [tilespmem:s13], [sflag:$0x4], $0x1000, $0x38;
	[tilespmem:$0x19E80] =	vst v63  }
0x14a: {  	_ =	swait.ge [sflag:s14], $0x1000  }
0x14b: {  	[sflag:s14] =	ssyncset.done $0x0  }
0x14c: {  	[sflag:s14] =	ssyncadd.s32 $0xFFFFF000  }
.LBB2_6:
.Ltmp6:
0x14d: {  	(pc) =	sbr.rel @!p0 .LBB2_10-.Ltmp6, $1  }
0x14e: {  	_ =	sdelay $0x3  }
0x14f: {  	_ =	swait.ge [sflag:s15], $0x9000  }
0x150: {  	[sflag:s15] =	ssyncset.done $0x0  }
0x151: {  	s19 =	simm.s32 $0x100C0;
	[sflag:s15] =	ssyncadd.s32 $0xFFFF7000  }
0x152: {  	v0 =	vld [tilespmem:s19+$0xFFFFFE40]  }
0x153: {  	v1 =	vld [tilespmem:s19+$0xFFFFFDC0];
	_ =	sdelay $0x1  }
0x154: {  	v2 =	vld [tilespmem:s19+$0xFFFFFEC0];
	_ =	sdelay $0x1  }
0x155: {  	v3 =	vld [tilespmem:s19+$0xFFFFFF40]  }
0x156: {  	v0 =	vadd.f32 v0, v1  }
0x157: {  	v1 =	vld [tilespmem:s19+$0xFFFFFFC0]  }
0x158: {  	v0 =	vadd.f32 v2, v0  }
0x159: {  	v2 =	vld [tilespmem:s19+$0x40]  }
0x15a: {  	v0 =	vadd.f32 v3, v0  }
0x15b: {  	v3 =	vld [tilespmem:s19+$0xC0]  }
0x15c: {  	v0 =	vadd.f32 v1, v0  }
0x15d: {  	v1 =	vld [tilespmem:s19+$0x140]  }
0x15e: {  	v0 =	vadd.f32 v2, v0  }
0x15f: {  	v2 =	vld [tilespmem:s19+$0x1C0]  }
0x160: {  	v0 =	vadd.f32 v3, v0;
	_ =	sdelay $0x1  }
0x161: {  	v0 =	vadd.f32 v1, v0;
	_ =	sdelay $0x1  }
0x162: {  	v0 =	vadd.f32 v2, v0  }
0x163: {  	s20 =	simm.s32 $0x0  }
0x164: {  	[tilespmem:s20+$0x18E80] =	vst v0  }
0x165: {  	v0 =	vld [tilespmem:s19+$0xFFFFFDD0]  }
0x166: {  	v1 =	vld [tilespmem:s19+$0xFFFFFE50];
	_ =	sdelay $0x1  }
0x167: {  	v2 =	vld [tilespmem:s19+$0xFFFFFED0];
	_ =	sdelay $0x1  }
0x168: {  	v3 =	vld [tilespmem:s19+$0xFFFFFF50]  }
0x169: {  	v0 =	vadd.f32 v1, v0  }
0x16a: {  	v1 =	vld [tilespmem:s19+$0xFFFFFFD0]  }
0x16b: {  	v0 =	vadd.f32 v2, v0  }
0x16c: {  	v2 =	vld [tilespmem:s19+$0x50]  }
0x16d: {  	v0 =	vadd.f32 v3, v0  }
0x16e: {  	v3 =	vld [tilespmem:s19+$0xD0]  }
0x16f: {  	v0 =	vadd.f32 v1, v0  }
0x170: {  	v1 =	vld [tilespmem:s19+$0x150]  }
0x171: {  	v0 =	vadd.f32 v2, v0  }
0x172: {  	v2 =	vld [tilespmem:s19+$0x1D0]  }
0x173: {  	v0 =	vadd.f32 v3, v0;
	_ =	sdelay $0x1  }
0x174: {  	v0 =	vadd.f32 v1, v0;
	_ =	sdelay $0x1  }
0x175: {  	v0 =	vadd.f32 v2, v0;
	_ =	sdelay $0x1  }
0x176: {  	[tilespmem:s20+$0x18E90] =	vst v0  }
0x177: {  	v0 =	vld [tilespmem:s19+$0xFFFFFDE0]  }
0x178: {  	v1 =	vld [tilespmem:s19+$0xFFFFFE60];
	_ =	sdelay $0x1  }
0x179: {  	v2 =	vld [tilespmem:s19+$0xFFFFFEE0];
	_ =	sdelay $0x1  }
0x17a: {  	v3 =	vld [tilespmem:s19+$0xFFFFFF60]  }
0x17b: {  	v0 =	vadd.f32 v1, v0  }
0x17c: {  	v1 =	vld [tilespmem:s19+$0xFFFFFFE0]  }
0x17d: {  	v0 =	vadd.f32 v2, v0  }
0x17e: {  	v2 =	vld [tilespmem:s19+$0x60]  }
0x17f: {  	v0 =	vadd.f32 v3, v0  }
0x180: {  	v3 =	vld [tilespmem:s19+$0xE0]  }
0x181: {  	v0 =	vadd.f32 v1, v0  }
0x182: {  	v1 =	vld [tilespmem:s19+$0x160]  }
0x183: {  	v0 =	vadd.f32 v2, v0  }
0x184: {  	v2 =	vld [tilespmem:s19+$0x1E0]  }
0x185: {  	v0 =	vadd.f32 v3, v0;
	_ =	sdelay $0x1  }
0x186: {  	v0 =	vadd.f32 v1, v0;
	_ =	sdelay $0x1  }
0x187: {  	v0 =	vadd.f32 v2, v0;
	_ =	sdelay $0x1  }
0x188: {  	[tilespmem:s20+$0x18EA0] =	vst v0  }
0x189: {  	v0 =	vld [tilespmem:s19+$0xFFFFFDF0]  }
0x18a: {  	v1 =	vld [tilespmem:s19+$0xFFFFFE70];
	_ =	sdelay $0x1  }
0x18b: {  	v2 =	vld [tilespmem:s19+$0xFFFFFEF0];
	_ =	sdelay $0x1  }
0x18c: {  	v3 =	vld [tilespmem:s19+$0xFFFFFF70]  }
0x18d: {  	v0 =	vadd.f32 v1, v0  }
0x18e: {  	v1 =	vld [tilespmem:s19+$0xFFFFFFF0]  }
0x18f: {  	v0 =	vadd.f32 v2, v0  }
0x190: {  	v2 =	vld [tilespmem:s19+$0x70]  }
0x191: {  	v0 =	vadd.f32 v3, v0  }
0x192: {  	v3 =	vld [tilespmem:s19+$0xF0]  }
0x193: {  	v0 =	vadd.f32 v1, v0  }
0x194: {  	v1 =	vld [tilespmem:s19+$0x170]  }
0x195: {  	v0 =	vadd.f32 v2, v0  }
0x196: {  	v2 =	vld [tilespmem:s19+$0x1F0]  }
0x197: {  	v0 =	vadd.f32 v3, v0;
	_ =	sdelay $0x1  }
0x198: {  	v0 =	vadd.f32 v1, v0;
	_ =	sdelay $0x1  }
0x199: {  	v0 =	vadd.f32 v2, v0;
	_ =	sdelay $0x1  }
0x19a: {  	[tilespmem:s20+$0x18EB0] =	vst v0  }
0x19b: {  	v0 =	vld [tilespmem:s19+$0xFFFFFE00]  }
0x19c: {  	v1 =	vld [tilespmem:s19+$0xFFFFFE80];
	_ =	sdelay $0x1  }
0x19d: {  	v2 =	vld [tilespmem:s19+$0xFFFFFF00];
	_ =	sdelay $0x1  }
0x19e: {  	v3 =	vld [tilespmem:s19+$0xFFFFFF80]  }
0x19f: {  	v0 =	vadd.f32 v1, v0  }
0x1a0: {  	v1 =	vld [tilespmem:s19+$0x0]  }
0x1a1: {  	v0 =	vadd.f32 v2, v0  }
0x1a2: {  	v2 =	vld [tilespmem:s19+$0x80]  }
0x1a3: {  	v0 =	vadd.f32 v3, v0  }
0x1a4: {  	v3 =	vld [tilespmem:s19+$0x100]  }
0x1a5: {  	v0 =	vadd.f32 v1, v0  }
0x1a6: {  	v1 =	vld [tilespmem:s19+$0x180]  }
0x1a7: {  	v0 =	vadd.f32 v2, v0  }
0x1a8: {  	v2 =	vld [tilespmem:s19+$0x200]  }
0x1a9: {  	v0 =	vadd.f32 v3, v0;
	_ =	sdelay $0x1  }
0x1aa: {  	v0 =	vadd.f32 v1, v0;
	_ =	sdelay $0x1  }
0x1ab: {  	v0 =	vadd.f32 v2, v0;
	_ =	sdelay $0x1  }
0x1ac: {  	[tilespmem:s20+$0x18EC0] =	vst v0  }
0x1ad: {  	v0 =	vld [tilespmem:s19+$0xFFFFFE10]  }
0x1ae: {  	v1 =	vld [tilespmem:s19+$0xFFFFFE90];
	_ =	sdelay $0x1  }
0x1af: {  	v2 =	vld [tilespmem:s19+$0xFFFFFF10];
	_ =	sdelay $0x1  }
0x1b0: {  	v3 =	vld [tilespmem:s19+$0xFFFFFF90]  }
0x1b1: {  	v0 =	vadd.f32 v1, v0  }
0x1b2: {  	v1 =	vld [tilespmem:s19+$0x10]  }
0x1b3: {  	v0 =	vadd.f32 v2, v0  }
0x1b4: {  	v2 =	vld [tilespmem:s19+$0x90]  }
0x1b5: {  	v0 =	vadd.f32 v3, v0  }
0x1b6: {  	v3 =	vld [tilespmem:s19+$0x110]  }
0x1b7: {  	v0 =	vadd.f32 v1, v0  }
0x1b8: {  	v1 =	vld [tilespmem:s19+$0x190]  }
0x1b9: {  	v0 =	vadd.f32 v2, v0  }
0x1ba: {  	v2 =	vld [tilespmem:s19+$0x210]  }
0x1bb: {  	v0 =	vadd.f32 v3, v0;
	_ =	sdelay $0x1  }
0x1bc: {  	v0 =	vadd.f32 v1, v0;
	_ =	sdelay $0x1  }
0x1bd: {  	v0 =	vadd.f32 v2, v0;
	_ =	sdelay $0x1  }
0x1be: {  	[tilespmem:s20+$0x18ED0] =	vst v0  }
0x1bf: {  	v0 =	vld [tilespmem:s19+$0xFFFFFE20]  }
0x1c0: {  	v1 =	vld [tilespmem:s19+$0xFFFFFEA0];
	_ =	sdelay $0x1  }
0x1c1: {  	v2 =	vld [tilespmem:s19+$0xFFFFFF20];
	_ =	sdelay $0x1  }
0x1c2: {  	v3 =	vld [tilespmem:s19+$0xFFFFFFA0]  }
0x1c3: {  	v0 =	vadd.f32 v1, v0  }
0x1c4: {  	v1 =	vld [tilespmem:s19+$0x20]  }
0x1c5: {  	v0 =	vadd.f32 v2, v0  }
0x1c6: {  	v2 =	vld [tilespmem:s19+$0xA0]  }
0x1c7: {  	v0 =	vadd.f32 v3, v0  }
0x1c8: {  	v3 =	vld [tilespmem:s19+$0x120]  }
0x1c9: {  	v0 =	vadd.f32 v1, v0  }
0x1ca: {  	v1 =	vld [tilespmem:s19+$0x1A0]  }
0x1cb: {  	v0 =	vadd.f32 v2, v0  }
0x1cc: {  	v2 =	vld [tilespmem:s19+$0x220]  }
0x1cd: {  	v0 =	vadd.f32 v3, v0;
	_ =	sdelay $0x1  }
0x1ce: {  	v0 =	vadd.f32 v1, v0;
	_ =	sdelay $0x1  }
0x1cf: {  	v0 =	vadd.f32 v2, v0;
	_ =	sdelay $0x1  }
0x1d0: {  	[tilespmem:s20+$0x18EE0] =	vst v0  }
0x1d1: {  	v0 =	vld [tilespmem:s19+$0xFFFFFE30]  }
0x1d2: {  	v1 =	vld [tilespmem:s19+$0xFFFFFEB0];
	_ =	sdelay $0x1  }
0x1d3: {  	v2 =	vld [tilespmem:s19+$0xFFFFFF30];
	_ =	sdelay $0x1  }
0x1d4: {  	v3 =	vld [tilespmem:s19+$0xFFFFFFB0]  }
0x1d5: {  	v0 =	vadd.f32 v1, v0  }
0x1d6: {  	v4 =	vld [tilespmem:s19+$0x30]  }
0x1d7: {  	v2 =	vadd.f32 v2, v0  }
0x1d8: {  	v1 =	vld [tilespmem:s19+$0x130]  }
0x1d9: {  	v0 =	vld [tilespmem:s19+$0xB0];
	v5 =	vadd.f32 v3, v2  }
0x1da: {  	v2 =	vld [tilespmem:s19+$0x1B0]  }
0x1db: {  	s21 =	simm.s32 $0x200;
	v3 =	vld [tilespmem:s19+$0x230];
	v4 =	vadd.f32 v4, v5  }
.LBB2_8:
0x1dc: {  	p0 =	sne.s32 s21, $0x3E00  }
0x1dd: {  	s19 =	sadd.s32 $0x480, s19;
	s22 =	smov.u32 s21;
	s21 =	sadd.s32 $0x200, s21  }
0x1de: {  	v0 =	vadd.f32 v0, v4;
	_ =	sdelay $0x1  }
0x1df: {  	v0 =	vadd.f32 v1, v0;
	_ =	sdelay $0x1  }
0x1e0: {  	v0 =	vadd.f32 v2, v0;
	_ =	sdelay $0x1  }
0x1e1: {  	v0 =	vadd.f32 v3, v0;
	_ =	sdelay $0x1  }
0x1e2: {  	[tilespmem:s20+$0x18EF0] =	vst v0  }
0x1e3: {  	v0 =	vld [tilespmem:s19+$0xFFFFFE40]  }
0x1e4: {  	v1 =	vld [tilespmem:s19+$0xFFFFFDC0];
	_ =	sdelay $0x1  }
0x1e5: {  	v2 =	vld [tilespmem:s19+$0xFFFFFEC0]  }
0x1e6: {  	v3 =	vld [tilespmem:s19+$0xFFFFFF40];
	_ =	sdelay $0x1  }
0x1e7: {  	v0 =	vadd.f32 v0, v1;
	v1 =	vld [tilespmem:s19+$0xFFFFFFC0];
	_ =	sdelay $0x1  }
0x1e8: {  	v0 =	vadd.f32 v2, v0  }
0x1e9: {  	v2 =	vld [tilespmem:s19+$0x40]  }
0x1ea: {  	v0 =	vadd.f32 v3, v0  }
0x1eb: {  	v3 =	vld [tilespmem:s19+$0xC0]  }
0x1ec: {  	v0 =	vadd.f32 v1, v0  }
0x1ed: {  	v1 =	vld [tilespmem:s19+$0x140]  }
0x1ee: {  	v0 =	vadd.f32 v2, v0  }
0x1ef: {  	v2 =	vld [tilespmem:s19+$0x1C0]  }
0x1f0: {  	v0 =	vadd.f32 v3, v0;
	_ =	sdelay $0x1  }
0x1f1: {  	v0 =	vadd.f32 v1, v0;
	_ =	sdelay $0x1  }
0x1f2: {  	v0 =	vadd.f32 v2, v0  }
0x1f3: {  	s20 =	sshra.s32 s22, $0x2  }
0x1f4: {  	[tilespmem:s20+$0x18E80] =	vst v0  }
0x1f5: {  	v0 =	vld [tilespmem:s19+$0xFFFFFDD0]  }
0x1f6: {  	v1 =	vld [tilespmem:s19+$0xFFFFFE50];
	_ =	sdelay $0x1  }
0x1f7: {  	v2 =	vld [tilespmem:s19+$0xFFFFFED0];
	_ =	sdelay $0x1  }
0x1f8: {  	v3 =	vld [tilespmem:s19+$0xFFFFFF50]  }
0x1f9: {  	v0 =	vadd.f32 v1, v0  }
0x1fa: {  	v1 =	vld [tilespmem:s19+$0xFFFFFFD0]  }
0x1fb: {  	v0 =	vadd.f32 v2, v0  }
0x1fc: {  	v2 =	vld [tilespmem:s19+$0x50]  }
0x1fd: {  	v0 =	vadd.f32 v3, v0  }
0x1fe: {  	v3 =	vld [tilespmem:s19+$0xD0]  }
0x1ff: {  	v0 =	vadd.f32 v1, v0  }
0x200: {  	v1 =	vld [tilespmem:s19+$0x150]  }
0x201: {  	v0 =	vadd.f32 v2, v0  }
0x202: {  	v2 =	vld [tilespmem:s19+$0x1D0]  }
0x203: {  	v0 =	vadd.f32 v3, v0;
	_ =	sdelay $0x1  }
0x204: {  	v0 =	vadd.f32 v1, v0;
	_ =	sdelay $0x1  }
0x205: {  	v0 =	vadd.f32 v2, v0;
	_ =	sdelay $0x1  }
0x206: {  	[tilespmem:s20+$0x18E90] =	vst v0  }
0x207: {  	v0 =	vld [tilespmem:s19+$0xFFFFFDE0]  }
0x208: {  	v1 =	vld [tilespmem:s19+$0xFFFFFE60];
	_ =	sdelay $0x1  }
0x209: {  	v2 =	vld [tilespmem:s19+$0xFFFFFEE0];
	_ =	sdelay $0x1  }
0x20a: {  	v3 =	vld [tilespmem:s19+$0xFFFFFF60]  }
0x20b: {  	v0 =	vadd.f32 v1, v0  }
0x20c: {  	v1 =	vld [tilespmem:s19+$0xFFFFFFE0]  }
0x20d: {  	v0 =	vadd.f32 v2, v0  }
0x20e: {  	v2 =	vld [tilespmem:s19+$0x60]  }
0x20f: {  	v0 =	vadd.f32 v3, v0  }
0x210: {  	v3 =	vld [tilespmem:s19+$0xE0]  }
0x211: {  	v0 =	vadd.f32 v1, v0  }
0x212: {  	v1 =	vld [tilespmem:s19+$0x160]  }
0x213: {  	v0 =	vadd.f32 v2, v0  }
0x214: {  	v2 =	vld [tilespmem:s19+$0x1E0]  }
0x215: {  	v0 =	vadd.f32 v3, v0;
	_ =	sdelay $0x1  }
0x216: {  	v0 =	vadd.f32 v1, v0;
	_ =	sdelay $0x1  }
0x217: {  	v0 =	vadd.f32 v2, v0;
	_ =	sdelay $0x1  }
0x218: {  	[tilespmem:s20+$0x18EA0] =	vst v0  }
0x219: {  	v0 =	vld [tilespmem:s19+$0xFFFFFDF0]  }
0x21a: {  	v1 =	vld [tilespmem:s19+$0xFFFFFE70]  }
0x21b: {  	v2 =	vld [tilespmem:s19+$0xFFFFFEF0];
	_ =	sdelay $0x2  }
0x21c: {  	v3 =	vld [tilespmem:s19+$0xFFFFFF70]  }
0x21d: {  	v0 =	vadd.f32 v1, v0  }
0x21e: {  	v1 =	vld [tilespmem:s19+$0xFFFFFFF0]  }
0x21f: {  	v0 =	vadd.f32 v2, v0  }
0x220: {  	v2 =	vld [tilespmem:s19+$0x70]  }
0x221: {  	v0 =	vadd.f32 v3, v0  }
0x222: {  	v3 =	vld [tilespmem:s19+$0xF0]  }
0x223: {  	v0 =	vadd.f32 v1, v0  }
0x224: {  	v1 =	vld [tilespmem:s19+$0x170]  }
0x225: {  	v0 =	vadd.f32 v2, v0  }
0x226: {  	v2 =	vld [tilespmem:s19+$0x1F0]  }
0x227: {  	v0 =	vadd.f32 v3, v0;
	_ =	sdelay $0x1  }
0x228: {  	v0 =	vadd.f32 v1, v0;
	_ =	sdelay $0x1  }
0x229: {  	v0 =	vadd.f32 v2, v0;
	_ =	sdelay $0x1  }
0x22a: {  	[tilespmem:s20+$0x18EB0] =	vst v0  }
0x22b: {  	v0 =	vld [tilespmem:s19+$0xFFFFFE00]  }
0x22c: {  	v1 =	vld [tilespmem:s19+$0xFFFFFE80]  }
0x22d: {  	v2 =	vld [tilespmem:s19+$0xFFFFFF00];
	_ =	sdelay $0x2  }
0x22e: {  	v3 =	vld [tilespmem:s19+$0xFFFFFF80]  }
0x22f: {  	v0 =	vadd.f32 v1, v0  }
0x230: {  	v1 =	vld [tilespmem:s19+$0x0]  }
0x231: {  	v0 =	vadd.f32 v2, v0  }
0x232: {  	v2 =	vld [tilespmem:s19+$0x80]  }
0x233: {  	v0 =	vadd.f32 v3, v0  }
0x234: {  	v3 =	vld [tilespmem:s19+$0x100]  }
0x235: {  	v0 =	vadd.f32 v1, v0  }
0x236: {  	v1 =	vld [tilespmem:s19+$0x180]  }
0x237: {  	v0 =	vadd.f32 v2, v0  }
0x238: {  	v2 =	vld [tilespmem:s19+$0x200]  }
0x239: {  	v0 =	vadd.f32 v3, v0;
	_ =	sdelay $0x1  }
0x23a: {  	v0 =	vadd.f32 v1, v0;
	_ =	sdelay $0x1  }
0x23b: {  	v0 =	vadd.f32 v2, v0;
	_ =	sdelay $0x1  }
0x23c: {  	[tilespmem:s20+$0x18EC0] =	vst v0  }
0x23d: {  	v0 =	vld [tilespmem:s19+$0xFFFFFE10]  }
0x23e: {  	v1 =	vld [tilespmem:s19+$0xFFFFFE90]  }
0x23f: {  	v2 =	vld [tilespmem:s19+$0xFFFFFF10]  }
0x240: {  	v3 =	vld [tilespmem:s19+$0xFFFFFF90]  }
0x241: {  	v4 =	vld [tilespmem:s19+$0x10]  }
0x242: {  	v5 =	vld [tilespmem:s19+$0x90]  }
0x243: {  	v0 =	vadd.f32 v1, v0;
	v1 =	vld [tilespmem:s19+$0x110]  }
0x244: {  	v6 =	vld [tilespmem:s19+$0x190]  }
0x245: {  	v0 =	vadd.f32 v2, v0;
	v2 =	vld [tilespmem:s19+$0x210];
	_ =	sdelay $0x1  }
0x246: {  	v0 =	vadd.f32 v3, v0;
	_ =	sdelay $0x1  }
0x247: {  	v0 =	vadd.f32 v4, v0;
	_ =	sdelay $0x1  }
0x248: {  	v0 =	vadd.f32 v5, v0;
	_ =	sdelay $0x1  }
0x249: {  	v0 =	vadd.f32 v1, v0;
	_ =	sdelay $0x1  }
0x24a: {  	v0 =	vadd.f32 v6, v0;
	_ =	sdelay $0x1  }
0x24b: {  	v0 =	vadd.f32 v2, v0;
	_ =	sdelay $0x1  }
0x24c: {  	[tilespmem:s20+$0x18ED0] =	vst v0  }
0x24d: {  	v0 =	vld [tilespmem:s19+$0xFFFFFE20]  }
0x24e: {  	v1 =	vld [tilespmem:s19+$0xFFFFFEA0]  }
0x24f: {  	v2 =	vld [tilespmem:s19+$0xFFFFFF20]  }
0x250: {  	v3 =	vld [tilespmem:s19+$0xFFFFFFA0]  }
0x251: {  	v4 =	vld [tilespmem:s19+$0x20]  }
0x252: {  	v5 =	vld [tilespmem:s19+$0xA0]  }
0x253: {  	v0 =	vadd.f32 v1, v0;
	v1 =	vld [tilespmem:s19+$0x120]  }
0x254: {  	v6 =	vld [tilespmem:s19+$0x1A0]  }
0x255: {  	v0 =	vadd.f32 v2, v0;
	v2 =	vld [tilespmem:s19+$0x220];
	_ =	sdelay $0x1  }
0x256: {  	v0 =	vadd.f32 v3, v0;
	_ =	sdelay $0x1  }
0x257: {  	v0 =	vadd.f32 v4, v0;
	_ =	sdelay $0x1  }
0x258: {  	v0 =	vadd.f32 v5, v0;
	_ =	sdelay $0x1  }
0x259: {  	v0 =	vadd.f32 v1, v0;
	_ =	sdelay $0x1  }
0x25a: {  	v0 =	vadd.f32 v6, v0;
	_ =	sdelay $0x1  }
0x25b: {  	v0 =	vadd.f32 v2, v0;
	_ =	sdelay $0x1  }
0x25c: {  	[tilespmem:s20+$0x18EE0] =	vst v0  }
0x25d: {  	v1 =	vld [tilespmem:s19+$0xFFFFFE30]  }
0x25e: {  	v2 =	vld [tilespmem:s19+$0xFFFFFEB0]  }
0x25f: {  	v3 =	vld [tilespmem:s19+$0xFFFFFF30]  }
0x260: {  	v4 =	vld [tilespmem:s19+$0xFFFFFFB0]  }
0x261: {  	v5 =	vld [tilespmem:s19+$0x30]  }
0x262: {  	v0 =	vld [tilespmem:s19+$0xB0]  }
0x263: {  	v6 =	vadd.f32 v2, v1;
	v1 =	vld [tilespmem:s19+$0x130]  }
0x264: {  	v2 =	vld [tilespmem:s19+$0x1B0]  }
.Ltmp7:
0x265: {  	v6 =	vadd.f32 v3, v6;
	v3 =	vld [tilespmem:s19+$0x230];
	(pc) =	sbr.rel @p0 .LBB2_8-.Ltmp7, $3  }
0x266: {  	_ = 	snop  }
0x267: {  	v4 =	vadd.f32 v4, v6;
	_ =	sdelay $0x1  }
0x268: {  	v4 =	vadd.f32 v5, v4  }
0x269: {  	_ = 	snop  }
0x26a: {  	v0 =	vadd.f32 v0, v4;
	_ =	sdelay $0x1  }
0x26b: {  	v0 =	vadd.f32 v1, v0;
	_ =	sdelay $0x1  }
0x26c: {  	v0 =	vadd.f32 v2, v0  }
0x26d: {  	s18 =	sshll.u32 s18, $0xC  }
0x26e: {  	s18 =	sadd.s32 s7, s18;
	v0 =	vadd.f32 v3, v0  }
0x26f: {  	s18 =	sshrl.u32 s18, $0x3  }
.Ltmp8:
0x270: {  	s18 =	sadd.s32 s2, s18;
	[tilespmem:s20+$0x18EF0] =	vst v0;
	(pc) =	sbr.rel .LBB2_10-.Ltmp8, $4  }
0x271: {  	[hbm4b:s18+s3] =	stream.linear.scatter [tilespmem:s13], [sflag:$0x3], $0x1000, $0x38;
	[tilespmem:$0x19E80] =	vst v63  }
0x272: {  	_ =	swait.ge [sflag:s9], $0x1000  }
0x273: {  	[sflag:s9] =	ssyncset.done $0x0  }
0x274: {  	[sflag:s9] =	ssyncadd.s32 $0xFFFFF000  }
.LBB2_12:
0x275: {  	_ =	sfence.sel $0x180000  }
0x276: {  	[bflag:$0x0] =	sbarrier.arrive $0xFFFF  }
0x277: {  	p0 =	sne.s32 s0, $0x0;
	_ =	strace $0x90000047  }
0x278: {  	s0 =	sadd.s32 @!p0 $0x100000, s1;
	[bflag:$0x2] =	sbarrier.arrive $0xFFFF  }
0x279: {  	[sflag:s0] =	ssyncadd.tile.s32 @!p0 $0x1;
	_ =	shalt  }
.Lfunc_end2:
_tile_overlayer_lowered:
.L_overlay_start_2:
0x27a: {  	(tag) =	ssettag $0x2  }
0x27b: {  	s0 =	rddreg [dreg:$0x0];
	s2 =	stileid.u32  }
0x27c: {  	s1 =	rddreg [dreg:$0x1];
	p0 =	sne.s32 s2, $0x0  }
0x27d: {  	s3 =	rddreg [dreg:$0x2];
	[bflag:$0x3] =	sbarrier.arrive $0xFFFF;
	s2 =	simm.s32 @!p0 $0x1C03  }
0x27e: {  	[timem:s3], [sflag:s2] =	dma.local @!p0 [hbm:s0], s1  }
0x27f: {  	s0 =	simm.s32 @!p0 $0x3  }
0x280: {  	_ =	swait.ge @!p0 [sflag:s0], s1  }
0x281: {  	s1 =	ssub.s32 @!p0 $0x0, s1;
	[sflag:s0] =	ssyncset.done @!p0 $0x0  }
0x282: {  	[sflag:s0] =	ssyncadd.s32 @!p0 s1  }
0x283: {  	[bflag:$0x3] =	sbarrier.arrive $0xFFFF  }
0x284: {  	_ =	shalt  }

</sc_bundles>
